<compile_context>
chip_gen: v7x
topology: tpu7x:2x2x1
jax: 0.10.2.dev20260603
libtpu: 0.0.44.dev20260713+nightly
codegen_flags: <defaults>
</compile_context>

<pallas_src>
import functools

import jax
import jax.numpy as jnp
from jax import lax
from jax.experimental import pallas as pl
from jax.experimental.pallas import tpu as pltpu
from jax.experimental.pallas import tpu_sc as plsc

NC = 2
NS = 16
NW = NC * NS
LANES = 16

B = 16384
K = 128
B_PER_W = B // NW
CHUNK = 128
N_CHUNKS = B_PER_W // CHUNK


def _make_kernel():
  mesh = plsc.VectorSubcoreMesh(
      core_axis_name="c", subcore_axis_name="s",
      num_cores=NC, num_subcores=NS)

  @functools.partial(
      pl.kernel,
      out_type=jax.ShapeDtypeStruct((B,), jnp.float32),
      mesh=mesh,
      compiler_params=pltpu.CompilerParams(needs_layout_passes=False),
      scratch_types=[
          pltpu.VMEM((N_CHUNKS, CHUNK), jnp.int32),
          pltpu.VMEM((N_CHUNKS, CHUNK), jnp.int32),
          pltpu.VMEM((CHUNK, K), jnp.float32),
          pltpu.VMEM((CHUNK, K), jnp.float32),
          pltpu.VMEM((CHUNK, K), jnp.float32),
          pltpu.VMEM((CHUNK, K), jnp.float32),
          pltpu.VMEM((CHUNK, K), jnp.float32),
          pltpu.VMEM((CHUNK, K), jnp.float32),
          pltpu.VMEM((B_PER_W,), jnp.float32),
          pltpu.SemaphoreType.DMA,
          pltpu.SemaphoreType.DMA,
          pltpu.SemaphoreType.DMA,
      ],
  )
  def cf_kernel(uidx_hbm, iidx_hbm, utab_hbm, itab_hbm, out_hbm,
                uidx_v, iidx_v, urows0, irows0, urows1, irows1,
                urows2, irows2, out_v, sem0, sem1, sem2):
    wid = lax.axis_index("s") * NC + lax.axis_index("c")
    base = wid * B_PER_W

    cu0 = pltpu.async_copy(uidx_hbm.at[wid], uidx_v, sem0)
    ci0 = pltpu.async_copy(iidx_hbm.at[wid], iidx_v, sem1)
    cu0.wait()
    ci0.wait()

    lane_iota = lax.iota(jnp.int32, LANES)
    bufs = ((urows0, irows0, sem0), (urows1, irows1, sem1),
            (urows2, irows2, sem2))
    NBUF = len(bufs)

    def issue(c):
      urows, irows, sem = bufs[c % NBUF]
      cu = pltpu.async_copy(utab_hbm.at[uidx_v.at[c]], urows, sem)
      ci = pltpu.async_copy(itab_hbm.at[iidx_v.at[c]], irows, sem)
      return cu, ci

    pending = [issue(c) for c in range(NBUF - 1)]
    for c in range(N_CHUNKS):
      cu, ci = pending.pop(0)
      cu.wait()
      ci.wait()
      urows, irows, _ = bufs[c % NBUF]
      if c + NBUF - 1 < N_CHUNKS:
        pending.append(issue(c + NBUF - 1))

      def row_body(r, acc16, c=c, urows=urows, irows=irows):
        part = urows[r, pl.ds(0, LANES)] * irows[r, pl.ds(0, LANES)]
        for j in range(1, K // LANES):
          part = part + (urows[r, pl.ds(j * LANES, LANES)]
                         * irows[r, pl.ds(j * LANES, LANES)])
        s = jnp.sum(part)
        acc16 = jnp.where(lane_iota == (r & (LANES - 1)), s, acc16)

        @pl.when((r & (LANES - 1)) == LANES - 1)
        def _():
          out_v[pl.ds(c * CHUNK + r - (LANES - 1), LANES)] = acc16

        return acc16

      lax.fori_loop(0, CHUNK, row_body,
                    jnp.zeros((LANES,), jnp.float32), unroll=4)

    pltpu.sync_copy(out_v, out_hbm.at[pl.ds(base, B_PER_W)])

  return cf_kernel


_cf_kernel = _make_kernel()


@jax.jit
def kernel(user_input, item_input, user_table, item_table):
  uidx = user_input.astype(jnp.int32).reshape(NW, N_CHUNKS, CHUNK)
  iidx = item_input.astype(jnp.int32).reshape(NW, N_CHUNKS, CHUNK)
  out = _cf_kernel(uidx, iidx, user_table, item_table)
  return out.reshape(B, 1)

# --- scband reference (transcript-rebuilt; emitter-appended) ---
"""Pipeline reference for scband-cfmodel-86397562126804 (READ-ONLY COPY).

The authoritative reference and input builder live on the scoring server;
editing this copy changes nothing except your own understanding.
"""

import jax, jax.numpy as jnp
import numpy as np

N_USERS = 100000
M_ITEMS = 100000
K_FACTORS = 128
BATCH = 16384

def setup_inputs(seed: int = 0) -> dict:
    key = jax.random.key(seed)
    k1, k2, k3, k4 = jax.random.split(key, 4)
    user_input = jax.random.randint(k1, (BATCH, 1), 0, N_USERS, dtype=jnp.int64 if jax.config.jax_enable_x64 else jnp.int32)
    item_input = jax.random.randint(k2, (BATCH, 1), 0, M_ITEMS, dtype=jnp.int64 if jax.config.jax_enable_x64 else jnp.int32)
    user_table = jax.random.normal(k3, (N_USERS, K_FACTORS), dtype=jnp.float32) * 0.05
    item_table = jax.random.normal(k4, (M_ITEMS, K_FACTORS), dtype=jnp.float32) * 0.05
    return {"user_input": user_input, "item_input": item_input, "user_table": user_table, "item_table": item_table}

def reference(user_input, item_input, user_table, item_table):
    # Embedding(n_users, k, input_length=1): [B,1] -> [B,1,K]
    user_embedded = jnp.take(user_table, user_input, axis=0)  # [B,1,K]
    item_embedded = jnp.take(item_table, item_input, axis=0)  # [B,1,K]
    # Reshape((k_factors,)): [B,1,K] -> [B,K]
    user_vec = user_embedded.reshape(-1, K_FACTORS)
    item_vec = item_embedded.reshape(-1, K_FACTORS)
    # Dot(axes=1): batched inner product -> [B,1]
    out = jnp.sum(user_vec * item_vec, axis=1, keepdims=True)
    return out

if __name__ == "__main__":
    import jax
    _d = setup_inputs()
    print(jax.jit(kernel)(*tuple(_d.values())))

</pallas_src>

<mosaic_0001>
#map = affine_map<(d0, d1) -> (0, 0, 0)>
#map1 = affine_map<(d0, d1) -> (0, 0)>
#map2 = affine_map<(d0, d1) -> (0)>
module attributes {stable_mosaic.version = 14 : i64} {
  func.func @cf_kernel(%arg0: i32, %arg1: i32, %arg2: memref<32x4x128xi32, #tpu.memory_space<hbm>>, %arg3: memref<32x4x128xi32, #tpu.memory_space<hbm>>, %arg4: memref<100000x128xf32, #tpu.memory_space<hbm>>, %arg5: memref<100000x128xf32, #tpu.memory_space<hbm>>, %arg6: memref<16384xf32, #tpu.memory_space<hbm>>, %arg7: memref<4x128xi32, #tpu.memory_space<vmem>>, %arg8: memref<4x128xi32, #tpu.memory_space<vmem>>, %arg9: memref<128x128xf32, #tpu.memory_space<vmem>>, %arg10: memref<128x128xf32, #tpu.memory_space<vmem>>, %arg11: memref<128x128xf32, #tpu.memory_space<vmem>>, %arg12: memref<128x128xf32, #tpu.memory_space<vmem>>, %arg13: memref<128x128xf32, #tpu.memory_space<vmem>>, %arg14: memref<128x128xf32, #tpu.memory_space<vmem>>, %arg15: memref<512xf32, #tpu.memory_space<vmem>>, %arg16: memref<!tpu.dma_semaphore, #tpu.memory_space<semaphore_mem>>, %arg17: memref<!tpu.dma_semaphore, #tpu.memory_space<semaphore_mem>>, %arg18: memref<!tpu.dma_semaphore, #tpu.memory_space<semaphore_mem>>) attributes {dimension_semantics = [#tpu.dimension_semantics<core_parallel>, #tpu.dimension_semantics<subcore_parallel>], iteration_bounds = array<i64: 2, 16>, scalar_prefetch = 0 : i64, scratch_operands = 12 : i64, tpu.core_type = #tpu.core_type<sc_vector_subcore>, window_params = [{transform_indices = #map}, {transform_indices = #map}, {transform_indices = #map1}, {transform_indices = #map1}, {transform_indices = #map2}]} {
    %mul3A = arith.constant 2 : i32
    %mul3A_0 = arith.muli %arg1, %mul3A : i32
    %add3A = arith.addi %mul3A_0, %arg0 : i32
    %mul3A_1 = arith.constant 512 : i32
    %mul3A_2 = arith.muli %add3A, %mul3A_1 : i32
    %dma_start3A = arith.constant 0 : i32
    %dma_start3A_3 = arith.constant 0 : i32
    %dma_start3A_4 = tpu.memref_slice %arg2[%add3A, %dma_start3A, %dma_start3A_3] : memref<32x4x128xi32, #tpu.memory_space<hbm>> -> memref<1x4x128xi32, #tpu.memory_space<hbm>>
    %dma_start3A_5 = tpu.memref_squeeze %dma_start3A_4 : memref<1x4x128xi32, #tpu.memory_space<hbm>> -> memref<4x128xi32, #tpu.memory_space<hbm>>
    %dma_start3A_6 = arith.constant 0 : i32
    %dma_start3A_7 = arith.constant 0 : i32
    %dma_start3A_8 = tpu.memref_slice %arg2[%add3A, %dma_start3A_6, %dma_start3A_7] : memref<32x4x128xi32, #tpu.memory_space<hbm>> -> memref<1x4x128xi32, #tpu.memory_space<hbm>>
    %dma_start3A_9 = tpu.memref_squeeze %dma_start3A_8 : memref<1x4x128xi32, #tpu.memory_space<hbm>> -> memref<4x128xi32, #tpu.memory_space<hbm>>
    tpu.enqueue_dma source(%dma_start3A_9 : memref<4x128xi32, #tpu.memory_space<hbm>>) target(%arg7 : memref<4x128xi32, #tpu.memory_space<vmem>>) target_semaphore(%arg16 : memref<!tpu.dma_semaphore, #tpu.memory_space<semaphore_mem>>)
    %dma_start3A_10 = arith.constant 0 : i32
    %dma_start3A_11 = arith.constant 0 : i32
    %dma_start3A_12 = tpu.memref_slice %arg3[%add3A, %dma_start3A_10, %dma_start3A_11] : memref<32x4x128xi32, #tpu.memory_space<hbm>> -> memref<1x4x128xi32, #tpu.memory_space<hbm>>
    %dma_start3A_13 = tpu.memref_squeeze %dma_start3A_12 : memref<1x4x128xi32, #tpu.memory_space<hbm>> -> memref<4x128xi32, #tpu.memory_space<hbm>>
    %dma_start3A_14 = arith.constant 0 : i32
    %dma_start3A_15 = arith.constant 0 : i32
    %dma_start3A_16 = tpu.memref_slice %arg3[%add3A, %dma_start3A_14, %dma_start3A_15] : memref<32x4x128xi32, #tpu.memory_space<hbm>> -> memref<1x4x128xi32, #tpu.memory_space<hbm>>
    %dma_start3A_17 = tpu.memref_squeeze %dma_start3A_16 : memref<1x4x128xi32, #tpu.memory_space<hbm>> -> memref<4x128xi32, #tpu.memory_space<hbm>>
    tpu.enqueue_dma source(%dma_start3A_17 : memref<4x128xi32, #tpu.memory_space<hbm>>) target(%arg8 : memref<4x128xi32, #tpu.memory_space<vmem>>) target_semaphore(%arg17 : memref<!tpu.dma_semaphore, #tpu.memory_space<semaphore_mem>>)
    %dma_wait3A = arith.constant 0 : i32
    %dma_wait3A_18 = arith.constant 0 : i32
    %dma_wait3A_19 = tpu.memref_slice %arg2[%add3A, %dma_wait3A, %dma_wait3A_18] : memref<32x4x128xi32, #tpu.memory_space<hbm>> -> memref<1x4x128xi32, #tpu.memory_space<hbm>>
    %dma_wait3A_20 = tpu.memref_squeeze %dma_wait3A_19 : memref<1x4x128xi32, #tpu.memory_space<hbm>> -> memref<4x128xi32, #tpu.memory_space<hbm>>
    %dma_wait3A_21 = arith.constant 0 : i32
    %dma_wait3A_22 = arith.constant 0 : i32
    %dma_wait3A_23 = tpu.memref_slice %arg2[%add3A, %dma_wait3A_21, %dma_wait3A_22] : memref<32x4x128xi32, #tpu.memory_space<hbm>> -> memref<1x4x128xi32, #tpu.memory_space<hbm>>
    %dma_wait3A_24 = tpu.memref_squeeze %dma_wait3A_23 : memref<1x4x128xi32, #tpu.memory_space<hbm>> -> memref<4x128xi32, #tpu.memory_space<hbm>>
    tpu.wait_dma2 semaphore(%arg16 : memref<!tpu.dma_semaphore, #tpu.memory_space<semaphore_mem>>) src(%dma_wait3A_24 : memref<4x128xi32, #tpu.memory_space<hbm>>) dst(%arg7 : memref<4x128xi32, #tpu.memory_space<vmem>>)
    %dma_wait3A_25 = arith.constant 0 : i32
    %dma_wait3A_26 = arith.constant 0 : i32
    %dma_wait3A_27 = tpu.memref_slice %arg3[%add3A, %dma_wait3A_25, %dma_wait3A_26] : memref<32x4x128xi32, #tpu.memory_space<hbm>> -> memref<1x4x128xi32, #tpu.memory_space<hbm>>
    %dma_wait3A_28 = tpu.memref_squeeze %dma_wait3A_27 : memref<1x4x128xi32, #tpu.memory_space<hbm>> -> memref<4x128xi32, #tpu.memory_space<hbm>>
    %dma_wait3A_29 = arith.constant 0 : i32
    %dma_wait3A_30 = arith.constant 0 : i32
    %dma_wait3A_31 = tpu.memref_slice %arg3[%add3A, %dma_wait3A_29, %dma_wait3A_30] : memref<32x4x128xi32, #tpu.memory_space<hbm>> -> memref<1x4x128xi32, #tpu.memory_space<hbm>>
    %dma_wait3A_32 = tpu.memref_squeeze %dma_wait3A_31 : memref<1x4x128xi32, #tpu.memory_space<hbm>> -> memref<4x128xi32, #tpu.memory_space<hbm>>
    tpu.wait_dma2 semaphore(%arg17 : memref<!tpu.dma_semaphore, #tpu.memory_space<semaphore_mem>>) src(%dma_wait3A_32 : memref<4x128xi32, #tpu.memory_space<hbm>>) dst(%arg8 : memref<4x128xi32, #tpu.memory_space<vmem>>)
    %iota3A = tpu.iota {dimensions = array<i32: 0>} : vector<16xi32>
    %dma_start3A_33 = arith.constant 0 : i32
    %dma_start3A_34 = arith.constant 0 : i32
    %dma_start3A_35 = tpu.memref_slice %arg7[%dma_start3A_33, %dma_start3A_34] : memref<4x128xi32, #tpu.memory_space<vmem>> -> memref<1x128xi32, #tpu.memory_space<vmem>>
    %dma_start3A_36 = tpu.memref_squeeze %dma_start3A_35 : memref<1x128xi32, #tpu.memory_space<vmem>> -> memref<128xi32, #tpu.memory_space<vmem>>
    %dma_start3A_37 = arith.constant 0 : i32
    %dma_start3A_38 = arith.constant 0 : i32
    %dma_start3A_39 = tpu.memref_slice %arg4[%dma_start3A_37, %dma_start3A_38] : memref<100000x128xf32, #tpu.memory_space<hbm>> -> memref<100000x128xf32, #tpu.memory_space<hbm>>
    tpu.enqueue_indirect_dma source(%dma_start3A_39 : memref<100000x128xf32, #tpu.memory_space<hbm>>) target(%arg9 : memref<128x128xf32, #tpu.memory_space<vmem>>) offsets(%dma_start3A_36 : memref<128xi32, #tpu.memory_space<vmem>>) semaphore(%arg16 : memref<!tpu.dma_semaphore, #tpu.memory_space<semaphore_mem>>)
    %dma_start3A_40 = arith.constant 0 : i32
    %dma_start3A_41 = arith.constant 0 : i32
    %dma_start3A_42 = tpu.memref_slice %arg8[%dma_start3A_40, %dma_start3A_41] : memref<4x128xi32, #tpu.memory_space<vmem>> -> memref<1x128xi32, #tpu.memory_space<vmem>>
    %dma_start3A_43 = tpu.memref_squeeze %dma_start3A_42 : memref<1x128xi32, #tpu.memory_space<vmem>> -> memref<128xi32, #tpu.memory_space<vmem>>
    %dma_start3A_44 = arith.constant 0 : i32
    %dma_start3A_45 = arith.constant 0 : i32
    %dma_start3A_46 = tpu.memref_slice %arg5[%dma_start3A_44, %dma_start3A_45] : memref<100000x128xf32, #tpu.memory_space<hbm>> -> memref<100000x128xf32, #tpu.memory_space<hbm>>
    tpu.enqueue_indirect_dma source(%dma_start3A_46 : memref<100000x128xf32, #tpu.memory_space<hbm>>) target(%arg10 : memref<128x128xf32, #tpu.memory_space<vmem>>) offsets(%dma_start3A_43 : memref<128xi32, #tpu.memory_space<vmem>>) semaphore(%arg16 : memref<!tpu.dma_semaphore, #tpu.memory_space<semaphore_mem>>)
    %dma_start3A_47 = arith.constant 1 : i32
    %dma_start3A_48 = arith.constant 0 : i32
    %dma_start3A_49 = tpu.memref_slice %arg7[%dma_start3A_47, %dma_start3A_48] : memref<4x128xi32, #tpu.memory_space<vmem>> -> memref<1x128xi32, #tpu.memory_space<vmem>>
    %dma_start3A_50 = tpu.memref_squeeze %dma_start3A_49 : memref<1x128xi32, #tpu.memory_space<vmem>> -> memref<128xi32, #tpu.memory_space<vmem>>
    %dma_start3A_51 = arith.constant 0 : i32
    %dma_start3A_52 = arith.constant 0 : i32
    %dma_start3A_53 = tpu.memref_slice %arg4[%dma_start3A_51, %dma_start3A_52] : memref<100000x128xf32, #tpu.memory_space<hbm>> -> memref<100000x128xf32, #tpu.memory_space<hbm>>
    tpu.enqueue_indirect_dma source(%dma_start3A_53 : memref<100000x128xf32, #tpu.memory_space<hbm>>) target(%arg11 : memref<128x128xf32, #tpu.memory_space<vmem>>) offsets(%dma_start3A_50 : memref<128xi32, #tpu.memory_space<vmem>>) semaphore(%arg17 : memref<!tpu.dma_semaphore, #tpu.memory_space<semaphore_mem>>)
    %dma_start3A_54 = arith.constant 1 : i32
    %dma_start3A_55 = arith.constant 0 : i32
    %dma_start3A_56 = tpu.memref_slice %arg8[%dma_start3A_54, %dma_start3A_55] : memref<4x128xi32, #tpu.memory_space<vmem>> -> memref<1x128xi32, #tpu.memory_space<vmem>>
    %dma_start3A_57 = tpu.memref_squeeze %dma_start3A_56 : memref<1x128xi32, #tpu.memory_space<vmem>> -> memref<128xi32, #tpu.memory_space<vmem>>
    %dma_start3A_58 = arith.constant 0 : i32
    %dma_start3A_59 = arith.constant 0 : i32
    %dma_start3A_60 = tpu.memref_slice %arg5[%dma_start3A_58, %dma_start3A_59] : memref<100000x128xf32, #tpu.memory_space<hbm>> -> memref<100000x128xf32, #tpu.memory_space<hbm>>
    tpu.enqueue_indirect_dma source(%dma_start3A_60 : memref<100000x128xf32, #tpu.memory_space<hbm>>) target(%arg12 : memref<128x128xf32, #tpu.memory_space<vmem>>) offsets(%dma_start3A_57 : memref<128xi32, #tpu.memory_space<vmem>>) semaphore(%arg17 : memref<!tpu.dma_semaphore, #tpu.memory_space<semaphore_mem>>)
    %dma_wait3A_61 = arith.constant 0 : i32
    %dma_wait3A_62 = arith.constant 0 : i32
    %dma_wait3A_63 = tpu.memref_slice %arg7[%dma_wait3A_61, %dma_wait3A_62] : memref<4x128xi32, #tpu.memory_space<vmem>> -> memref<1x128xi32, #tpu.memory_space<vmem>>
    %dma_wait3A_64 = tpu.memref_squeeze %dma_wait3A_63 : memref<1x128xi32, #tpu.memory_space<vmem>> -> memref<128xi32, #tpu.memory_space<vmem>>
    %dma_wait3A_65 = arith.constant 0 : i32
    %dma_wait3A_66 = arith.constant 0 : i32
    %dma_wait3A_67 = tpu.memref_slice %arg4[%dma_wait3A_65, %dma_wait3A_66] : memref<100000x128xf32, #tpu.memory_space<hbm>> -> memref<100000x128xf32, #tpu.memory_space<hbm>>
    tpu.wait_indirect_dma semaphore(%arg16 : memref<!tpu.dma_semaphore, #tpu.memory_space<semaphore_mem>>) src(%dma_wait3A_67 : memref<100000x128xf32, #tpu.memory_space<hbm>>) dst(%arg9 : memref<128x128xf32, #tpu.memory_space<vmem>>)
    %dma_wait3A_68 = arith.constant 0 : i32
    %dma_wait3A_69 = arith.constant 0 : i32
    %dma_wait3A_70 = tpu.memref_slice %arg8[%dma_wait3A_68, %dma_wait3A_69] : memref<4x128xi32, #tpu.memory_space<vmem>> -> memref<1x128xi32, #tpu.memory_space<vmem>>
    %dma_wait3A_71 = tpu.memref_squeeze %dma_wait3A_70 : memref<1x128xi32, #tpu.memory_space<vmem>> -> memref<128xi32, #tpu.memory_space<vmem>>
    %dma_wait3A_72 = arith.constant 0 : i32
    %dma_wait3A_73 = arith.constant 0 : i32
    %dma_wait3A_74 = tpu.memref_slice %arg5[%dma_wait3A_72, %dma_wait3A_73] : memref<100000x128xf32, #tpu.memory_space<hbm>> -> memref<100000x128xf32, #tpu.memory_space<hbm>>
    tpu.wait_indirect_dma semaphore(%arg16 : memref<!tpu.dma_semaphore, #tpu.memory_space<semaphore_mem>>) src(%dma_wait3A_74 : memref<100000x128xf32, #tpu.memory_space<hbm>>) dst(%arg10 : memref<128x128xf32, #tpu.memory_space<vmem>>)
    %dma_start3A_75 = arith.constant 2 : i32
    %dma_start3A_76 = arith.constant 0 : i32
    %dma_start3A_77 = tpu.memref_slice %arg7[%dma_start3A_75, %dma_start3A_76] : memref<4x128xi32, #tpu.memory_space<vmem>> -> memref<1x128xi32, #tpu.memory_space<vmem>>
    %dma_start3A_78 = tpu.memref_squeeze %dma_start3A_77 : memref<1x128xi32, #tpu.memory_space<vmem>> -> memref<128xi32, #tpu.memory_space<vmem>>
    %dma_start3A_79 = arith.constant 0 : i32
    %dma_start3A_80 = arith.constant 0 : i32
    %dma_start3A_81 = tpu.memref_slice %arg4[%dma_start3A_79, %dma_start3A_80] : memref<100000x128xf32, #tpu.memory_space<hbm>> -> memref<100000x128xf32, #tpu.memory_space<hbm>>
    tpu.enqueue_indirect_dma source(%dma_start3A_81 : memref<100000x128xf32, #tpu.memory_space<hbm>>) target(%arg13 : memref<128x128xf32, #tpu.memory_space<vmem>>) offsets(%dma_start3A_78 : memref<128xi32, #tpu.memory_space<vmem>>) semaphore(%arg18 : memref<!tpu.dma_semaphore, #tpu.memory_space<semaphore_mem>>)
    %dma_start3A_82 = arith.constant 2 : i32
    %dma_start3A_83 = arith.constant 0 : i32
    %dma_start3A_84 = tpu.memref_slice %arg8[%dma_start3A_82, %dma_start3A_83] : memref<4x128xi32, #tpu.memory_space<vmem>> -> memref<1x128xi32, #tpu.memory_space<vmem>>
    %dma_start3A_85 = tpu.memref_squeeze %dma_start3A_84 : memref<1x128xi32, #tpu.memory_space<vmem>> -> memref<128xi32, #tpu.memory_space<vmem>>
    %dma_start3A_86 = arith.constant 0 : i32
    %dma_start3A_87 = arith.constant 0 : i32
    %dma_start3A_88 = tpu.memref_slice %arg5[%dma_start3A_86, %dma_start3A_87] : memref<100000x128xf32, #tpu.memory_space<hbm>> -> memref<100000x128xf32, #tpu.memory_space<hbm>>
    tpu.enqueue_indirect_dma source(%dma_start3A_88 : memref<100000x128xf32, #tpu.memory_space<hbm>>) target(%arg14 : memref<128x128xf32, #tpu.memory_space<vmem>>) offsets(%dma_start3A_85 : memref<128xi32, #tpu.memory_space<vmem>>) semaphore(%arg18 : memref<!tpu.dma_semaphore, #tpu.memory_space<semaphore_mem>>)
    %broadcast_in_dim3A = arith.constant 0.000000e+00 : f32
    %broadcast_in_dim3A_89 = vector.broadcast %broadcast_in_dim3A : f32 to vector<16xf32>
    %scan3A = arith.constant 0 : i32
    %scan3A_90 = arith.constant 128 : i32
    %scan3A_91 = arith.addi %scan3A, %scan3A_90 : i32
    %scan3A_92 = arith.constant 4 : i32
    %scan3A_93 = scf.for %scan3A_175 = %scan3A to %scan3A_91 step %scan3A_92 iter_args(%scan3A_176 = %broadcast_in_dim3A_89) -> (vector<16xf32>)  : i32 {
      %get3A = arith.index_cast %scan3A_175 : i32 to index
      %get3A_177 = arith.constant 0 : index
      %get3A_178 = tpu.vector_load %arg9[%get3A, %get3A_177] {strides = array<i32>} : memref<128x128xf32, #tpu.memory_space<vmem>>, vector<16xf32>,
      %get3A_179 = arith.index_cast %scan3A_175 : i32 to index
      %get3A_180 = arith.constant 0 : index
      %get3A_181 = tpu.vector_load %arg10[%get3A_179, %get3A_180] {strides = array<i32>} : memref<128x128xf32, #tpu.memory_space<vmem>>, vector<16xf32>,
      %mul3A_182 = arith.mulf %get3A_178, %get3A_181 : vector<16xf32>
      %get3A_183 = arith.index_cast %scan3A_175 : i32 to index
      %get3A_184 = arith.constant 16 : index
      %get3A_185 = tpu.vector_load %arg9[%get3A_183, %get3A_184] {strides = array<i32>} : memref<128x128xf32, #tpu.memory_space<vmem>>, vector<16xf32>,
      %get3A_186 = arith.index_cast %scan3A_175 : i32 to index
      %get3A_187 = arith.constant 16 : index
      %get3A_188 = tpu.vector_load %arg10[%get3A_186, %get3A_187] {strides = array<i32>} : memref<128x128xf32, #tpu.memory_space<vmem>>, vector<16xf32>,
      %mul3A_189 = arith.mulf %get3A_185, %get3A_188 : vector<16xf32>
      %add3A_190 = arith.addf %mul3A_182, %mul3A_189 : vector<16xf32>
      %get3A_191 = arith.index_cast %scan3A_175 : i32 to index
      %get3A_192 = arith.constant 32 : index
      %get3A_193 = tpu.vector_load %arg9[%get3A_191, %get3A_192] {strides = array<i32>} : memref<128x128xf32, #tpu.memory_space<vmem>>, vector<16xf32>,
      %get3A_194 = arith.index_cast %scan3A_175 : i32 to index
      %get3A_195 = arith.constant 32 : index
      %get3A_196 = tpu.vector_load %arg10[%get3A_194, %get3A_195] {strides = array<i32>} : memref<128x128xf32, #tpu.memory_space<vmem>>, vector<16xf32>,
      %mul3A_197 = arith.mulf %get3A_193, %get3A_196 : vector<16xf32>
      %add3A_198 = arith.addf %add3A_190, %mul3A_197 : vector<16xf32>
      %get3A_199 = arith.index_cast %scan3A_175 : i32 to index
      %get3A_200 = arith.constant 48 : index
      %get3A_201 = tpu.vector_load %arg9[%get3A_199, %get3A_200] {strides = array<i32>} : memref<128x128xf32, #tpu.memory_space<vmem>>, vector<16xf32>,
      %get3A_202 = arith.index_cast %scan3A_175 : i32 to index
      %get3A_203 = arith.constant 48 : index
      %get3A_204 = tpu.vector_load %arg10[%get3A_202, %get3A_203] {strides = array<i32>} : memref<128x128xf32, #tpu.memory_space<vmem>>, vector<16xf32>,
      %mul3A_205 = arith.mulf %get3A_201, %get3A_204 : vector<16xf32>
      %add3A_206 = arith.addf %add3A_198, %mul3A_205 : vector<16xf32>
      %get3A_207 = arith.index_cast %scan3A_175 : i32 to index
      %get3A_208 = arith.constant 64 : index
      %get3A_209 = tpu.vector_load %arg9[%get3A_207, %get3A_208] {strides = array<i32>} : memref<128x128xf32, #tpu.memory_space<vmem>>, vector<16xf32>,
      %get3A_210 = arith.index_cast %scan3A_175 : i32 to index
      %get3A_211 = arith.constant 64 : index
      %get3A_212 = tpu.vector_load %arg10[%get3A_210, %get3A_211] {strides = array<i32>} : memref<128x128xf32, #tpu.memory_space<vmem>>, vector<16xf32>,
      %mul3A_213 = arith.mulf %get3A_209, %get3A_212 : vector<16xf32>
      %add3A_214 = arith.addf %add3A_206, %mul3A_213 : vector<16xf32>
      %get3A_215 = arith.index_cast %scan3A_175 : i32 to index
      %get3A_216 = arith.constant 80 : index
      %get3A_217 = tpu.vector_load %arg9[%get3A_215, %get3A_216] {strides = array<i32>} : memref<128x128xf32, #tpu.memory_space<vmem>>, vector<16xf32>,
      %get3A_218 = arith.index_cast %scan3A_175 : i32 to index
      %get3A_219 = arith.constant 80 : index
      %get3A_220 = tpu.vector_load %arg10[%get3A_218, %get3A_219] {strides = array<i32>} : memref<128x128xf32, #tpu.memory_space<vmem>>, vector<16xf32>,
      %mul3A_221 = arith.mulf %get3A_217, %get3A_220 : vector<16xf32>
      %add3A_222 = arith.addf %add3A_214, %mul3A_221 : vector<16xf32>
      %get3A_223 = arith.index_cast %scan3A_175 : i32 to index
      %get3A_224 = arith.constant 96 : index
      %get3A_225 = tpu.vector_load %arg9[%get3A_223, %get3A_224] {strides = array<i32>} : memref<128x128xf32, #tpu.memory_space<vmem>>, vector<16xf32>,
      %get3A_226 = arith.index_cast %scan3A_175 : i32 to index
      %get3A_227 = arith.constant 96 : index
      %get3A_228 = tpu.vector_load %arg10[%get3A_226, %get3A_227] {strides = array<i32>} : memref<128x128xf32, #tpu.memory_space<vmem>>, vector<16xf32>,
      %mul3A_229 = arith.mulf %get3A_225, %get3A_228 : vector<16xf32>
      %add3A_230 = arith.addf %add3A_222, %mul3A_229 : vector<16xf32>
      %get3A_231 = arith.index_cast %scan3A_175 : i32 to index
      %get3A_232 = arith.constant 112 : index
      %get3A_233 = tpu.vector_load %arg9[%get3A_231, %get3A_232] {strides = array<i32>} : memref<128x128xf32, #tpu.memory_space<vmem>>, vector<16xf32>,
      %get3A_234 = arith.index_cast %scan3A_175 : i32 to index
      %get3A_235 = arith.constant 112 : index
      %get3A_236 = tpu.vector_load %arg10[%get3A_234, %get3A_235] {strides = array<i32>} : memref<128x128xf32, #tpu.memory_space<vmem>>, vector<16xf32>,
      %mul3A_237 = arith.mulf %get3A_233, %get3A_236 : vector<16xf32>
      %add3A_238 = arith.addf %add3A_230, %mul3A_237 : vector<16xf32>
      %reduce_sum3A = arith.constant true
      %reduce_sum3A_239 = vector.broadcast %reduce_sum3A : i1 to vector<16xi1>
      %reduce_sum3A_240 = tpu.scan <sum>, %add3A_238 masked %reduce_sum3A_239 : vector<16xf32>, vector<16xi1> -> vector<16xf32>
      %reduce_sum3A_241 = vector.extract %reduce_sum3A_240[15] : f32 from vector<16xf32>
      %and3A = arith.constant 15 : i32
      %and3A_242 = arith.andi %scan3A_175, %and3A : i32
      %eq3A = vector.broadcast %and3A_242 : i32 to vector<16xi32>
      %eq3A_243 = arith.cmpi eq, %iota3A, %eq3A : vector<16xi32>
      %broadcast_in_dim3A_244 = vector.broadcast %reduce_sum3A_241 : f32 to vector<16xf32>
      %select_n3A = arith.select %eq3A_243, %broadcast_in_dim3A_244, %scan3A_176 : vector<16xi1>, vector<16xf32>
      %and3A_245 = arith.constant 15 : i32
      %and3A_246 = arith.andi %scan3A_175, %and3A_245 : i32
      %eq3A_247 = arith.constant 15 : i32
      %eq3A_248 = arith.cmpi eq, %and3A_246, %eq3A_247 : i32
      %convert_element_type3A = arith.extui %eq3A_248 : i1 to i32
      %cond3A = arith.constant 0 : i32
      %cond3A_249 = arith.cmpi ne, %convert_element_type3A, %cond3A : i32
      scf.if %cond3A_249 {
        %add3A_496 = arith.constant 0 : i32
        %add3A_497 = arith.addi %add3A_496, %scan3A_175 : i32
        %sub3A = arith.constant 15 : i32
        %sub3A_498 = arith.subi %add3A_497, %sub3A : i32
        %swap3A = arith.index_cast %sub3A_498 : i32 to index
        %swap3A_499 = tpu.vector_load %arg15[%swap3A] {strides = array<i32>} : memref<512xf32, #tpu.memory_space<vmem>>, vector<16xf32>,
        tpu.vector_store %arg15[%swap3A], %select_n3A {strides = array<i32>} : memref<512xf32, #tpu.memory_space<vmem>>, vector<16xf32>,
      } else {
      }
      %scan3A_250 = arith.constant 1 : i32
      %scan3A_251 = arith.addi %scan3A_175, %scan3A_250 : i32
      %get3A_252 = arith.index_cast %scan3A_251 : i32 to index
      %get3A_253 = arith.constant 0 : index
      %get3A_254 = tpu.vector_load %arg9[%get3A_252, %get3A_253] {strides = array<i32>} : memref<128x128xf32, #tpu.memory_space<vmem>>, vector<16xf32>,
      %get3A_255 = arith.index_cast %scan3A_251 : i32 to index
      %get3A_256 = arith.constant 0 : index
      %get3A_257 = tpu.vector_load %arg10[%get3A_255, %get3A_256] {strides = array<i32>} : memref<128x128xf32, #tpu.memory_space<vmem>>, vector<16xf32>,
      %mul3A_258 = arith.mulf %get3A_254, %get3A_257 : vector<16xf32>
      %get3A_259 = arith.index_cast %scan3A_251 : i32 to index
      %get3A_260 = arith.constant 16 : index
      %get3A_261 = tpu.vector_load %arg9[%get3A_259, %get3A_260] {strides = array<i32>} : memref<128x128xf32, #tpu.memory_space<vmem>>, vector<16xf32>,
      %get3A_262 = arith.index_cast %scan3A_251 : i32 to index
      %get3A_263 = arith.constant 16 : index
      %get3A_264 = tpu.vector_load %arg10[%get3A_262, %get3A_263] {strides = array<i32>} : memref<128x128xf32, #tpu.memory_space<vmem>>, vector<16xf32>,
      %mul3A_265 = arith.mulf %get3A_261, %get3A_264 : vector<16xf32>
      %add3A_266 = arith.addf %mul3A_258, %mul3A_265 : vector<16xf32>
      %get3A_267 = arith.index_cast %scan3A_251 : i32 to index
      %get3A_268 = arith.constant 32 : index
      %get3A_269 = tpu.vector_load %arg9[%get3A_267, %get3A_268] {strides = array<i32>} : memref<128x128xf32, #tpu.memory_space<vmem>>, vector<16xf32>,
      %get3A_270 = arith.index_cast %scan3A_251 : i32 to index
      %get3A_271 = arith.constant 32 : index
      %get3A_272 = tpu.vector_load %arg10[%get3A_270, %get3A_271] {strides = array<i32>} : memref<128x128xf32, #tpu.memory_space<vmem>>, vector<16xf32>,
      %mul3A_273 = arith.mulf %get3A_269, %get3A_272 : vector<16xf32>
      %add3A_274 = arith.addf %add3A_266, %mul3A_273 : vector<16xf32>
      %get3A_275 = arith.index_cast %scan3A_251 : i32 to index
      %get3A_276 = arith.constant 48 : index
      %get3A_277 = tpu.vector_load %arg9[%get3A_275, %get3A_276] {strides = array<i32>} : memref<128x128xf32, #tpu.memory_space<vmem>>, vector<16xf32>,
      %get3A_278 = arith.index_cast %scan3A_251 : i32 to index
      %get3A_279 = arith.constant 48 : index
      %get3A_280 = tpu.vector_load %arg10[%get3A_278, %get3A_279] {strides = array<i32>} : memref<128x128xf32, #tpu.memory_space<vmem>>, vector<16xf32>,
      %mul3A_281 = arith.mulf %get3A_277, %get3A_280 : vector<16xf32>
      %add3A_282 = arith.addf %add3A_274, %mul3A_281 : vector<16xf32>
      %get3A_283 = arith.index_cast %scan3A_251 : i32 to index
      %get3A_284 = arith.constant 64 : index
      %get3A_285 = tpu.vector_load %arg9[%get3A_283, %get3A_284] {strides = array<i32>} : memref<128x128xf32, #tpu.memory_space<vmem>>, vector<16xf32>,
      %get3A_286 = arith.index_cast %scan3A_251 : i32 to index
      %get3A_287 = arith.constant 64 : index
      %get3A_288 = tpu.vector_load %arg10[%get3A_286, %get3A_287] {strides = array<i32>} : memref<128x128xf32, #tpu.memory_space<vmem>>, vector<16xf32>,
      %mul3A_289 = arith.mulf %get3A_285, %get3A_288 : vector<16xf32>
      %add3A_290 = arith.addf %add3A_282, %mul3A_289 : vector<16xf32>
      %get3A_291 = arith.index_cast %scan3A_251 : i32 to index
      %get3A_292 = arith.constant 80 : index
      %get3A_293 = tpu.vector_load %arg9[%get3A_291, %get3A_292] {strides = array<i32>} : memref<128x128xf32, #tpu.memory_space<vmem>>, vector<16xf32>,
      %get3A_294 = arith.index_cast %scan3A_251 : i32 to index
      %get3A_295 = arith.constant 80 : index
      %get3A_296 = tpu.vector_load %arg10[%get3A_294, %get3A_295] {strides = array<i32>} : memref<128x128xf32, #tpu.memory_space<vmem>>, vector<16xf32>,
      %mul3A_297 = arith.mulf %get3A_293, %get3A_296 : vector<16xf32>
      %add3A_298 = arith.addf %add3A_290, %mul3A_297 : vector<16xf32>
      %get3A_299 = arith.index_cast %scan3A_251 : i32 to index
      %get3A_300 = arith.constant 96 : index
      %get3A_301 = tpu.vector_load %arg9[%get3A_299, %get3A_300] {strides = array<i32>} : memref<128x128xf32, #tpu.memory_space<vmem>>, vector<16xf32>,
      %get3A_302 = arith.index_cast %scan3A_251 : i32 to index
      %get3A_303 = arith.constant 96 : index
      %get3A_304 = tpu.vector_load %arg10[%get3A_302, %get3A_303] {strides = array<i32>} : memref<128x128xf32, #tpu.memory_space<vmem>>, vector<16xf32>,
      %mul3A_305 = arith.mulf %get3A_301, %get3A_304 : vector<16xf32>
      %add3A_306 = arith.addf %add3A_298, %mul3A_305 : vector<16xf32>
      %get3A_307 = arith.index_cast %scan3A_251 : i32 to index
      %get3A_308 = arith.constant 112 : index
      %get3A_309 = tpu.vector_load %arg9[%get3A_307, %get3A_308] {strides = array<i32>} : memref<128x128xf32, #tpu.memory_space<vmem>>, vector<16xf32>,
      %get3A_310 = arith.index_cast %scan3A_251 : i32 to index
      %get3A_311 = arith.constant 112 : index
      %get3A_312 = tpu.vector_load %arg10[%get3A_310, %get3A_311] {strides = array<i32>} : memref<128x128xf32, #tpu.memory_space<vmem>>, vector<16xf32>,
      %mul3A_313 = arith.mulf %get3A_309, %get3A_312 : vector<16xf32>
      %add3A_314 = arith.addf %add3A_306, %mul3A_313 : vector<16xf32>
      %reduce_sum3A_315 = arith.constant true
      %reduce_sum3A_316 = vector.broadcast %reduce_sum3A_315 : i1 to vector<16xi1>
      %reduce_sum3A_317 = tpu.scan <sum>, %add3A_314 masked %reduce_sum3A_316 : vector<16xf32>, vector<16xi1> -> vector<16xf32>
      %reduce_sum3A_318 = vector.extract %reduce_sum3A_317[15] : f32 from vector<16xf32>
      %and3A_319 = arith.constant 15 : i32
      %and3A_320 = arith.andi %scan3A_251, %and3A_319 : i32
      %eq3A_321 = vector.broadcast %and3A_320 : i32 to vector<16xi32>
      %eq3A_322 = arith.cmpi eq, %iota3A, %eq3A_321 : vector<16xi32>
      %broadcast_in_dim3A_323 = vector.broadcast %reduce_sum3A_318 : f32 to vector<16xf32>
      %select_n3A_324 = arith.select %eq3A_322, %broadcast_in_dim3A_323, %select_n3A : vector<16xi1>, vector<16xf32>
      %and3A_325 = arith.constant 15 : i32
      %and3A_326 = arith.andi %scan3A_251, %and3A_325 : i32
      %eq3A_327 = arith.constant 15 : i32
      %eq3A_328 = arith.cmpi eq, %and3A_326, %eq3A_327 : i32
      %convert_element_type3A_329 = arith.extui %eq3A_328 : i1 to i32
      %cond3A_330 = arith.constant 0 : i32
      %cond3A_331 = arith.cmpi ne, %convert_element_type3A_329, %cond3A_330 : i32
      scf.if %cond3A_331 {
        %add3A_496 = arith.constant 0 : i32
        %add3A_497 = arith.addi %add3A_496, %scan3A_251 : i32
        %sub3A = arith.constant 15 : i32
        %sub3A_498 = arith.subi %add3A_497, %sub3A : i32
        %swap3A = arith.index_cast %sub3A_498 : i32 to index
        %swap3A_499 = tpu.vector_load %arg15[%swap3A] {strides = array<i32>} : memref<512xf32, #tpu.memory_space<vmem>>, vector<16xf32>,
        tpu.vector_store %arg15[%swap3A], %select_n3A_324 {strides = array<i32>} : memref<512xf32, #tpu.memory_space<vmem>>, vector<16xf32>,
      } else {
      }
      %scan3A_332 = arith.constant 2 : i32
      %scan3A_333 = arith.addi %scan3A_175, %scan3A_332 : i32
      %get3A_334 = arith.index_cast %scan3A_333 : i32 to index
      %get3A_335 = arith.constant 0 : index
      %get3A_336 = tpu.vector_load %arg9[%get3A_334, %get3A_335] {strides = array<i32>} : memref<128x128xf32, #tpu.memory_space<vmem>>, vector<16xf32>,
      %get3A_337 = arith.index_cast %scan3A_333 : i32 to index
      %get3A_338 = arith.constant 0 : index
      %get3A_339 = tpu.vector_load %arg10[%get3A_337, %get3A_338] {strides = array<i32>} : memref<128x128xf32, #tpu.memory_space<vmem>>, vector<16xf32>,
      %mul3A_340 = arith.mulf %get3A_336, %get3A_339 : vector<16xf32>
      %get3A_341 = arith.index_cast %scan3A_333 : i32 to index
      %get3A_342 = arith.constant 16 : index
      %get3A_343 = tpu.vector_load %arg9[%get3A_341, %get3A_342] {strides = array<i32>} : memref<128x128xf32, #tpu.memory_space<vmem>>, vector<16xf32>,
      %get3A_344 = arith.index_cast %scan3A_333 : i32 to index
      %get3A_345 = arith.constant 16 : index
      %get3A_346 = tpu.vector_load %arg10[%get3A_344, %get3A_345] {strides = array<i32>} : memref<128x128xf32, #tpu.memory_space<vmem>>, vector<16xf32>,
      %mul3A_347 = arith.mulf %get3A_343, %get3A_346 : vector<16xf32>
      %add3A_348 = arith.addf %mul3A_340, %mul3A_347 : vector<16xf32>
      %get3A_349 = arith.index_cast %scan3A_333 : i32 to index
      %get3A_350 = arith.constant 32 : index
      %get3A_351 = tpu.vector_load %arg9[%get3A_349, %get3A_350] {strides = array<i32>} : memref<128x128xf32, #tpu.memory_space<vmem>>, vector<16xf32>,
      %get3A_352 = arith.index_cast %scan3A_333 : i32 to index
      %get3A_353 = arith.constant 32 : index
      %get3A_354 = tpu.vector_load %arg10[%get3A_352, %get3A_353] {strides = array<i32>} : memref<128x128xf32, #tpu.memory_space<vmem>>, vector<16xf32>,
      %mul3A_355 = arith.mulf %get3A_351, %get3A_354 : vector<16xf32>
      %add3A_356 = arith.addf %add3A_348, %mul3A_355 : vector<16xf32>
      %get3A_357 = arith.index_cast %scan3A_333 : i32 to index
      %get3A_358 = arith.constant 48 : index
      %get3A_359 = tpu.vector_load %arg9[%get3A_357, %get3A_358] {strides = array<i32>} : memref<128x128xf32, #tpu.memory_space<vmem>>, vector<16xf32>,
      %get3A_360 = arith.index_cast %scan3A_333 : i32 to index
      %get3A_361 = arith.constant 48 : index
      %get3A_362 = tpu.vector_load %arg10[%get3A_360, %get3A_361] {strides = array<i32>} : memref<128x128xf32, #tpu.memory_space<vmem>>, vector<16xf32>,
      %mul3A_363 = arith.mulf %get3A_359, %get3A_362 : vector<16xf32>
      %add3A_364 = arith.addf %add3A_356, %mul3A_363 : vector<16xf32>
      %get3A_365 = arith.index_cast %scan3A_333 : i32 to index
      %get3A_366 = arith.constant 64 : index
      %get3A_367 = tpu.vector_load %arg9[%get3A_365, %get3A_366] {strides = array<i32>} : memref<128x128xf32, #tpu.memory_space<vmem>>, vector<16xf32>,
      %get3A_368 = arith.index_cast %scan3A_333 : i32 to index
      %get3A_369 = arith.constant 64 : index
      %get3A_370 = tpu.vector_load %arg10[%get3A_368, %get3A_369] {strides = array<i32>} : memref<128x128xf32, #tpu.memory_space<vmem>>, vector<16xf32>,
      %mul3A_371 = arith.mulf %get3A_367, %get3A_370 : vector<16xf32>
      %add3A_372 = arith.addf %add3A_364, %mul3A_371 : vector<16xf32>
      %get3A_373 = arith.index_cast %scan3A_333 : i32 to index
      %get3A_374 = arith.constant 80 : index
      %get3A_375 = tpu.vector_load %arg9[%get3A_373, %get3A_374] {strides = array<i32>} : memref<128x128xf32, #tpu.memory_space<vmem>>, vector<16xf32>,
      %get3A_376 = arith.index_cast %scan3A_333 : i32 to index
      %get3A_377 = arith.constant 80 : index
      %get3A_378 = tpu.vector_load %arg10[%get3A_376, %get3A_377] {strides = array<i32>} : memref<128x128xf32, #tpu.memory_space<vmem>>, vector<16xf32>,
      %mul3A_379 = arith.mulf %get3A_375, %get3A_378 : vector<16xf32>
      %add3A_380 = arith.addf %add3A_372, %mul3A_379 : vector<16xf32>
      %get3A_381 = arith.index_cast %scan3A_333 : i32 to index
      %get3A_382 = arith.constant 96 : index
      %get3A_383 = tpu.vector_load %arg9[%get3A_381, %get3A_382] {strides = array<i32>} : memref<128x128xf32, #tpu.memory_space<vmem>>, vector<16xf32>,
      %get3A_384 = arith.index_cast %scan3A_333 : i32 to index
      %get3A_385 = arith.constant 96 : index
      %get3A_386 = tpu.vector_load %arg10[%get3A_384, %get3A_385] {strides = array<i32>} : memref<128x128xf32, #tpu.memory_space<vmem>>, vector<16xf32>,
      %mul3A_387 = arith.mulf %get3A_383, %get3A_386 : vector<16xf32>
      %add3A_388 = arith.addf %add3A_380, %mul3A_387 : vector<16xf32>
      %get3A_389 = arith.index_cast %scan3A_333 : i32 to index
      %get3A_390 = arith.constant 112 : index
      %get3A_391 = tpu.vector_load %arg9[%get3A_389, %get3A_390] {strides = array<i32>} : memref<128x128xf32, #tpu.memory_space<vmem>>, vector<16xf32>,
      %get3A_392 = arith.index_cast %scan3A_333 : i32 to index
      %get3A_393 = arith.constant 112 : index
      %get3A_394 = tpu.vector_load %arg10[%get3A_392, %get3A_393] {strides = array<i32>} : memref<128x128xf32, #tpu.memory_space<vmem>>, vector<16xf32>,
      %mul3A_395 = arith.mulf %get3A_391, %get3A_394 : vector<16xf32>
      %add3A_396 = arith.addf %add3A_388, %mul3A_395 : vector<16xf32>
      %reduce_sum3A_397 = arith.constant true
      %reduce_sum3A_398 = vector.broadcast %reduce_sum3A_397 : i1 to vector<16xi1>
      %reduce_sum3A_399 = tpu.scan <sum>, %add3A_396 masked %reduce_sum3A_398 : vector<16xf32>, vector<16xi1> -> vector<16xf32>
      %reduce_sum3A_400 = vector.extract %reduce_sum3A_399[15] : f32 from vector<16xf32>
      %and3A_401 = arith.constant 15 : i32
      %and3A_402 = arith.andi %scan3A_333, %and3A_401 : i32
      %eq3A_403 = vector.broadcast %and3A_402 : i32 to vector<16xi32>
      %eq3A_404 = arith.cmpi eq, %iota3A, %eq3A_403 : vector<16xi32>
      %broadcast_in_dim3A_405 = vector.broadcast %reduce_sum3A_400 : f32 to vector<16xf32>
      %select_n3A_406 = arith.select %eq3A_404, %broadcast_in_dim3A_405, %select_n3A_324 : vector<16xi1>, vector<16xf32>
      %and3A_407 = arith.constant 15 : i32
      %and3A_408 = arith.andi %scan3A_333, %and3A_407 : i32
      %eq3A_409 = arith.constant 15 : i32
      %eq3A_410 = arith.cmpi eq, %and3A_408, %eq3A_409 : i32
      %convert_element_type3A_411 = arith.extui %eq3A_410 : i1 to i32
      %cond3A_412 = arith.constant 0 : i32
      %cond3A_413 = arith.cmpi ne, %convert_element_type3A_411, %cond3A_412 : i32
      scf.if %cond3A_413 {
        %add3A_496 = arith.constant 0 : i32
        %add3A_497 = arith.addi %add3A_496, %scan3A_333 : i32
        %sub3A = arith.constant 15 : i32
        %sub3A_498 = arith.subi %add3A_497, %sub3A : i32
        %swap3A = arith.index_cast %sub3A_498 : i32 to index
        %swap3A_499 = tpu.vector_load %arg15[%swap3A] {strides = array<i32>} : memref<512xf32, #tpu.memory_space<vmem>>, vector<16xf32>,
        tpu.vector_store %arg15[%swap3A], %select_n3A_406 {strides = array<i32>} : memref<512xf32, #tpu.memory_space<vmem>>, vector<16xf32>,
      } else {
      }
      %scan3A_414 = arith.constant 3 : i32
      %scan3A_415 = arith.addi %scan3A_175, %scan3A_414 : i32
      %get3A_416 = arith.index_cast %scan3A_415 : i32 to index
      %get3A_417 = arith.constant 0 : index
      %get3A_418 = tpu.vector_load %arg9[%get3A_416, %get3A_417] {strides = array<i32>} : memref<128x128xf32, #tpu.memory_space<vmem>>, vector<16xf32>,
      %get3A_419 = arith.index_cast %scan3A_415 : i32 to index
      %get3A_420 = arith.constant 0 : index
      %get3A_421 = tpu.vector_load %arg10[%get3A_419, %get3A_420] {strides = array<i32>} : memref<128x128xf32, #tpu.memory_space<vmem>>, vector<16xf32>,
      %mul3A_422 = arith.mulf %get3A_418, %get3A_421 : vector<16xf32>
      %get3A_423 = arith.index_cast %scan3A_415 : i32 to index
      %get3A_424 = arith.constant 16 : index
      %get3A_425 = tpu.vector_load %arg9[%get3A_423, %get3A_424] {strides = array<i32>} : memref<128x128xf32, #tpu.memory_space<vmem>>, vector<16xf32>,
      %get3A_426 = arith.index_cast %scan3A_415 : i32 to index
      %get3A_427 = arith.constant 16 : index
      %get3A_428 = tpu.vector_load %arg10[%get3A_426, %get3A_427] {strides = array<i32>} : memref<128x128xf32, #tpu.memory_space<vmem>>, vector<16xf32>,
      %mul3A_429 = arith.mulf %get3A_425, %get3A_428 : vector<16xf32>
      %add3A_430 = arith.addf %mul3A_422, %mul3A_429 : vector<16xf32>
      %get3A_431 = arith.index_cast %scan3A_415 : i32 to index
      %get3A_432 = arith.constant 32 : index
      %get3A_433 = tpu.vector_load %arg9[%get3A_431, %get3A_432] {strides = array<i32>} : memref<128x128xf32, #tpu.memory_space<vmem>>, vector<16xf32>,
      %get3A_434 = arith.index_cast %scan3A_415 : i32 to index
      %get3A_435 = arith.constant 32 : index
      %get3A_436 = tpu.vector_load %arg10[%get3A_434, %get3A_435] {strides = array<i32>} : memref<128x128xf32, #tpu.memory_space<vmem>>, vector<16xf32>,
      %mul3A_437 = arith.mulf %get3A_433, %get3A_436 : vector<16xf32>
      %add3A_438 = arith.addf %add3A_430, %mul3A_437 : vector<16xf32>
      %get3A_439 = arith.index_cast %scan3A_415 : i32 to index
      %get3A_440 = arith.constant 48 : index
      %get3A_441 = tpu.vector_load %arg9[%get3A_439, %get3A_440] {strides = array<i32>} : memref<128x128xf32, #tpu.memory_space<vmem>>, vector<16xf32>,
      %get3A_442 = arith.index_cast %scan3A_415 : i32 to index
      %get3A_443 = arith.constant 48 : index
      %get3A_444 = tpu.vector_load %arg10[%get3A_442, %get3A_443] {strides = array<i32>} : memref<128x128xf32, #tpu.memory_space<vmem>>, vector<16xf32>,
      %mul3A_445 = arith.mulf %get3A_441, %get3A_444 : vector<16xf32>
      %add3A_446 = arith.addf %add3A_438, %mul3A_445 : vector<16xf32>
      %get3A_447 = arith.index_cast %scan3A_415 : i32 to index
      %get3A_448 = arith.constant 64 : index
      %get3A_449 = tpu.vector_load %arg9[%get3A_447, %get3A_448] {strides = array<i32>} : memref<128x128xf32, #tpu.memory_space<vmem>>, vector<16xf32>,
      %get3A_450 = arith.index_cast %scan3A_415 : i32 to index
      %get3A_451 = arith.constant 64 : index
      %get3A_452 = tpu.vector_load %arg10[%get3A_450, %get3A_451] {strides = array<i32>} : memref<128x128xf32, #tpu.memory_space<vmem>>, vector<16xf32>,
      %mul3A_453 = arith.mulf %get3A_449, %get3A_452 : vector<16xf32>
      %add3A_454 = arith.addf %add3A_446, %mul3A_453 : vector<16xf32>
      %get3A_455 = arith.index_cast %scan3A_415 : i32 to index
      %get3A_456 = arith.constant 80 : index
      %get3A_457 = tpu.vector_load %arg9[%get3A_455, %get3A_456] {strides = array<i32>} : memref<128x128xf32, #tpu.memory_space<vmem>>, vector<16xf32>,
      %get3A_458 = arith.index_cast %scan3A_415 : i32 to index
      %get3A_459 = arith.constant 80 : index
      %get3A_460 = tpu.vector_load %arg10[%get3A_458, %get3A_459] {strides = array<i32>} : memref<128x128xf32, #tpu.memory_space<vmem>>, vector<16xf32>,
      %mul3A_461 = arith.mulf %get3A_457, %get3A_460 : vector<16xf32>
      %add3A_462 = arith.addf %add3A_454, %mul3A_461 : vector<16xf32>
      %get3A_463 = arith.index_cast %scan3A_415 : i32 to index
      %get3A_464 = arith.constant 96 : index
      %get3A_465 = tpu.vector_load %arg9[%get3A_463, %get3A_464] {strides = array<i32>} : memref<128x128xf32, #tpu.memory_space<vmem>>, vector<16xf32>,
      %get3A_466 = arith.index_cast %scan3A_415 : i32 to index
      %get3A_467 = arith.constant 96 : index
      %get3A_468 = tpu.vector_load %arg10[%get3A_466, %get3A_467] {strides = array<i32>} : memref<128x128xf32, #tpu.memory_space<vmem>>, vector<16xf32>,
      %mul3A_469 = arith.mulf %get3A_465, %get3A_468 : vector<16xf32>
      %add3A_470 = arith.addf %add3A_462, %mul3A_469 : vector<16xf32>
      %get3A_471 = arith.index_cast %scan3A_415 : i32 to index
      %get3A_472 = arith.constant 112 : index
      %get3A_473 = tpu.vector_load %arg9[%get3A_471, %get3A_472] {strides = array<i32>} : memref<128x128xf32, #tpu.memory_space<vmem>>, vector<16xf32>,
      %get3A_474 = arith.index_cast %scan3A_415 : i32 to index
      %get3A_475 = arith.constant 112 : index
      %get3A_476 = tpu.vector_load %arg10[%get3A_474, %get3A_475] {strides = array<i32>} : memref<128x128xf32, #tpu.memory_space<vmem>>, vector<16xf32>,
      %mul3A_477 = arith.mulf %get3A_473, %get3A_476 : vector<16xf32>
      %add3A_478 = arith.addf %add3A_470, %mul3A_477 : vector<16xf32>
      %reduce_sum3A_479 = arith.constant true
      %reduce_sum3A_480 = vector.broadcast %reduce_sum3A_479 : i1 to vector<16xi1>
      %reduce_sum3A_481 = tpu.scan <sum>, %add3A_478 masked %reduce_sum3A_480 : vector<16xf32>, vector<16xi1> -> vector<16xf32>
      %reduce_sum3A_482 = vector.extract %reduce_sum3A_481[15] : f32 from vector<16xf32>
      %and3A_483 = arith.constant 15 : i32
      %and3A_484 = arith.andi %scan3A_415, %and3A_483 : i32
      %eq3A_485 = vector.broadcast %and3A_484 : i32 to vector<16xi32>
      %eq3A_486 = arith.cmpi eq, %iota3A, %eq3A_485 : vector<16xi32>
      %broadcast_in_dim3A_487 = vector.broadcast %reduce_sum3A_482 : f32 to vector<16xf32>
      %select_n3A_488 = arith.select %eq3A_486, %broadcast_in_dim3A_487, %select_n3A_406 : vector<16xi1>, vector<16xf32>
      %and3A_489 = arith.constant 15 : i32
      %and3A_490 = arith.andi %scan3A_415, %and3A_489 : i32
      %eq3A_491 = arith.constant 15 : i32
      %eq3A_492 = arith.cmpi eq, %and3A_490, %eq3A_491 : i32
      %convert_element_type3A_493 = arith.extui %eq3A_492 : i1 to i32
      %cond3A_494 = arith.constant 0 : i32
      %cond3A_495 = arith.cmpi ne, %convert_element_type3A_493, %cond3A_494 : i32
      scf.if %cond3A_495 {
        %add3A_496 = arith.constant 0 : i32
        %add3A_497 = arith.addi %add3A_496, %scan3A_415 : i32
        %sub3A = arith.constant 15 : i32
        %sub3A_498 = arith.subi %add3A_497, %sub3A : i32
        %swap3A = arith.index_cast %sub3A_498 : i32 to index
        %swap3A_499 = tpu.vector_load %arg15[%swap3A] {strides = array<i32>} : memref<512xf32, #tpu.memory_space<vmem>>, vector<16xf32>,
        tpu.vector_store %arg15[%swap3A], %select_n3A_488 {strides = array<i32>} : memref<512xf32, #tpu.memory_space<vmem>>, vector<16xf32>,
      } else {
      }
      scf.yield %select_n3A_488 : vector<16xf32>
    }
    %scan3A_94 = arith.constant 128 : i32
    %dma_wait3A_95 = arith.constant 1 : i32
    %dma_wait3A_96 = arith.constant 0 : i32
    %dma_wait3A_97 = tpu.memref_slice %arg7[%dma_wait3A_95, %dma_wait3A_96] : memref<4x128xi32, #tpu.memory_space<vmem>> -> memref<1x128xi32, #tpu.memory_space<vmem>>
    %dma_wait3A_98 = tpu.memref_squeeze %dma_wait3A_97 : memref<1x128xi32, #tpu.memory_space<vmem>> -> memref<128xi32, #tpu.memory_space<vmem>>
    %dma_wait3A_99 = arith.constant 0 : i32
    %dma_wait3A_100 = arith.constant 0 : i32
    %dma_wait3A_101 = tpu.memref_slice %arg4[%dma_wait3A_99, %dma_wait3A_100] : memref<100000x128xf32, #tpu.memory_space<hbm>> -> memref<100000x128xf32, #tpu.memory_space<hbm>>
    tpu.wait_indirect_dma semaphore(%arg17 : memref<!tpu.dma_semaphore, #tpu.memory_space<semaphore_mem>>) src(%dma_wait3A_101 : memref<100000x128xf32, #tpu.memory_space<hbm>>) dst(%arg11 : memref<128x128xf32, #tpu.memory_space<vmem>>)
    %dma_wait3A_102 = arith.constant 1 : i32
    %dma_wait3A_103 = arith.constant 0 : i32
    %dma_wait3A_104 = tpu.memref_slice %arg8[%dma_wait3A_102, %dma_wait3A_103] : memref<4x128xi32, #tpu.memory_space<vmem>> -> memref<1x128xi32, #tpu.memory_space<vmem>>
    %dma_wait3A_105 = tpu.memref_squeeze %dma_wait3A_104 : memref<1x128xi32, #tpu.memory_space<vmem>> -> memref<128xi32, #tpu.memory_space<vmem>>
    %dma_wait3A_106 = arith.constant 0 : i32
    %dma_wait3A_107 = arith.constant 0 : i32
    %dma_wait3A_108 = tpu.memref_slice %arg5[%dma_wait3A_106, %dma_wait3A_107] : memref<100000x128xf32, #tpu.memory_space<hbm>> -> memref<100000x128xf32, #tpu.memory_space<hbm>>
    tpu.wait_indirect_dma semaphore(%arg17 : memref<!tpu.dma_semaphore, #tpu.memory_space<semaphore_mem>>) src(%dma_wait3A_108 : memref<100000x128xf32, #tpu.memory_space<hbm>>) dst(%arg12 : memref<128x128xf32, #tpu.memory_space<vmem>>)
    %dma_start3A_109 = arith.constant 3 : i32
    %dma_start3A_110 = arith.constant 0 : i32
    %dma_start3A_111 = tpu.memref_slice %arg7[%dma_start3A_109, %dma_start3A_110] : memref<4x128xi32, #tpu.memory_space<vmem>> -> memref<1x128xi32, #tpu.memory_space<vmem>>
    %dma_start3A_112 = tpu.memref_squeeze %dma_start3A_111 : memref<1x128xi32, #tpu.memory_space<vmem>> -> memref<128xi32, #tpu.memory_space<vmem>>
    %dma_start3A_113 = arith.constant 0 : i32
    %dma_start3A_114 = arith.constant 0 : i32
    %dma_start3A_115 = tpu.memref_slice %arg4[%dma_start3A_113, %dma_start3A_114] : memref<100000x128xf32, #tpu.memory_space<hbm>> -> memref<100000x128xf32, #tpu.memory_space<hbm>>
    tpu.enqueue_indirect_dma source(%dma_start3A_115 : memref<100000x128xf32, #tpu.memory_space<hbm>>) target(%arg9 : memref<128x128xf32, #tpu.memory_space<vmem>>) offsets(%dma_start3A_112 : memref<128xi32, #tpu.memory_space<vmem>>) semaphore(%arg16 : memref<!tpu.dma_semaphore, #tpu.memory_space<semaphore_mem>>)
    %dma_start3A_116 = arith.constant 3 : i32
    %dma_start3A_117 = arith.constant 0 : i32
    %dma_start3A_118 = tpu.memref_slice %arg8[%dma_start3A_116, %dma_start3A_117] : memref<4x128xi32, #tpu.memory_space<vmem>> -> memref<1x128xi32, #tpu.memory_space<vmem>>
    %dma_start3A_119 = tpu.memref_squeeze %dma_start3A_118 : memref<1x128xi32, #tpu.memory_space<vmem>> -> memref<128xi32, #tpu.memory_space<vmem>>
    %dma_start3A_120 = arith.constant 0 : i32
    %dma_start3A_121 = arith.constant 0 : i32
    %dma_start3A_122 = tpu.memref_slice %arg5[%dma_start3A_120, %dma_start3A_121] : memref<100000x128xf32, #tpu.memory_space<hbm>> -> memref<100000x128xf32, #tpu.memory_space<hbm>>
    tpu.enqueue_indirect_dma source(%dma_start3A_122 : memref<100000x128xf32, #tpu.memory_space<hbm>>) target(%arg10 : memref<128x128xf32, #tpu.memory_space<vmem>>) offsets(%dma_start3A_119 : memref<128xi32, #tpu.memory_space<vmem>>) semaphore(%arg16 : memref<!tpu.dma_semaphore, #tpu.memory_space<semaphore_mem>>)
    %broadcast_in_dim3A_123 = arith.constant 0.000000e+00 : f32
    %broadcast_in_dim3A_124 = vector.broadcast %broadcast_in_dim3A_123 : f32 to vector<16xf32>
    %scan3A_125 = arith.constant 0 : i32
    %scan3A_126 = arith.constant 128 : i32
    %scan3A_127 = arith.addi %scan3A_125, %scan3A_126 : i32
    %scan3A_128 = arith.constant 4 : i32
    %scan3A_129 = scf.for %scan3A_175 = %scan3A_125 to %scan3A_127 step %scan3A_128 iter_args(%scan3A_176 = %broadcast_in_dim3A_124) -> (vector<16xf32>)  : i32 {
      %get3A = arith.index_cast %scan3A_175 : i32 to index
      %get3A_177 = arith.constant 0 : index
      %get3A_178 = tpu.vector_load %arg11[%get3A, %get3A_177] {strides = array<i32>} : memref<128x128xf32, #tpu.memory_space<vmem>>, vector<16xf32>,
      %get3A_179 = arith.index_cast %scan3A_175 : i32 to index
      %get3A_180 = arith.constant 0 : index
      %get3A_181 = tpu.vector_load %arg12[%get3A_179, %get3A_180] {strides = array<i32>} : memref<128x128xf32, #tpu.memory_space<vmem>>, vector<16xf32>,
      %mul3A_182 = arith.mulf %get3A_178, %get3A_181 : vector<16xf32>
      %get3A_183 = arith.index_cast %scan3A_175 : i32 to index
      %get3A_184 = arith.constant 16 : index
      %get3A_185 = tpu.vector_load %arg11[%get3A_183, %get3A_184] {strides = array<i32>} : memref<128x128xf32, #tpu.memory_space<vmem>>, vector<16xf32>,
      %get3A_186 = arith.index_cast %scan3A_175 : i32 to index
      %get3A_187 = arith.constant 16 : index
      %get3A_188 = tpu.vector_load %arg12[%get3A_186, %get3A_187] {strides = array<i32>} : memref<128x128xf32, #tpu.memory_space<vmem>>, vector<16xf32>,
      %mul3A_189 = arith.mulf %get3A_185, %get3A_188 : vector<16xf32>
      %add3A_190 = arith.addf %mul3A_182, %mul3A_189 : vector<16xf32>
      %get3A_191 = arith.index_cast %scan3A_175 : i32 to index
      %get3A_192 = arith.constant 32 : index
      %get3A_193 = tpu.vector_load %arg11[%get3A_191, %get3A_192] {strides = array<i32>} : memref<128x128xf32, #tpu.memory_space<vmem>>, vector<16xf32>,
      %get3A_194 = arith.index_cast %scan3A_175 : i32 to index
      %get3A_195 = arith.constant 32 : index
      %get3A_196 = tpu.vector_load %arg12[%get3A_194, %get3A_195] {strides = array<i32>} : memref<128x128xf32, #tpu.memory_space<vmem>>, vector<16xf32>,
      %mul3A_197 = arith.mulf %get3A_193, %get3A_196 : vector<16xf32>
      %add3A_198 = arith.addf %add3A_190, %mul3A_197 : vector<16xf32>
      %get3A_199 = arith.index_cast %scan3A_175 : i32 to index
      %get3A_200 = arith.constant 48 : index
      %get3A_201 = tpu.vector_load %arg11[%get3A_199, %get3A_200] {strides = array<i32>} : memref<128x128xf32, #tpu.memory_space<vmem>>, vector<16xf32>,
      %get3A_202 = arith.index_cast %scan3A_175 : i32 to index
      %get3A_203 = arith.constant 48 : index
      %get3A_204 = tpu.vector_load %arg12[%get3A_202, %get3A_203] {strides = array<i32>} : memref<128x128xf32, #tpu.memory_space<vmem>>, vector<16xf32>,
      %mul3A_205 = arith.mulf %get3A_201, %get3A_204 : vector<16xf32>
      %add3A_206 = arith.addf %add3A_198, %mul3A_205 : vector<16xf32>
      %get3A_207 = arith.index_cast %scan3A_175 : i32 to index
      %get3A_208 = arith.constant 64 : index
      %get3A_209 = tpu.vector_load %arg11[%get3A_207, %get3A_208] {strides = array<i32>} : memref<128x128xf32, #tpu.memory_space<vmem>>, vector<16xf32>,
      %get3A_210 = arith.index_cast %scan3A_175 : i32 to index
      %get3A_211 = arith.constant 64 : index
      %get3A_212 = tpu.vector_load %arg12[%get3A_210, %get3A_211] {strides = array<i32>} : memref<128x128xf32, #tpu.memory_space<vmem>>, vector<16xf32>,
      %mul3A_213 = arith.mulf %get3A_209, %get3A_212 : vector<16xf32>
      %add3A_214 = arith.addf %add3A_206, %mul3A_213 : vector<16xf32>
      %get3A_215 = arith.index_cast %scan3A_175 : i32 to index
      %get3A_216 = arith.constant 80 : index
      %get3A_217 = tpu.vector_load %arg11[%get3A_215, %get3A_216] {strides = array<i32>} : memref<128x128xf32, #tpu.memory_space<vmem>>, vector<16xf32>,
      %get3A_218 = arith.index_cast %scan3A_175 : i32 to index
      %get3A_219 = arith.constant 80 : index
      %get3A_220 = tpu.vector_load %arg12[%get3A_218, %get3A_219] {strides = array<i32>} : memref<128x128xf32, #tpu.memory_space<vmem>>, vector<16xf32>,
      %mul3A_221 = arith.mulf %get3A_217, %get3A_220 : vector<16xf32>
      %add3A_222 = arith.addf %add3A_214, %mul3A_221 : vector<16xf32>
      %get3A_223 = arith.index_cast %scan3A_175 : i32 to index
      %get3A_224 = arith.constant 96 : index
      %get3A_225 = tpu.vector_load %arg11[%get3A_223, %get3A_224] {strides = array<i32>} : memref<128x128xf32, #tpu.memory_space<vmem>>, vector<16xf32>,
      %get3A_226 = arith.index_cast %scan3A_175 : i32 to index
      %get3A_227 = arith.constant 96 : index
      %get3A_228 = tpu.vector_load %arg12[%get3A_226, %get3A_227] {strides = array<i32>} : memref<128x128xf32, #tpu.memory_space<vmem>>, vector<16xf32>,
      %mul3A_229 = arith.mulf %get3A_225, %get3A_228 : vector<16xf32>
      %add3A_230 = arith.addf %add3A_222, %mul3A_229 : vector<16xf32>
      %get3A_231 = arith.index_cast %scan3A_175 : i32 to index
      %get3A_232 = arith.constant 112 : index
      %get3A_233 = tpu.vector_load %arg11[%get3A_231, %get3A_232] {strides = array<i32>} : memref<128x128xf32, #tpu.memory_space<vmem>>, vector<16xf32>,
      %get3A_234 = arith.index_cast %scan3A_175 : i32 to index
      %get3A_235 = arith.constant 112 : index
      %get3A_236 = tpu.vector_load %arg12[%get3A_234, %get3A_235] {strides = array<i32>} : memref<128x128xf32, #tpu.memory_space<vmem>>, vector<16xf32>,
      %mul3A_237 = arith.mulf %get3A_233, %get3A_236 : vector<16xf32>
      %add3A_238 = arith.addf %add3A_230, %mul3A_237 : vector<16xf32>
      %reduce_sum3A = arith.constant true
      %reduce_sum3A_239 = vector.broadcast %reduce_sum3A : i1 to vector<16xi1>
      %reduce_sum3A_240 = tpu.scan <sum>, %add3A_238 masked %reduce_sum3A_239 : vector<16xf32>, vector<16xi1> -> vector<16xf32>
      %reduce_sum3A_241 = vector.extract %reduce_sum3A_240[15] : f32 from vector<16xf32>
      %and3A = arith.constant 15 : i32
      %and3A_242 = arith.andi %scan3A_175, %and3A : i32
      %eq3A = vector.broadcast %and3A_242 : i32 to vector<16xi32>
      %eq3A_243 = arith.cmpi eq, %iota3A, %eq3A : vector<16xi32>
      %broadcast_in_dim3A_244 = vector.broadcast %reduce_sum3A_241 : f32 to vector<16xf32>
      %select_n3A = arith.select %eq3A_243, %broadcast_in_dim3A_244, %scan3A_176 : vector<16xi1>, vector<16xf32>
      %and3A_245 = arith.constant 15 : i32
      %and3A_246 = arith.andi %scan3A_175, %and3A_245 : i32
      %eq3A_247 = arith.constant 15 : i32
      %eq3A_248 = arith.cmpi eq, %and3A_246, %eq3A_247 : i32
      %convert_element_type3A = arith.extui %eq3A_248 : i1 to i32
      %cond3A = arith.constant 0 : i32
      %cond3A_249 = arith.cmpi ne, %convert_element_type3A, %cond3A : i32
      scf.if %cond3A_249 {
        %add3A_496 = arith.constant 128 : i32
        %add3A_497 = arith.addi %add3A_496, %scan3A_175 : i32
        %sub3A = arith.constant 15 : i32
        %sub3A_498 = arith.subi %add3A_497, %sub3A : i32
        %swap3A = arith.index_cast %sub3A_498 : i32 to index
        %swap3A_499 = tpu.vector_load %arg15[%swap3A] {strides = array<i32>} : memref<512xf32, #tpu.memory_space<vmem>>, vector<16xf32>,
        tpu.vector_store %arg15[%swap3A], %select_n3A {strides = array<i32>} : memref<512xf32, #tpu.memory_space<vmem>>, vector<16xf32>,
      } else {
      }
      %scan3A_250 = arith.constant 1 : i32
      %scan3A_251 = arith.addi %scan3A_175, %scan3A_250 : i32
      %get3A_252 = arith.index_cast %scan3A_251 : i32 to index
      %get3A_253 = arith.constant 0 : index
      %get3A_254 = tpu.vector_load %arg11[%get3A_252, %get3A_253] {strides = array<i32>} : memref<128x128xf32, #tpu.memory_space<vmem>>, vector<16xf32>,
      %get3A_255 = arith.index_cast %scan3A_251 : i32 to index
      %get3A_256 = arith.constant 0 : index
      %get3A_257 = tpu.vector_load %arg12[%get3A_255, %get3A_256] {strides = array<i32>} : memref<128x128xf32, #tpu.memory_space<vmem>>, vector<16xf32>,
      %mul3A_258 = arith.mulf %get3A_254, %get3A_257 : vector<16xf32>
      %get3A_259 = arith.index_cast %scan3A_251 : i32 to index
      %get3A_260 = arith.constant 16 : index
      %get3A_261 = tpu.vector_load %arg11[%get3A_259, %get3A_260] {strides = array<i32>} : memref<128x128xf32, #tpu.memory_space<vmem>>, vector<16xf32>,
      %get3A_262 = arith.index_cast %scan3A_251 : i32 to index
      %get3A_263 = arith.constant 16 : index
      %get3A_264 = tpu.vector_load %arg12[%get3A_262, %get3A_263] {strides = array<i32>} : memref<128x128xf32, #tpu.memory_space<vmem>>, vector<16xf32>,
      %mul3A_265 = arith.mulf %get3A_261, %get3A_264 : vector<16xf32>
      %add3A_266 = arith.addf %mul3A_258, %mul3A_265 : vector<16xf32>
      %get3A_267 = arith.index_cast %scan3A_251 : i32 to index
      %get3A_268 = arith.constant 32 : index
      %get3A_269 = tpu.vector_load %arg11[%get3A_267, %get3A_268] {strides = array<i32>} : memref<128x128xf32, #tpu.memory_space<vmem>>, vector<16xf32>,
      %get3A_270 = arith.index_cast %scan3A_251 : i32 to index
      %get3A_271 = arith.constant 32 : index
      %get3A_272 = tpu.vector_load %arg12[%get3A_270, %get3A_271] {strides = array<i32>} : memref<128x128xf32, #tpu.memory_space<vmem>>, vector<16xf32>,
      %mul3A_273 = arith.mulf %get3A_269, %get3A_272 : vector<16xf32>
      %add3A_274 = arith.addf %add3A_266, %mul3A_273 : vector<16xf32>
      %get3A_275 = arith.index_cast %scan3A_251 : i32 to index
      %get3A_276 = arith.constant 48 : index
      %get3A_277 = tpu.vector_load %arg11[%get3A_275, %get3A_276] {strides = array<i32>} : memref<128x128xf32, #tpu.memory_space<vmem>>, vector<16xf32>,
      %get3A_278 = arith.index_cast %scan3A_251 : i32 to index
      %get3A_279 = arith.constant 48 : index
      %get3A_280 = tpu.vector_load %arg12[%get3A_278, %get3A_279] {strides = array<i32>} : memref<128x128xf32, #tpu.memory_space<vmem>>, vector<16xf32>,
      %mul3A_281 = arith.mulf %get3A_277, %get3A_280 : vector<16xf32>
      %add3A_282 = arith.addf %add3A_274, %mul3A_281 : vector<16xf32>
      %get3A_283 = arith.index_cast %scan3A_251 : i32 to index
      %get3A_284 = arith.constant 64 : index
      %get3A_285 = tpu.vector_load %arg11[%get3A_283, %get3A_284] {strides = array<i32>} : memref<128x128xf32, #tpu.memory_space<vmem>>, vector<16xf32>,
      %get3A_286 = arith.index_cast %scan3A_251 : i32 to index
      %get3A_287 = arith.constant 64 : index
      %get3A_288 = tpu.vector_load %arg12[%get3A_286, %get3A_287] {strides = array<i32>} : memref<128x128xf32, #tpu.memory_space<vmem>>, vector<16xf32>,
      %mul3A_289 = arith.mulf %get3A_285, %get3A_288 : vector<16xf32>
      %add3A_290 = arith.addf %add3A_282, %mul3A_289 : vector<16xf32>
      %get3A_291 = arith.index_cast %scan3A_251 : i32 to index
      %get3A_292 = arith.constant 80 : index
      %get3A_293 = tpu.vector_load %arg11[%get3A_291, %get3A_292] {strides = array<i32>} : memref<128x128xf32, #tpu.memory_space<vmem>>, vector<16xf32>,
      %get3A_294 = arith.index_cast %scan3A_251 : i32 to index
      %get3A_295 = arith.constant 80 : index
      %get3A_296 = tpu.vector_load %arg12[%get3A_294, %get3A_295] {strides = array<i32>} : memref<128x128xf32, #tpu.memory_space<vmem>>, vector<16xf32>,
      %mul3A_297 = arith.mulf %get3A_293, %get3A_296 : vector<16xf32>
      %add3A_298 = arith.addf %add3A_290, %mul3A_297 : vector<16xf32>
      %get3A_299 = arith.index_cast %scan3A_251 : i32 to index
      %get3A_300 = arith.constant 96 : index
      %get3A_301 = tpu.vector_load %arg11[%get3A_299, %get3A_300] {strides = array<i32>} : memref<128x128xf32, #tpu.memory_space<vmem>>, vector<16xf32>,
      %get3A_302 = arith.index_cast %scan3A_251 : i32 to index
      %get3A_303 = arith.constant 96 : index
      %get3A_304 = tpu.vector_load %arg12[%get3A_302, %get3A_303] {strides = array<i32>} : memref<128x128xf32, #tpu.memory_space<vmem>>, vector<16xf32>,
      %mul3A_305 = arith.mulf %get3A_301, %get3A_304 : vector<16xf32>
      %add3A_306 = arith.addf %add3A_298, %mul3A_305 : vector<16xf32>
      %get3A_307 = arith.index_cast %scan3A_251 : i32 to index
      %get3A_308 = arith.constant 112 : index
      %get3A_309 = tpu.vector_load %arg11[%get3A_307, %get3A_308] {strides = array<i32>} : memref<128x128xf32, #tpu.memory_space<vmem>>, vector<16xf32>,
      %get3A_310 = arith.index_cast %scan3A_251 : i32 to index
      %get3A_311 = arith.constant 112 : index
      %get3A_312 = tpu.vector_load %arg12[%get3A_310, %get3A_311] {strides = array<i32>} : memref<128x128xf32, #tpu.memory_space<vmem>>, vector<16xf32>,
      %mul3A_313 = arith.mulf %get3A_309, %get3A_312 : vector<16xf32>
      %add3A_314 = arith.addf %add3A_306, %mul3A_313 : vector<16xf32>
      %reduce_sum3A_315 = arith.constant true
      %reduce_sum3A_316 = vector.broadcast %reduce_sum3A_315 : i1 to vector<16xi1>
      %reduce_sum3A_317 = tpu.scan <sum>, %add3A_314 masked %reduce_sum3A_316 : vector<16xf32>, vector<16xi1> -> vector<16xf32>
      %reduce_sum3A_318 = vector.extract %reduce_sum3A_317[15] : f32 from vector<16xf32>
      %and3A_319 = arith.constant 15 : i32
      %and3A_320 = arith.andi %scan3A_251, %and3A_319 : i32
      %eq3A_321 = vector.broadcast %and3A_320 : i32 to vector<16xi32>
      %eq3A_322 = arith.cmpi eq, %iota3A, %eq3A_321 : vector<16xi32>
      %broadcast_in_dim3A_323 = vector.broadcast %reduce_sum3A_318 : f32 to vector<16xf32>
      %select_n3A_324 = arith.select %eq3A_322, %broadcast_in_dim3A_323, %select_n3A : vector<16xi1>, vector<16xf32>
      %and3A_325 = arith.constant 15 : i32
      %and3A_326 = arith.andi %scan3A_251, %and3A_325 : i32
      %eq3A_327 = arith.constant 15 : i32
      %eq3A_328 = arith.cmpi eq, %and3A_326, %eq3A_327 : i32
      %convert_element_type3A_329 = arith.extui %eq3A_328 : i1 to i32
      %cond3A_330 = arith.constant 0 : i32
      %cond3A_331 = arith.cmpi ne, %convert_element_type3A_329, %cond3A_330 : i32
      scf.if %cond3A_331 {
        %add3A_496 = arith.constant 128 : i32
        %add3A_497 = arith.addi %add3A_496, %scan3A_251 : i32
        %sub3A = arith.constant 15 : i32
        %sub3A_498 = arith.subi %add3A_497, %sub3A : i32
        %swap3A = arith.index_cast %sub3A_498 : i32 to index
        %swap3A_499 = tpu.vector_load %arg15[%swap3A] {strides = array<i32>} : memref<512xf32, #tpu.memory_space<vmem>>, vector<16xf32>,
        tpu.vector_store %arg15[%swap3A], %select_n3A_324 {strides = array<i32>} : memref<512xf32, #tpu.memory_space<vmem>>, vector<16xf32>,
      } else {
      }
      %scan3A_332 = arith.constant 2 : i32
      %scan3A_333 = arith.addi %scan3A_175, %scan3A_332 : i32
      %get3A_334 = arith.index_cast %scan3A_333 : i32 to index
      %get3A_335 = arith.constant 0 : index
      %get3A_336 = tpu.vector_load %arg11[%get3A_334, %get3A_335] {strides = array<i32>} : memref<128x128xf32, #tpu.memory_space<vmem>>, vector<16xf32>,
      %get3A_337 = arith.index_cast %scan3A_333 : i32 to index
      %get3A_338 = arith.constant 0 : index
      %get3A_339 = tpu.vector_load %arg12[%get3A_337, %get3A_338] {strides = array<i32>} : memref<128x128xf32, #tpu.memory_space<vmem>>, vector<16xf32>,
      %mul3A_340 = arith.mulf %get3A_336, %get3A_339 : vector<16xf32>
      %get3A_341 = arith.index_cast %scan3A_333 : i32 to index
      %get3A_342 = arith.constant 16 : index
      %get3A_343 = tpu.vector_load %arg11[%get3A_341, %get3A_342] {strides = array<i32>} : memref<128x128xf32, #tpu.memory_space<vmem>>, vector<16xf32>,
      %get3A_344 = arith.index_cast %scan3A_333 : i32 to index
      %get3A_345 = arith.constant 16 : index
      %get3A_346 = tpu.vector_load %arg12[%get3A_344, %get3A_345] {strides = array<i32>} : memref<128x128xf32, #tpu.memory_space<vmem>>, vector<16xf32>,
      %mul3A_347 = arith.mulf %get3A_343, %get3A_346 : vector<16xf32>
      %add3A_348 = arith.addf %mul3A_340, %mul3A_347 : vector<16xf32>
      %get3A_349 = arith.index_cast %scan3A_333 : i32 to index
      %get3A_350 = arith.constant 32 : index
      %get3A_351 = tpu.vector_load %arg11[%get3A_349, %get3A_350] {strides = array<i32>} : memref<128x128xf32, #tpu.memory_space<vmem>>, vector<16xf32>,
      %get3A_352 = arith.index_cast %scan3A_333 : i32 to index
      %get3A_353 = arith.constant 32 : index
      %get3A_354 = tpu.vector_load %arg12[%get3A_352, %get3A_353] {strides = array<i32>} : memref<128x128xf32, #tpu.memory_space<vmem>>, vector<16xf32>,
      %mul3A_355 = arith.mulf %get3A_351, %get3A_354 : vector<16xf32>
      %add3A_356 = arith.addf %add3A_348, %mul3A_355 : vector<16xf32>
      %get3A_357 = arith.index_cast %scan3A_333 : i32 to index
      %get3A_358 = arith.constant 48 : index
      %get3A_359 = tpu.vector_load %arg11[%get3A_357, %get3A_358] {strides = array<i32>} : memref<128x128xf32, #tpu.memory_space<vmem>>, vector<16xf32>,
      %get3A_360 = arith.index_cast %scan3A_333 : i32 to index
      %get3A_361 = arith.constant 48 : index
      %get3A_362 = tpu.vector_load %arg12[%get3A_360, %get3A_361] {strides = array<i32>} : memref<128x128xf32, #tpu.memory_space<vmem>>, vector<16xf32>,
      %mul3A_363 = arith.mulf %get3A_359, %get3A_362 : vector<16xf32>
      %add3A_364 = arith.addf %add3A_356, %mul3A_363 : vector<16xf32>
      %get3A_365 = arith.index_cast %scan3A_333 : i32 to index
      %get3A_366 = arith.constant 64 : index
      %get3A_367 = tpu.vector_load %arg11[%get3A_365, %get3A_366] {strides = array<i32>} : memref<128x128xf32, #tpu.memory_space<vmem>>, vector<16xf32>,
      %get3A_368 = arith.index_cast %scan3A_333 : i32 to index
      %get3A_369 = arith.constant 64 : index
      %get3A_370 = tpu.vector_load %arg12[%get3A_368, %get3A_369] {strides = array<i32>} : memref<128x128xf32, #tpu.memory_space<vmem>>, vector<16xf32>,
      %mul3A_371 = arith.mulf %get3A_367, %get3A_370 : vector<16xf32>
      %add3A_372 = arith.addf %add3A_364, %mul3A_371 : vector<16xf32>
      %get3A_373 = arith.index_cast %scan3A_333 : i32 to index
      %get3A_374 = arith.constant 80 : index
      %get3A_375 = tpu.vector_load %arg11[%get3A_373, %get3A_374] {strides = array<i32>} : memref<128x128xf32, #tpu.memory_space<vmem>>, vector<16xf32>,
      %get3A_376 = arith.index_cast %scan3A_333 : i32 to index
      %get3A_377 = arith.constant 80 : index
      %get3A_378 = tpu.vector_load %arg12[%get3A_376, %get3A_377] {strides = array<i32>} : memref<128x128xf32, #tpu.memory_space<vmem>>, vector<16xf32>,
      %mul3A_379 = arith.mulf %get3A_375, %get3A_378 : vector<16xf32>
      %add3A_380 = arith.addf %add3A_372, %mul3A_379 : vector<16xf32>
      %get3A_381 = arith.index_cast %scan3A_333 : i32 to index
      %get3A_382 = arith.constant 96 : index
      %get3A_383 = tpu.vector_load %arg11[%get3A_381, %get3A_382] {strides = array<i32>} : memref<128x128xf32, #tpu.memory_space<vmem>>, vector<16xf32>,
      %get3A_384 = arith.index_cast %scan3A_333 : i32 to index
      %get3A_385 = arith.constant 96 : index
      %get3A_386 = tpu.vector_load %arg12[%get3A_384, %get3A_385] {strides = array<i32>} : memref<128x128xf32, #tpu.memory_space<vmem>>, vector<16xf32>,
      %mul3A_387 = arith.mulf %get3A_383, %get3A_386 : vector<16xf32>
      %add3A_388 = arith.addf %add3A_380, %mul3A_387 : vector<16xf32>
      %get3A_389 = arith.index_cast %scan3A_333 : i32 to index
      %get3A_390 = arith.constant 112 : index
      %get3A_391 = tpu.vector_load %arg11[%get3A_389, %get3A_390] {strides = array<i32>} : memref<128x128xf32, #tpu.memory_space<vmem>>, vector<16xf32>,
      %get3A_392 = arith.index_cast %scan3A_333 : i32 to index
      %get3A_393 = arith.constant 112 : index
      %get3A_394 = tpu.vector_load %arg12[%get3A_392, %get3A_393] {strides = array<i32>} : memref<128x128xf32, #tpu.memory_space<vmem>>, vector<16xf32>,
      %mul3A_395 = arith.mulf %get3A_391, %get3A_394 : vector<16xf32>
      %add3A_396 = arith.addf %add3A_388, %mul3A_395 : vector<16xf32>
      %reduce_sum3A_397 = arith.constant true
      %reduce_sum3A_398 = vector.broadcast %reduce_sum3A_397 : i1 to vector<16xi1>
      %reduce_sum3A_399 = tpu.scan <sum>, %add3A_396 masked %reduce_sum3A_398 : vector<16xf32>, vector<16xi1> -> vector<16xf32>
      %reduce_sum3A_400 = vector.extract %reduce_sum3A_399[15] : f32 from vector<16xf32>
      %and3A_401 = arith.constant 15 : i32
      %and3A_402 = arith.andi %scan3A_333, %and3A_401 : i32
      %eq3A_403 = vector.broadcast %and3A_402 : i32 to vector<16xi32>
      %eq3A_404 = arith.cmpi eq, %iota3A, %eq3A_403 : vector<16xi32>
      %broadcast_in_dim3A_405 = vector.broadcast %reduce_sum3A_400 : f32 to vector<16xf32>
      %select_n3A_406 = arith.select %eq3A_404, %broadcast_in_dim3A_405, %select_n3A_324 : vector<16xi1>, vector<16xf32>
      %and3A_407 = arith.constant 15 : i32
      %and3A_408 = arith.andi %scan3A_333, %and3A_407 : i32
      %eq3A_409 = arith.constant 15 : i32
      %eq3A_410 = arith.cmpi eq, %and3A_408, %eq3A_409 : i32
      %convert_element_type3A_411 = arith.extui %eq3A_410 : i1 to i32
      %cond3A_412 = arith.constant 0 : i32
      %cond3A_413 = arith.cmpi ne, %convert_element_type3A_411, %cond3A_412 : i32
      scf.if %cond3A_413 {
        %add3A_496 = arith.constant 128 : i32
        %add3A_497 = arith.addi %add3A_496, %scan3A_333 : i32
        %sub3A = arith.constant 15 : i32
        %sub3A_498 = arith.subi %add3A_497, %sub3A : i32
        %swap3A = arith.index_cast %sub3A_498 : i32 to index
        %swap3A_499 = tpu.vector_load %arg15[%swap3A] {strides = array<i32>} : memref<512xf32, #tpu.memory_space<vmem>>, vector<16xf32>,
        tpu.vector_store %arg15[%swap3A], %select_n3A_406 {strides = array<i32>} : memref<512xf32, #tpu.memory_space<vmem>>, vector<16xf32>,
      } else {
      }
      %scan3A_414 = arith.constant 3 : i32
      %scan3A_415 = arith.addi %scan3A_175, %scan3A_414 : i32
      %get3A_416 = arith.index_cast %scan3A_415 : i32 to index
      %get3A_417 = arith.constant 0 : index
      %get3A_418 = tpu.vector_load %arg11[%get3A_416, %get3A_417] {strides = array<i32>} : memref<128x128xf32, #tpu.memory_space<vmem>>, vector<16xf32>,
      %get3A_419 = arith.index_cast %scan3A_415 : i32 to index
      %get3A_420 = arith.constant 0 : index
      %get3A_421 = tpu.vector_load %arg12[%get3A_419, %get3A_420] {strides = array<i32>} : memref<128x128xf32, #tpu.memory_space<vmem>>, vector<16xf32>,
      %mul3A_422 = arith.mulf %get3A_418, %get3A_421 : vector<16xf32>
      %get3A_423 = arith.index_cast %scan3A_415 : i32 to index
      %get3A_424 = arith.constant 16 : index
      %get3A_425 = tpu.vector_load %arg11[%get3A_423, %get3A_424] {strides = array<i32>} : memref<128x128xf32, #tpu.memory_space<vmem>>, vector<16xf32>,
      %get3A_426 = arith.index_cast %scan3A_415 : i32 to index
      %get3A_427 = arith.constant 16 : index
      %get3A_428 = tpu.vector_load %arg12[%get3A_426, %get3A_427] {strides = array<i32>} : memref<128x128xf32, #tpu.memory_space<vmem>>, vector<16xf32>,
      %mul3A_429 = arith.mulf %get3A_425, %get3A_428 : vector<16xf32>
      %add3A_430 = arith.addf %mul3A_422, %mul3A_429 : vector<16xf32>
      %get3A_431 = arith.index_cast %scan3A_415 : i32 to index
      %get3A_432 = arith.constant 32 : index
      %get3A_433 = tpu.vector_load %arg11[%get3A_431, %get3A_432] {strides = array<i32>} : memref<128x128xf32, #tpu.memory_space<vmem>>, vector<16xf32>,
      %get3A_434 = arith.index_cast %scan3A_415 : i32 to index
      %get3A_435 = arith.constant 32 : index
      %get3A_436 = tpu.vector_load %arg12[%get3A_434, %get3A_435] {strides = array<i32>} : memref<128x128xf32, #tpu.memory_space<vmem>>, vector<16xf32>,
      %mul3A_437 = arith.mulf %get3A_433, %get3A_436 : vector<16xf32>
      %add3A_438 = arith.addf %add3A_430, %mul3A_437 : vector<16xf32>
      %get3A_439 = arith.index_cast %scan3A_415 : i32 to index
      %get3A_440 = arith.constant 48 : index
      %get3A_441 = tpu.vector_load %arg11[%get3A_439, %get3A_440] {strides = array<i32>} : memref<128x128xf32, #tpu.memory_space<vmem>>, vector<16xf32>,
      %get3A_442 = arith.index_cast %scan3A_415 : i32 to index
      %get3A_443 = arith.constant 48 : index
      %get3A_444 = tpu.vector_load %arg12[%get3A_442, %get3A_443] {strides = array<i32>} : memref<128x128xf32, #tpu.memory_space<vmem>>, vector<16xf32>,
      %mul3A_445 = arith.mulf %get3A_441, %get3A_444 : vector<16xf32>
      %add3A_446 = arith.addf %add3A_438, %mul3A_445 : vector<16xf32>
      %get3A_447 = arith.index_cast %scan3A_415 : i32 to index
      %get3A_448 = arith.constant 64 : index
      %get3A_449 = tpu.vector_load %arg11[%get3A_447, %get3A_448] {strides = array<i32>} : memref<128x128xf32, #tpu.memory_space<vmem>>, vector<16xf32>,
      %get3A_450 = arith.index_cast %scan3A_415 : i32 to index
      %get3A_451 = arith.constant 64 : index
      %get3A_452 = tpu.vector_load %arg12[%get3A_450, %get3A_451] {strides = array<i32>} : memref<128x128xf32, #tpu.memory_space<vmem>>, vector<16xf32>,
      %mul3A_453 = arith.mulf %get3A_449, %get3A_452 : vector<16xf32>
      %add3A_454 = arith.addf %add3A_446, %mul3A_453 : vector<16xf32>
      %get3A_455 = arith.index_cast %scan3A_415 : i32 to index
      %get3A_456 = arith.constant 80 : index
      %get3A_457 = tpu.vector_load %arg11[%get3A_455, %get3A_456] {strides = array<i32>} : memref<128x128xf32, #tpu.memory_space<vmem>>, vector<16xf32>,
      %get3A_458 = arith.index_cast %scan3A_415 : i32 to index
      %get3A_459 = arith.constant 80 : index
      %get3A_460 = tpu.vector_load %arg12[%get3A_458, %get3A_459] {strides = array<i32>} : memref<128x128xf32, #tpu.memory_space<vmem>>, vector<16xf32>,
      %mul3A_461 = arith.mulf %get3A_457, %get3A_460 : vector<16xf32>
      %add3A_462 = arith.addf %add3A_454, %mul3A_461 : vector<16xf32>
      %get3A_463 = arith.index_cast %scan3A_415 : i32 to index
      %get3A_464 = arith.constant 96 : index
      %get3A_465 = tpu.vector_load %arg11[%get3A_463, %get3A_464] {strides = array<i32>} : memref<128x128xf32, #tpu.memory_space<vmem>>, vector<16xf32>,
      %get3A_466 = arith.index_cast %scan3A_415 : i32 to index
      %get3A_467 = arith.constant 96 : index
      %get3A_468 = tpu.vector_load %arg12[%get3A_466, %get3A_467] {strides = array<i32>} : memref<128x128xf32, #tpu.memory_space<vmem>>, vector<16xf32>,
      %mul3A_469 = arith.mulf %get3A_465, %get3A_468 : vector<16xf32>
      %add3A_470 = arith.addf %add3A_462, %mul3A_469 : vector<16xf32>
      %get3A_471 = arith.index_cast %scan3A_415 : i32 to index
      %get3A_472 = arith.constant 112 : index
      %get3A_473 = tpu.vector_load %arg11[%get3A_471, %get3A_472] {strides = array<i32>} : memref<128x128xf32, #tpu.memory_space<vmem>>, vector<16xf32>,
      %get3A_474 = arith.index_cast %scan3A_415 : i32 to index
      %get3A_475 = arith.constant 112 : index
      %get3A_476 = tpu.vector_load %arg12[%get3A_474, %get3A_475] {strides = array<i32>} : memref<128x128xf32, #tpu.memory_space<vmem>>, vector<16xf32>,
      %mul3A_477 = arith.mulf %get3A_473, %get3A_476 : vector<16xf32>
      %add3A_478 = arith.addf %add3A_470, %mul3A_477 : vector<16xf32>
      %reduce_sum3A_479 = arith.constant true
      %reduce_sum3A_480 = vector.broadcast %reduce_sum3A_479 : i1 to vector<16xi1>
      %reduce_sum3A_481 = tpu.scan <sum>, %add3A_478 masked %reduce_sum3A_480 : vector<16xf32>, vector<16xi1> -> vector<16xf32>
      %reduce_sum3A_482 = vector.extract %reduce_sum3A_481[15] : f32 from vector<16xf32>
      %and3A_483 = arith.constant 15 : i32
      %and3A_484 = arith.andi %scan3A_415, %and3A_483 : i32
      %eq3A_485 = vector.broadcast %and3A_484 : i32 to vector<16xi32>
      %eq3A_486 = arith.cmpi eq, %iota3A, %eq3A_485 : vector<16xi32>
      %broadcast_in_dim3A_487 = vector.broadcast %reduce_sum3A_482 : f32 to vector<16xf32>
      %select_n3A_488 = arith.select %eq3A_486, %broadcast_in_dim3A_487, %select_n3A_406 : vector<16xi1>, vector<16xf32>
      %and3A_489 = arith.constant 15 : i32
      %and3A_490 = arith.andi %scan3A_415, %and3A_489 : i32
      %eq3A_491 = arith.constant 15 : i32
      %eq3A_492 = arith.cmpi eq, %and3A_490, %eq3A_491 : i32
      %convert_element_type3A_493 = arith.extui %eq3A_492 : i1 to i32
      %cond3A_494 = arith.constant 0 : i32
      %cond3A_495 = arith.cmpi ne, %convert_element_type3A_493, %cond3A_494 : i32
      scf.if %cond3A_495 {
        %add3A_496 = arith.constant 128 : i32
        %add3A_497 = arith.addi %add3A_496, %scan3A_415 : i32
        %sub3A = arith.constant 15 : i32
        %sub3A_498 = arith.subi %add3A_497, %sub3A : i32
        %swap3A = arith.index_cast %sub3A_498 : i32 to index
        %swap3A_499 = tpu.vector_load %arg15[%swap3A] {strides = array<i32>} : memref<512xf32, #tpu.memory_space<vmem>>, vector<16xf32>,
        tpu.vector_store %arg15[%swap3A], %select_n3A_488 {strides = array<i32>} : memref<512xf32, #tpu.memory_space<vmem>>, vector<16xf32>,
      } else {
      }
      scf.yield %select_n3A_488 : vector<16xf32>
    }
    %scan3A_130 = arith.constant 128 : i32
    %dma_wait3A_131 = arith.constant 2 : i32
    %dma_wait3A_132 = arith.constant 0 : i32
    %dma_wait3A_133 = tpu.memref_slice %arg7[%dma_wait3A_131, %dma_wait3A_132] : memref<4x128xi32, #tpu.memory_space<vmem>> -> memref<1x128xi32, #tpu.memory_space<vmem>>
    %dma_wait3A_134 = tpu.memref_squeeze %dma_wait3A_133 : memref<1x128xi32, #tpu.memory_space<vmem>> -> memref<128xi32, #tpu.memory_space<vmem>>
    %dma_wait3A_135 = arith.constant 0 : i32
    %dma_wait3A_136 = arith.constant 0 : i32
    %dma_wait3A_137 = tpu.memref_slice %arg4[%dma_wait3A_135, %dma_wait3A_136] : memref<100000x128xf32, #tpu.memory_space<hbm>> -> memref<100000x128xf32, #tpu.memory_space<hbm>>
    tpu.wait_indirect_dma semaphore(%arg18 : memref<!tpu.dma_semaphore, #tpu.memory_space<semaphore_mem>>) src(%dma_wait3A_137 : memref<100000x128xf32, #tpu.memory_space<hbm>>) dst(%arg13 : memref<128x128xf32, #tpu.memory_space<vmem>>)
    %dma_wait3A_138 = arith.constant 2 : i32
    %dma_wait3A_139 = arith.constant 0 : i32
    %dma_wait3A_140 = tpu.memref_slice %arg8[%dma_wait3A_138, %dma_wait3A_139] : memref<4x128xi32, #tpu.memory_space<vmem>> -> memref<1x128xi32, #tpu.memory_space<vmem>>
    %dma_wait3A_141 = tpu.memref_squeeze %dma_wait3A_140 : memref<1x128xi32, #tpu.memory_space<vmem>> -> memref<128xi32, #tpu.memory_space<vmem>>
    %dma_wait3A_142 = arith.constant 0 : i32
    %dma_wait3A_143 = arith.constant 0 : i32
    %dma_wait3A_144 = tpu.memref_slice %arg5[%dma_wait3A_142, %dma_wait3A_143] : memref<100000x128xf32, #tpu.memory_space<hbm>> -> memref<100000x128xf32, #tpu.memory_space<hbm>>
    tpu.wait_indirect_dma semaphore(%arg18 : memref<!tpu.dma_semaphore, #tpu.memory_space<semaphore_mem>>) src(%dma_wait3A_144 : memref<100000x128xf32, #tpu.memory_space<hbm>>) dst(%arg14 : memref<128x128xf32, #tpu.memory_space<vmem>>)
    %broadcast_in_dim3A_145 = arith.constant 0.000000e+00 : f32
    %broadcast_in_dim3A_146 = vector.broadcast %broadcast_in_dim3A_145 : f32 to vector<16xf32>
    %scan3A_147 = arith.constant 0 : i32
    %scan3A_148 = arith.constant 128 : i32
    %scan3A_149 = arith.addi %scan3A_147, %scan3A_148 : i32
    %scan3A_150 = arith.constant 4 : i32
    %scan3A_151 = scf.for %scan3A_175 = %scan3A_147 to %scan3A_149 step %scan3A_150 iter_args(%scan3A_176 = %broadcast_in_dim3A_146) -> (vector<16xf32>)  : i32 {
      %get3A = arith.index_cast %scan3A_175 : i32 to index
      %get3A_177 = arith.constant 0 : index
      %get3A_178 = tpu.vector_load %arg13[%get3A, %get3A_177] {strides = array<i32>} : memref<128x128xf32, #tpu.memory_space<vmem>>, vector<16xf32>,
      %get3A_179 = arith.index_cast %scan3A_175 : i32 to index
      %get3A_180 = arith.constant 0 : index
      %get3A_181 = tpu.vector_load %arg14[%get3A_179, %get3A_180] {strides = array<i32>} : memref<128x128xf32, #tpu.memory_space<vmem>>, vector<16xf32>,
      %mul3A_182 = arith.mulf %get3A_178, %get3A_181 : vector<16xf32>
      %get3A_183 = arith.index_cast %scan3A_175 : i32 to index
      %get3A_184 = arith.constant 16 : index
      %get3A_185 = tpu.vector_load %arg13[%get3A_183, %get3A_184] {strides = array<i32>} : memref<128x128xf32, #tpu.memory_space<vmem>>, vector<16xf32>,
      %get3A_186 = arith.index_cast %scan3A_175 : i32 to index
      %get3A_187 = arith.constant 16 : index
      %get3A_188 = tpu.vector_load %arg14[%get3A_186, %get3A_187] {strides = array<i32>} : memref<128x128xf32, #tpu.memory_space<vmem>>, vector<16xf32>,
      %mul3A_189 = arith.mulf %get3A_185, %get3A_188 : vector<16xf32>
      %add3A_190 = arith.addf %mul3A_182, %mul3A_189 : vector<16xf32>
      %get3A_191 = arith.index_cast %scan3A_175 : i32 to index
      %get3A_192 = arith.constant 32 : index
      %get3A_193 = tpu.vector_load %arg13[%get3A_191, %get3A_192] {strides = array<i32>} : memref<128x128xf32, #tpu.memory_space<vmem>>, vector<16xf32>,
      %get3A_194 = arith.index_cast %scan3A_175 : i32 to index
      %get3A_195 = arith.constant 32 : index
      %get3A_196 = tpu.vector_load %arg14[%get3A_194, %get3A_195] {strides = array<i32>} : memref<128x128xf32, #tpu.memory_space<vmem>>, vector<16xf32>,
      %mul3A_197 = arith.mulf %get3A_193, %get3A_196 : vector<16xf32>
      %add3A_198 = arith.addf %add3A_190, %mul3A_197 : vector<16xf32>
      %get3A_199 = arith.index_cast %scan3A_175 : i32 to index
      %get3A_200 = arith.constant 48 : index
      %get3A_201 = tpu.vector_load %arg13[%get3A_199, %get3A_200] {strides = array<i32>} : memref<128x128xf32, #tpu.memory_space<vmem>>, vector<16xf32>,
      %get3A_202 = arith.index_cast %scan3A_175 : i32 to index
      %get3A_203 = arith.constant 48 : index
      %get3A_204 = tpu.vector_load %arg14[%get3A_202, %get3A_203] {strides = array<i32>} : memref<128x128xf32, #tpu.memory_space<vmem>>, vector<16xf32>,
      %mul3A_205 = arith.mulf %get3A_201, %get3A_204 : vector<16xf32>
      %add3A_206 = arith.addf %add3A_198, %mul3A_205 : vector<16xf32>
      %get3A_207 = arith.index_cast %scan3A_175 : i32 to index
      %get3A_208 = arith.constant 64 : index
      %get3A_209 = tpu.vector_load %arg13[%get3A_207, %get3A_208] {strides = array<i32>} : memref<128x128xf32, #tpu.memory_space<vmem>>, vector<16xf32>,
      %get3A_210 = arith.index_cast %scan3A_175 : i32 to index
      %get3A_211 = arith.constant 64 : index
      %get3A_212 = tpu.vector_load %arg14[%get3A_210, %get3A_211] {strides = array<i32>} : memref<128x128xf32, #tpu.memory_space<vmem>>, vector<16xf32>,
      %mul3A_213 = arith.mulf %get3A_209, %get3A_212 : vector<16xf32>
      %add3A_214 = arith.addf %add3A_206, %mul3A_213 : vector<16xf32>
      %get3A_215 = arith.index_cast %scan3A_175 : i32 to index
      %get3A_216 = arith.constant 80 : index
      %get3A_217 = tpu.vector_load %arg13[%get3A_215, %get3A_216] {strides = array<i32>} : memref<128x128xf32, #tpu.memory_space<vmem>>, vector<16xf32>,
      %get3A_218 = arith.index_cast %scan3A_175 : i32 to index
      %get3A_219 = arith.constant 80 : index
      %get3A_220 = tpu.vector_load %arg14[%get3A_218, %get3A_219] {strides = array<i32>} : memref<128x128xf32, #tpu.memory_space<vmem>>, vector<16xf32>,
      %mul3A_221 = arith.mulf %get3A_217, %get3A_220 : vector<16xf32>
      %add3A_222 = arith.addf %add3A_214, %mul3A_221 : vector<16xf32>
      %get3A_223 = arith.index_cast %scan3A_175 : i32 to index
      %get3A_224 = arith.constant 96 : index
      %get3A_225 = tpu.vector_load %arg13[%get3A_223, %get3A_224] {strides = array<i32>} : memref<128x128xf32, #tpu.memory_space<vmem>>, vector<16xf32>,
      %get3A_226 = arith.index_cast %scan3A_175 : i32 to index
      %get3A_227 = arith.constant 96 : index
      %get3A_228 = tpu.vector_load %arg14[%get3A_226, %get3A_227] {strides = array<i32>} : memref<128x128xf32, #tpu.memory_space<vmem>>, vector<16xf32>,
      %mul3A_229 = arith.mulf %get3A_225, %get3A_228 : vector<16xf32>
      %add3A_230 = arith.addf %add3A_222, %mul3A_229 : vector<16xf32>
      %get3A_231 = arith.index_cast %scan3A_175 : i32 to index
      %get3A_232 = arith.constant 112 : index
      %get3A_233 = tpu.vector_load %arg13[%get3A_231, %get3A_232] {strides = array<i32>} : memref<128x128xf32, #tpu.memory_space<vmem>>, vector<16xf32>,
      %get3A_234 = arith.index_cast %scan3A_175 : i32 to index
      %get3A_235 = arith.constant 112 : index
      %get3A_236 = tpu.vector_load %arg14[%get3A_234, %get3A_235] {strides = array<i32>} : memref<128x128xf32, #tpu.memory_space<vmem>>, vector<16xf32>,
      %mul3A_237 = arith.mulf %get3A_233, %get3A_236 : vector<16xf32>
      %add3A_238 = arith.addf %add3A_230, %mul3A_237 : vector<16xf32>
      %reduce_sum3A = arith.constant true
      %reduce_sum3A_239 = vector.broadcast %reduce_sum3A : i1 to vector<16xi1>
      %reduce_sum3A_240 = tpu.scan <sum>, %add3A_238 masked %reduce_sum3A_239 : vector<16xf32>, vector<16xi1> -> vector<16xf32>
      %reduce_sum3A_241 = vector.extract %reduce_sum3A_240[15] : f32 from vector<16xf32>
      %and3A = arith.constant 15 : i32
      %and3A_242 = arith.andi %scan3A_175, %and3A : i32
      %eq3A = vector.broadcast %and3A_242 : i32 to vector<16xi32>
      %eq3A_243 = arith.cmpi eq, %iota3A, %eq3A : vector<16xi32>
      %broadcast_in_dim3A_244 = vector.broadcast %reduce_sum3A_241 : f32 to vector<16xf32>
      %select_n3A = arith.select %eq3A_243, %broadcast_in_dim3A_244, %scan3A_176 : vector<16xi1>, vector<16xf32>
      %and3A_245 = arith.constant 15 : i32
      %and3A_246 = arith.andi %scan3A_175, %and3A_245 : i32
      %eq3A_247 = arith.constant 15 : i32
      %eq3A_248 = arith.cmpi eq, %and3A_246, %eq3A_247 : i32
      %convert_element_type3A = arith.extui %eq3A_248 : i1 to i32
      %cond3A = arith.constant 0 : i32
      %cond3A_249 = arith.cmpi ne, %convert_element_type3A, %cond3A : i32
      scf.if %cond3A_249 {
        %add3A_496 = arith.constant 256 : i32
        %add3A_497 = arith.addi %add3A_496, %scan3A_175 : i32
        %sub3A = arith.constant 15 : i32
        %sub3A_498 = arith.subi %add3A_497, %sub3A : i32
        %swap3A = arith.index_cast %sub3A_498 : i32 to index
        %swap3A_499 = tpu.vector_load %arg15[%swap3A] {strides = array<i32>} : memref<512xf32, #tpu.memory_space<vmem>>, vector<16xf32>,
        tpu.vector_store %arg15[%swap3A], %select_n3A {strides = array<i32>} : memref<512xf32, #tpu.memory_space<vmem>>, vector<16xf32>,
      } else {
      }
      %scan3A_250 = arith.constant 1 : i32
      %scan3A_251 = arith.addi %scan3A_175, %scan3A_250 : i32
      %get3A_252 = arith.index_cast %scan3A_251 : i32 to index
      %get3A_253 = arith.constant 0 : index
      %get3A_254 = tpu.vector_load %arg13[%get3A_252, %get3A_253] {strides = array<i32>} : memref<128x128xf32, #tpu.memory_space<vmem>>, vector<16xf32>,
      %get3A_255 = arith.index_cast %scan3A_251 : i32 to index
      %get3A_256 = arith.constant 0 : index
      %get3A_257 = tpu.vector_load %arg14[%get3A_255, %get3A_256] {strides = array<i32>} : memref<128x128xf32, #tpu.memory_space<vmem>>, vector<16xf32>,
      %mul3A_258 = arith.mulf %get3A_254, %get3A_257 : vector<16xf32>
      %get3A_259 = arith.index_cast %scan3A_251 : i32 to index
      %get3A_260 = arith.constant 16 : index
      %get3A_261 = tpu.vector_load %arg13[%get3A_259, %get3A_260] {strides = array<i32>} : memref<128x128xf32, #tpu.memory_space<vmem>>, vector<16xf32>,
      %get3A_262 = arith.index_cast %scan3A_251 : i32 to index
      %get3A_263 = arith.constant 16 : index
      %get3A_264 = tpu.vector_load %arg14[%get3A_262, %get3A_263] {strides = array<i32>} : memref<128x128xf32, #tpu.memory_space<vmem>>, vector<16xf32>,
      %mul3A_265 = arith.mulf %get3A_261, %get3A_264 : vector<16xf32>
      %add3A_266 = arith.addf %mul3A_258, %mul3A_265 : vector<16xf32>
      %get3A_267 = arith.index_cast %scan3A_251 : i32 to index
      %get3A_268 = arith.constant 32 : index
      %get3A_269 = tpu.vector_load %arg13[%get3A_267, %get3A_268] {strides = array<i32>} : memref<128x128xf32, #tpu.memory_space<vmem>>, vector<16xf32>,
      %get3A_270 = arith.index_cast %scan3A_251 : i32 to index
      %get3A_271 = arith.constant 32 : index
      %get3A_272 = tpu.vector_load %arg14[%get3A_270, %get3A_271] {strides = array<i32>} : memref<128x128xf32, #tpu.memory_space<vmem>>, vector<16xf32>,
      %mul3A_273 = arith.mulf %get3A_269, %get3A_272 : vector<16xf32>
      %add3A_274 = arith.addf %add3A_266, %mul3A_273 : vector<16xf32>
      %get3A_275 = arith.index_cast %scan3A_251 : i32 to index
      %get3A_276 = arith.constant 48 : index
      %get3A_277 = tpu.vector_load %arg13[%get3A_275, %get3A_276] {strides = array<i32>} : memref<128x128xf32, #tpu.memory_space<vmem>>, vector<16xf32>,
      %get3A_278 = arith.index_cast %scan3A_251 : i32 to index
      %get3A_279 = arith.constant 48 : index
      %get3A_280 = tpu.vector_load %arg14[%get3A_278, %get3A_279] {strides = array<i32>} : memref<128x128xf32, #tpu.memory_space<vmem>>, vector<16xf32>,
      %mul3A_281 = arith.mulf %get3A_277, %get3A_280 : vector<16xf32>
      %add3A_282 = arith.addf %add3A_274, %mul3A_281 : vector<16xf32>
      %get3A_283 = arith.index_cast %scan3A_251 : i32 to index
      %get3A_284 = arith.constant 64 : index
      %get3A_285 = tpu.vector_load %arg13[%get3A_283, %get3A_284] {strides = array<i32>} : memref<128x128xf32, #tpu.memory_space<vmem>>, vector<16xf32>,
      %get3A_286 = arith.index_cast %scan3A_251 : i32 to index
      %get3A_287 = arith.constant 64 : index
      %get3A_288 = tpu.vector_load %arg14[%get3A_286, %get3A_287] {strides = array<i32>} : memref<128x128xf32, #tpu.memory_space<vmem>>, vector<16xf32>,
      %mul3A_289 = arith.mulf %get3A_285, %get3A_288 : vector<16xf32>
      %add3A_290 = arith.addf %add3A_282, %mul3A_289 : vector<16xf32>
      %get3A_291 = arith.index_cast %scan3A_251 : i32 to index
      %get3A_292 = arith.constant 80 : index
      %get3A_293 = tpu.vector_load %arg13[%get3A_291, %get3A_292] {strides = array<i32>} : memref<128x128xf32, #tpu.memory_space<vmem>>, vector<16xf32>,
      %get3A_294 = arith.index_cast %scan3A_251 : i32 to index
      %get3A_295 = arith.constant 80 : index
      %get3A_296 = tpu.vector_load %arg14[%get3A_294, %get3A_295] {strides = array<i32>} : memref<128x128xf32, #tpu.memory_space<vmem>>, vector<16xf32>,
      %mul3A_297 = arith.mulf %get3A_293, %get3A_296 : vector<16xf32>
      %add3A_298 = arith.addf %add3A_290, %mul3A_297 : vector<16xf32>
      %get3A_299 = arith.index_cast %scan3A_251 : i32 to index
      %get3A_300 = arith.constant 96 : index
      %get3A_301 = tpu.vector_load %arg13[%get3A_299, %get3A_300] {strides = array<i32>} : memref<128x128xf32, #tpu.memory_space<vmem>>, vector<16xf32>,
      %get3A_302 = arith.index_cast %scan3A_251 : i32 to index
      %get3A_303 = arith.constant 96 : index
      %get3A_304 = tpu.vector_load %arg14[%get3A_302, %get3A_303] {strides = array<i32>} : memref<128x128xf32, #tpu.memory_space<vmem>>, vector<16xf32>,
      %mul3A_305 = arith.mulf %get3A_301, %get3A_304 : vector<16xf32>
      %add3A_306 = arith.addf %add3A_298, %mul3A_305 : vector<16xf32>
      %get3A_307 = arith.index_cast %scan3A_251 : i32 to index
      %get3A_308 = arith.constant 112 : index
      %get3A_309 = tpu.vector_load %arg13[%get3A_307, %get3A_308] {strides = array<i32>} : memref<128x128xf32, #tpu.memory_space<vmem>>, vector<16xf32>,
      %get3A_310 = arith.index_cast %scan3A_251 : i32 to index
      %get3A_311 = arith.constant 112 : index
      %get3A_312 = tpu.vector_load %arg14[%get3A_310, %get3A_311] {strides = array<i32>} : memref<128x128xf32, #tpu.memory_space<vmem>>, vector<16xf32>,
      %mul3A_313 = arith.mulf %get3A_309, %get3A_312 : vector<16xf32>
      %add3A_314 = arith.addf %add3A_306, %mul3A_313 : vector<16xf32>
      %reduce_sum3A_315 = arith.constant true
      %reduce_sum3A_316 = vector.broadcast %reduce_sum3A_315 : i1 to vector<16xi1>
      %reduce_sum3A_317 = tpu.scan <sum>, %add3A_314 masked %reduce_sum3A_316 : vector<16xf32>, vector<16xi1> -> vector<16xf32>
      %reduce_sum3A_318 = vector.extract %reduce_sum3A_317[15] : f32 from vector<16xf32>
      %and3A_319 = arith.constant 15 : i32
      %and3A_320 = arith.andi %scan3A_251, %and3A_319 : i32
      %eq3A_321 = vector.broadcast %and3A_320 : i32 to vector<16xi32>
      %eq3A_322 = arith.cmpi eq, %iota3A, %eq3A_321 : vector<16xi32>
      %broadcast_in_dim3A_323 = vector.broadcast %reduce_sum3A_318 : f32 to vector<16xf32>
      %select_n3A_324 = arith.select %eq3A_322, %broadcast_in_dim3A_323, %select_n3A : vector<16xi1>, vector<16xf32>
      %and3A_325 = arith.constant 15 : i32
      %and3A_326 = arith.andi %scan3A_251, %and3A_325 : i32
      %eq3A_327 = arith.constant 15 : i32
      %eq3A_328 = arith.cmpi eq, %and3A_326, %eq3A_327 : i32
      %convert_element_type3A_329 = arith.extui %eq3A_328 : i1 to i32
      %cond3A_330 = arith.constant 0 : i32
      %cond3A_331 = arith.cmpi ne, %convert_element_type3A_329, %cond3A_330 : i32
      scf.if %cond3A_331 {
        %add3A_496 = arith.constant 256 : i32
        %add3A_497 = arith.addi %add3A_496, %scan3A_251 : i32
        %sub3A = arith.constant 15 : i32
        %sub3A_498 = arith.subi %add3A_497, %sub3A : i32
        %swap3A = arith.index_cast %sub3A_498 : i32 to index
        %swap3A_499 = tpu.vector_load %arg15[%swap3A] {strides = array<i32>} : memref<512xf32, #tpu.memory_space<vmem>>, vector<16xf32>,
        tpu.vector_store %arg15[%swap3A], %select_n3A_324 {strides = array<i32>} : memref<512xf32, #tpu.memory_space<vmem>>, vector<16xf32>,
      } else {
      }
      %scan3A_332 = arith.constant 2 : i32
      %scan3A_333 = arith.addi %scan3A_175, %scan3A_332 : i32
      %get3A_334 = arith.index_cast %scan3A_333 : i32 to index
      %get3A_335 = arith.constant 0 : index
      %get3A_336 = tpu.vector_load %arg13[%get3A_334, %get3A_335] {strides = array<i32>} : memref<128x128xf32, #tpu.memory_space<vmem>>, vector<16xf32>,
      %get3A_337 = arith.index_cast %scan3A_333 : i32 to index
      %get3A_338 = arith.constant 0 : index
      %get3A_339 = tpu.vector_load %arg14[%get3A_337, %get3A_338] {strides = array<i32>} : memref<128x128xf32, #tpu.memory_space<vmem>>, vector<16xf32>,
      %mul3A_340 = arith.mulf %get3A_336, %get3A_339 : vector<16xf32>
      %get3A_341 = arith.index_cast %scan3A_333 : i32 to index
      %get3A_342 = arith.constant 16 : index
      %get3A_343 = tpu.vector_load %arg13[%get3A_341, %get3A_342] {strides = array<i32>} : memref<128x128xf32, #tpu.memory_space<vmem>>, vector<16xf32>,
      %get3A_344 = arith.index_cast %scan3A_333 : i32 to index
      %get3A_345 = arith.constant 16 : index
      %get3A_346 = tpu.vector_load %arg14[%get3A_344, %get3A_345] {strides = array<i32>} : memref<128x128xf32, #tpu.memory_space<vmem>>, vector<16xf32>,
      %mul3A_347 = arith.mulf %get3A_343, %get3A_346 : vector<16xf32>
      %add3A_348 = arith.addf %mul3A_340, %mul3A_347 : vector<16xf32>
      %get3A_349 = arith.index_cast %scan3A_333 : i32 to index
      %get3A_350 = arith.constant 32 : index
      %get3A_351 = tpu.vector_load %arg13[%get3A_349, %get3A_350] {strides = array<i32>} : memref<128x128xf32, #tpu.memory_space<vmem>>, vector<16xf32>,
      %get3A_352 = arith.index_cast %scan3A_333 : i32 to index
      %get3A_353 = arith.constant 32 : index
      %get3A_354 = tpu.vector_load %arg14[%get3A_352, %get3A_353] {strides = array<i32>} : memref<128x128xf32, #tpu.memory_space<vmem>>, vector<16xf32>,
      %mul3A_355 = arith.mulf %get3A_351, %get3A_354 : vector<16xf32>
      %add3A_356 = arith.addf %add3A_348, %mul3A_355 : vector<16xf32>
      %get3A_357 = arith.index_cast %scan3A_333 : i32 to index
      %get3A_358 = arith.constant 48 : index
      %get3A_359 = tpu.vector_load %arg13[%get3A_357, %get3A_358] {strides = array<i32>} : memref<128x128xf32, #tpu.memory_space<vmem>>, vector<16xf32>,
      %get3A_360 = arith.index_cast %scan3A_333 : i32 to index
      %get3A_361 = arith.constant 48 : index
      %get3A_362 = tpu.vector_load %arg14[%get3A_360, %get3A_361] {strides = array<i32>} : memref<128x128xf32, #tpu.memory_space<vmem>>, vector<16xf32>,
      %mul3A_363 = arith.mulf %get3A_359, %get3A_362 : vector<16xf32>
      %add3A_364 = arith.addf %add3A_356, %mul3A_363 : vector<16xf32>
      %get3A_365 = arith.index_cast %scan3A_333 : i32 to index
      %get3A_366 = arith.constant 64 : index
      %get3A_367 = tpu.vector_load %arg13[%get3A_365, %get3A_366] {strides = array<i32>} : memref<128x128xf32, #tpu.memory_space<vmem>>, vector<16xf32>,
      %get3A_368 = arith.index_cast %scan3A_333 : i32 to index
      %get3A_369 = arith.constant 64 : index
      %get3A_370 = tpu.vector_load %arg14[%get3A_368, %get3A_369] {strides = array<i32>} : memref<128x128xf32, #tpu.memory_space<vmem>>, vector<16xf32>,
      %mul3A_371 = arith.mulf %get3A_367, %get3A_370 : vector<16xf32>
      %add3A_372 = arith.addf %add3A_364, %mul3A_371 : vector<16xf32>
      %get3A_373 = arith.index_cast %scan3A_333 : i32 to index
      %get3A_374 = arith.constant 80 : index
      %get3A_375 = tpu.vector_load %arg13[%get3A_373, %get3A_374] {strides = array<i32>} : memref<128x128xf32, #tpu.memory_space<vmem>>, vector<16xf32>,
      %get3A_376 = arith.index_cast %scan3A_333 : i32 to index
      %get3A_377 = arith.constant 80 : index
      %get3A_378 = tpu.vector_load %arg14[%get3A_376, %get3A_377] {strides = array<i32>} : memref<128x128xf32, #tpu.memory_space<vmem>>, vector<16xf32>,
      %mul3A_379 = arith.mulf %get3A_375, %get3A_378 : vector<16xf32>
      %add3A_380 = arith.addf %add3A_372, %mul3A_379 : vector<16xf32>
      %get3A_381 = arith.index_cast %scan3A_333 : i32 to index
      %get3A_382 = arith.constant 96 : index
      %get3A_383 = tpu.vector_load %arg13[%get3A_381, %get3A_382] {strides = array<i32>} : memref<128x128xf32, #tpu.memory_space<vmem>>, vector<16xf32>,
      %get3A_384 = arith.index_cast %scan3A_333 : i32 to index
      %get3A_385 = arith.constant 96 : index
      %get3A_386 = tpu.vector_load %arg14[%get3A_384, %get3A_385] {strides = array<i32>} : memref<128x128xf32, #tpu.memory_space<vmem>>, vector<16xf32>,
      %mul3A_387 = arith.mulf %get3A_383, %get3A_386 : vector<16xf32>
      %add3A_388 = arith.addf %add3A_380, %mul3A_387 : vector<16xf32>
      %get3A_389 = arith.index_cast %scan3A_333 : i32 to index
      %get3A_390 = arith.constant 112 : index
      %get3A_391 = tpu.vector_load %arg13[%get3A_389, %get3A_390] {strides = array<i32>} : memref<128x128xf32, #tpu.memory_space<vmem>>, vector<16xf32>,
      %get3A_392 = arith.index_cast %scan3A_333 : i32 to index
      %get3A_393 = arith.constant 112 : index
      %get3A_394 = tpu.vector_load %arg14[%get3A_392, %get3A_393] {strides = array<i32>} : memref<128x128xf32, #tpu.memory_space<vmem>>, vector<16xf32>,
      %mul3A_395 = arith.mulf %get3A_391, %get3A_394 : vector<16xf32>
      %add3A_396 = arith.addf %add3A_388, %mul3A_395 : vector<16xf32>
      %reduce_sum3A_397 = arith.constant true
      %reduce_sum3A_398 = vector.broadcast %reduce_sum3A_397 : i1 to vector<16xi1>
      %reduce_sum3A_399 = tpu.scan <sum>, %add3A_396 masked %reduce_sum3A_398 : vector<16xf32>, vector<16xi1> -> vector<16xf32>
      %reduce_sum3A_400 = vector.extract %reduce_sum3A_399[15] : f32 from vector<16xf32>
      %and3A_401 = arith.constant 15 : i32
      %and3A_402 = arith.andi %scan3A_333, %and3A_401 : i32
      %eq3A_403 = vector.broadcast %and3A_402 : i32 to vector<16xi32>
      %eq3A_404 = arith.cmpi eq, %iota3A, %eq3A_403 : vector<16xi32>
      %broadcast_in_dim3A_405 = vector.broadcast %reduce_sum3A_400 : f32 to vector<16xf32>
      %select_n3A_406 = arith.select %eq3A_404, %broadcast_in_dim3A_405, %select_n3A_324 : vector<16xi1>, vector<16xf32>
      %and3A_407 = arith.constant 15 : i32
      %and3A_408 = arith.andi %scan3A_333, %and3A_407 : i32
      %eq3A_409 = arith.constant 15 : i32
      %eq3A_410 = arith.cmpi eq, %and3A_408, %eq3A_409 : i32
      %convert_element_type3A_411 = arith.extui %eq3A_410 : i1 to i32
      %cond3A_412 = arith.constant 0 : i32
      %cond3A_413 = arith.cmpi ne, %convert_element_type3A_411, %cond3A_412 : i32
      scf.if %cond3A_413 {
        %add3A_496 = arith.constant 256 : i32
        %add3A_497 = arith.addi %add3A_496, %scan3A_333 : i32
        %sub3A = arith.constant 15 : i32
        %sub3A_498 = arith.subi %add3A_497, %sub3A : i32
        %swap3A = arith.index_cast %sub3A_498 : i32 to index
        %swap3A_499 = tpu.vector_load %arg15[%swap3A] {strides = array<i32>} : memref<512xf32, #tpu.memory_space<vmem>>, vector<16xf32>,
        tpu.vector_store %arg15[%swap3A], %select_n3A_406 {strides = array<i32>} : memref<512xf32, #tpu.memory_space<vmem>>, vector<16xf32>,
      } else {
      }
      %scan3A_414 = arith.constant 3 : i32
      %scan3A_415 = arith.addi %scan3A_175, %scan3A_414 : i32
      %get3A_416 = arith.index_cast %scan3A_415 : i32 to index
      %get3A_417 = arith.constant 0 : index
      %get3A_418 = tpu.vector_load %arg13[%get3A_416, %get3A_417] {strides = array<i32>} : memref<128x128xf32, #tpu.memory_space<vmem>>, vector<16xf32>,
      %get3A_419 = arith.index_cast %scan3A_415 : i32 to index
      %get3A_420 = arith.constant 0 : index
      %get3A_421 = tpu.vector_load %arg14[%get3A_419, %get3A_420] {strides = array<i32>} : memref<128x128xf32, #tpu.memory_space<vmem>>, vector<16xf32>,
      %mul3A_422 = arith.mulf %get3A_418, %get3A_421 : vector<16xf32>
      %get3A_423 = arith.index_cast %scan3A_415 : i32 to index
      %get3A_424 = arith.constant 16 : index
      %get3A_425 = tpu.vector_load %arg13[%get3A_423, %get3A_424] {strides = array<i32>} : memref<128x128xf32, #tpu.memory_space<vmem>>, vector<16xf32>,
      %get3A_426 = arith.index_cast %scan3A_415 : i32 to index
      %get3A_427 = arith.constant 16 : index
      %get3A_428 = tpu.vector_load %arg14[%get3A_426, %get3A_427] {strides = array<i32>} : memref<128x128xf32, #tpu.memory_space<vmem>>, vector<16xf32>,
      %mul3A_429 = arith.mulf %get3A_425, %get3A_428 : vector<16xf32>
      %add3A_430 = arith.addf %mul3A_422, %mul3A_429 : vector<16xf32>
      %get3A_431 = arith.index_cast %scan3A_415 : i32 to index
      %get3A_432 = arith.constant 32 : index
      %get3A_433 = tpu.vector_load %arg13[%get3A_431, %get3A_432] {strides = array<i32>} : memref<128x128xf32, #tpu.memory_space<vmem>>, vector<16xf32>,
      %get3A_434 = arith.index_cast %scan3A_415 : i32 to index
      %get3A_435 = arith.constant 32 : index
      %get3A_436 = tpu.vector_load %arg14[%get3A_434, %get3A_435] {strides = array<i32>} : memref<128x128xf32, #tpu.memory_space<vmem>>, vector<16xf32>,
      %mul3A_437 = arith.mulf %get3A_433, %get3A_436 : vector<16xf32>
      %add3A_438 = arith.addf %add3A_430, %mul3A_437 : vector<16xf32>
      %get3A_439 = arith.index_cast %scan3A_415 : i32 to index
      %get3A_440 = arith.constant 48 : index
      %get3A_441 = tpu.vector_load %arg13[%get3A_439, %get3A_440] {strides = array<i32>} : memref<128x128xf32, #tpu.memory_space<vmem>>, vector<16xf32>,
      %get3A_442 = arith.index_cast %scan3A_415 : i32 to index
      %get3A_443 = arith.constant 48 : index
      %get3A_444 = tpu.vector_load %arg14[%get3A_442, %get3A_443] {strides = array<i32>} : memref<128x128xf32, #tpu.memory_space<vmem>>, vector<16xf32>,
      %mul3A_445 = arith.mulf %get3A_441, %get3A_444 : vector<16xf32>
      %add3A_446 = arith.addf %add3A_438, %mul3A_445 : vector<16xf32>
      %get3A_447 = arith.index_cast %scan3A_415 : i32 to index
      %get3A_448 = arith.constant 64 : index
      %get3A_449 = tpu.vector_load %arg13[%get3A_447, %get3A_448] {strides = array<i32>} : memref<128x128xf32, #tpu.memory_space<vmem>>, vector<16xf32>,
      %get3A_450 = arith.index_cast %scan3A_415 : i32 to index
      %get3A_451 = arith.constant 64 : index
      %get3A_452 = tpu.vector_load %arg14[%get3A_450, %get3A_451] {strides = array<i32>} : memref<128x128xf32, #tpu.memory_space<vmem>>, vector<16xf32>,
      %mul3A_453 = arith.mulf %get3A_449, %get3A_452 : vector<16xf32>
      %add3A_454 = arith.addf %add3A_446, %mul3A_453 : vector<16xf32>
      %get3A_455 = arith.index_cast %scan3A_415 : i32 to index
      %get3A_456 = arith.constant 80 : index
      %get3A_457 = tpu.vector_load %arg13[%get3A_455, %get3A_456] {strides = array<i32>} : memref<128x128xf32, #tpu.memory_space<vmem>>, vector<16xf32>,
      %get3A_458 = arith.index_cast %scan3A_415 : i32 to index
      %get3A_459 = arith.constant 80 : index
      %get3A_460 = tpu.vector_load %arg14[%get3A_458, %get3A_459] {strides = array<i32>} : memref<128x128xf32, #tpu.memory_space<vmem>>, vector<16xf32>,
      %mul3A_461 = arith.mulf %get3A_457, %get3A_460 : vector<16xf32>
      %add3A_462 = arith.addf %add3A_454, %mul3A_461 : vector<16xf32>
      %get3A_463 = arith.index_cast %scan3A_415 : i32 to index
      %get3A_464 = arith.constant 96 : index
      %get3A_465 = tpu.vector_load %arg13[%get3A_463, %get3A_464] {strides = array<i32>} : memref<128x128xf32, #tpu.memory_space<vmem>>, vector<16xf32>,
      %get3A_466 = arith.index_cast %scan3A_415 : i32 to index
      %get3A_467 = arith.constant 96 : index
      %get3A_468 = tpu.vector_load %arg14[%get3A_466, %get3A_467] {strides = array<i32>} : memref<128x128xf32, #tpu.memory_space<vmem>>, vector<16xf32>,
      %mul3A_469 = arith.mulf %get3A_465, %get3A_468 : vector<16xf32>
      %add3A_470 = arith.addf %add3A_462, %mul3A_469 : vector<16xf32>
      %get3A_471 = arith.index_cast %scan3A_415 : i32 to index
      %get3A_472 = arith.constant 112 : index
      %get3A_473 = tpu.vector_load %arg13[%get3A_471, %get3A_472] {strides = array<i32>} : memref<128x128xf32, #tpu.memory_space<vmem>>, vector<16xf32>,
      %get3A_474 = arith.index_cast %scan3A_415 : i32 to index
      %get3A_475 = arith.constant 112 : index
      %get3A_476 = tpu.vector_load %arg14[%get3A_474, %get3A_475] {strides = array<i32>} : memref<128x128xf32, #tpu.memory_space<vmem>>, vector<16xf32>,
      %mul3A_477 = arith.mulf %get3A_473, %get3A_476 : vector<16xf32>
      %add3A_478 = arith.addf %add3A_470, %mul3A_477 : vector<16xf32>
      %reduce_sum3A_479 = arith.constant true
      %reduce_sum3A_480 = vector.broadcast %reduce_sum3A_479 : i1 to vector<16xi1>
      %reduce_sum3A_481 = tpu.scan <sum>, %add3A_478 masked %reduce_sum3A_480 : vector<16xf32>, vector<16xi1> -> vector<16xf32>
      %reduce_sum3A_482 = vector.extract %reduce_sum3A_481[15] : f32 from vector<16xf32>
      %and3A_483 = arith.constant 15 : i32
      %and3A_484 = arith.andi %scan3A_415, %and3A_483 : i32
      %eq3A_485 = vector.broadcast %and3A_484 : i32 to vector<16xi32>
      %eq3A_486 = arith.cmpi eq, %iota3A, %eq3A_485 : vector<16xi32>
      %broadcast_in_dim3A_487 = vector.broadcast %reduce_sum3A_482 : f32 to vector<16xf32>
      %select_n3A_488 = arith.select %eq3A_486, %broadcast_in_dim3A_487, %select_n3A_406 : vector<16xi1>, vector<16xf32>
      %and3A_489 = arith.constant 15 : i32
      %and3A_490 = arith.andi %scan3A_415, %and3A_489 : i32
      %eq3A_491 = arith.constant 15 : i32
      %eq3A_492 = arith.cmpi eq, %and3A_490, %eq3A_491 : i32
      %convert_element_type3A_493 = arith.extui %eq3A_492 : i1 to i32
      %cond3A_494 = arith.constant 0 : i32
      %cond3A_495 = arith.cmpi ne, %convert_element_type3A_493, %cond3A_494 : i32
      scf.if %cond3A_495 {
        %add3A_496 = arith.constant 256 : i32
        %add3A_497 = arith.addi %add3A_496, %scan3A_415 : i32
        %sub3A = arith.constant 15 : i32
        %sub3A_498 = arith.subi %add3A_497, %sub3A : i32
        %swap3A = arith.index_cast %sub3A_498 : i32 to index
        %swap3A_499 = tpu.vector_load %arg15[%swap3A] {strides = array<i32>} : memref<512xf32, #tpu.memory_space<vmem>>, vector<16xf32>,
        tpu.vector_store %arg15[%swap3A], %select_n3A_488 {strides = array<i32>} : memref<512xf32, #tpu.memory_space<vmem>>, vector<16xf32>,
      } else {
      }
      scf.yield %select_n3A_488 : vector<16xf32>
    }
    %scan3A_152 = arith.constant 128 : i32
    %dma_wait3A_153 = arith.constant 3 : i32
    %dma_wait3A_154 = arith.constant 0 : i32
    %dma_wait3A_155 = tpu.memref_slice %arg7[%dma_wait3A_153, %dma_wait3A_154] : memref<4x128xi32, #tpu.memory_space<vmem>> -> memref<1x128xi32, #tpu.memory_space<vmem>>
    %dma_wait3A_156 = tpu.memref_squeeze %dma_wait3A_155 : memref<1x128xi32, #tpu.memory_space<vmem>> -> memref<128xi32, #tpu.memory_space<vmem>>
    %dma_wait3A_157 = arith.constant 0 : i32
    %dma_wait3A_158 = arith.constant 0 : i32
    %dma_wait3A_159 = tpu.memref_slice %arg4[%dma_wait3A_157, %dma_wait3A_158] : memref<100000x128xf32, #tpu.memory_space<hbm>> -> memref<100000x128xf32, #tpu.memory_space<hbm>>
    tpu.wait_indirect_dma semaphore(%arg16 : memref<!tpu.dma_semaphore, #tpu.memory_space<semaphore_mem>>) src(%dma_wait3A_159 : memref<100000x128xf32, #tpu.memory_space<hbm>>) dst(%arg9 : memref<128x128xf32, #tpu.memory_space<vmem>>)
    %dma_wait3A_160 = arith.constant 3 : i32
    %dma_wait3A_161 = arith.constant 0 : i32
    %dma_wait3A_162 = tpu.memref_slice %arg8[%dma_wait3A_160, %dma_wait3A_161] : memref<4x128xi32, #tpu.memory_space<vmem>> -> memref<1x128xi32, #tpu.memory_space<vmem>>
    %dma_wait3A_163 = tpu.memref_squeeze %dma_wait3A_162 : memref<1x128xi32, #tpu.memory_space<vmem>> -> memref<128xi32, #tpu.memory_space<vmem>>
    %dma_wait3A_164 = arith.constant 0 : i32
    %dma_wait3A_165 = arith.constant 0 : i32
    %dma_wait3A_166 = tpu.memref_slice %arg5[%dma_wait3A_164, %dma_wait3A_165] : memref<100000x128xf32, #tpu.memory_space<hbm>> -> memref<100000x128xf32, #tpu.memory_space<hbm>>
    tpu.wait_indirect_dma semaphore(%arg16 : memref<!tpu.dma_semaphore, #tpu.memory_space<semaphore_mem>>) src(%dma_wait3A_166 : memref<100000x128xf32, #tpu.memory_space<hbm>>) dst(%arg10 : memref<128x128xf32, #tpu.memory_space<vmem>>)
    %broadcast_in_dim3A_167 = arith.constant 0.000000e+00 : f32
    %broadcast_in_dim3A_168 = vector.broadcast %broadcast_in_dim3A_167 : f32 to vector<16xf32>
    %scan3A_169 = arith.constant 0 : i32
    %scan3A_170 = arith.constant 128 : i32
    %scan3A_171 = arith.addi %scan3A_169, %scan3A_170 : i32
    %scan3A_172 = arith.constant 4 : i32
    %scan3A_173 = scf.for %scan3A_175 = %scan3A_169 to %scan3A_171 step %scan3A_172 iter_args(%scan3A_176 = %broadcast_in_dim3A_168) -> (vector<16xf32>)  : i32 {
      %get3A = arith.index_cast %scan3A_175 : i32 to index
      %get3A_177 = arith.constant 0 : index
      %get3A_178 = tpu.vector_load %arg9[%get3A, %get3A_177] {strides = array<i32>} : memref<128x128xf32, #tpu.memory_space<vmem>>, vector<16xf32>,
      %get3A_179 = arith.index_cast %scan3A_175 : i32 to index
      %get3A_180 = arith.constant 0 : index
      %get3A_181 = tpu.vector_load %arg10[%get3A_179, %get3A_180] {strides = array<i32>} : memref<128x128xf32, #tpu.memory_space<vmem>>, vector<16xf32>,
      %mul3A_182 = arith.mulf %get3A_178, %get3A_181 : vector<16xf32>
      %get3A_183 = arith.index_cast %scan3A_175 : i32 to index
      %get3A_184 = arith.constant 16 : index
      %get3A_185 = tpu.vector_load %arg9[%get3A_183, %get3A_184] {strides = array<i32>} : memref<128x128xf32, #tpu.memory_space<vmem>>, vector<16xf32>,
      %get3A_186 = arith.index_cast %scan3A_175 : i32 to index
      %get3A_187 = arith.constant 16 : index
      %get3A_188 = tpu.vector_load %arg10[%get3A_186, %get3A_187] {strides = array<i32>} : memref<128x128xf32, #tpu.memory_space<vmem>>, vector<16xf32>,
      %mul3A_189 = arith.mulf %get3A_185, %get3A_188 : vector<16xf32>
      %add3A_190 = arith.addf %mul3A_182, %mul3A_189 : vector<16xf32>
      %get3A_191 = arith.index_cast %scan3A_175 : i32 to index
      %get3A_192 = arith.constant 32 : index
      %get3A_193 = tpu.vector_load %arg9[%get3A_191, %get3A_192] {strides = array<i32>} : memref<128x128xf32, #tpu.memory_space<vmem>>, vector<16xf32>,
      %get3A_194 = arith.index_cast %scan3A_175 : i32 to index
      %get3A_195 = arith.constant 32 : index
      %get3A_196 = tpu.vector_load %arg10[%get3A_194, %get3A_195] {strides = array<i32>} : memref<128x128xf32, #tpu.memory_space<vmem>>, vector<16xf32>,
      %mul3A_197 = arith.mulf %get3A_193, %get3A_196 : vector<16xf32>
      %add3A_198 = arith.addf %add3A_190, %mul3A_197 : vector<16xf32>
      %get3A_199 = arith.index_cast %scan3A_175 : i32 to index
      %get3A_200 = arith.constant 48 : index
      %get3A_201 = tpu.vector_load %arg9[%get3A_199, %get3A_200] {strides = array<i32>} : memref<128x128xf32, #tpu.memory_space<vmem>>, vector<16xf32>,
      %get3A_202 = arith.index_cast %scan3A_175 : i32 to index
      %get3A_203 = arith.constant 48 : index
      %get3A_204 = tpu.vector_load %arg10[%get3A_202, %get3A_203] {strides = array<i32>} : memref<128x128xf32, #tpu.memory_space<vmem>>, vector<16xf32>,
      %mul3A_205 = arith.mulf %get3A_201, %get3A_204 : vector<16xf32>
      %add3A_206 = arith.addf %add3A_198, %mul3A_205 : vector<16xf32>
      %get3A_207 = arith.index_cast %scan3A_175 : i32 to index
      %get3A_208 = arith.constant 64 : index
      %get3A_209 = tpu.vector_load %arg9[%get3A_207, %get3A_208] {strides = array<i32>} : memref<128x128xf32, #tpu.memory_space<vmem>>, vector<16xf32>,
      %get3A_210 = arith.index_cast %scan3A_175 : i32 to index
      %get3A_211 = arith.constant 64 : index
      %get3A_212 = tpu.vector_load %arg10[%get3A_210, %get3A_211] {strides = array<i32>} : memref<128x128xf32, #tpu.memory_space<vmem>>, vector<16xf32>,
      %mul3A_213 = arith.mulf %get3A_209, %get3A_212 : vector<16xf32>
      %add3A_214 = arith.addf %add3A_206, %mul3A_213 : vector<16xf32>
      %get3A_215 = arith.index_cast %scan3A_175 : i32 to index
      %get3A_216 = arith.constant 80 : index
      %get3A_217 = tpu.vector_load %arg9[%get3A_215, %get3A_216] {strides = array<i32>} : memref<128x128xf32, #tpu.memory_space<vmem>>, vector<16xf32>,
      %get3A_218 = arith.index_cast %scan3A_175 : i32 to index
      %get3A_219 = arith.constant 80 : index
      %get3A_220 = tpu.vector_load %arg10[%get3A_218, %get3A_219] {strides = array<i32>} : memref<128x128xf32, #tpu.memory_space<vmem>>, vector<16xf32>,
      %mul3A_221 = arith.mulf %get3A_217, %get3A_220 : vector<16xf32>
      %add3A_222 = arith.addf %add3A_214, %mul3A_221 : vector<16xf32>
      %get3A_223 = arith.index_cast %scan3A_175 : i32 to index
      %get3A_224 = arith.constant 96 : index
      %get3A_225 = tpu.vector_load %arg9[%get3A_223, %get3A_224] {strides = array<i32>} : memref<128x128xf32, #tpu.memory_space<vmem>>, vector<16xf32>,
      %get3A_226 = arith.index_cast %scan3A_175 : i32 to index
      %get3A_227 = arith.constant 96 : index
      %get3A_228 = tpu.vector_load %arg10[%get3A_226, %get3A_227] {strides = array<i32>} : memref<128x128xf32, #tpu.memory_space<vmem>>, vector<16xf32>,
      %mul3A_229 = arith.mulf %get3A_225, %get3A_228 : vector<16xf32>
      %add3A_230 = arith.addf %add3A_222, %mul3A_229 : vector<16xf32>
      %get3A_231 = arith.index_cast %scan3A_175 : i32 to index
      %get3A_232 = arith.constant 112 : index
      %get3A_233 = tpu.vector_load %arg9[%get3A_231, %get3A_232] {strides = array<i32>} : memref<128x128xf32, #tpu.memory_space<vmem>>, vector<16xf32>,
      %get3A_234 = arith.index_cast %scan3A_175 : i32 to index
      %get3A_235 = arith.constant 112 : index
      %get3A_236 = tpu.vector_load %arg10[%get3A_234, %get3A_235] {strides = array<i32>} : memref<128x128xf32, #tpu.memory_space<vmem>>, vector<16xf32>,
      %mul3A_237 = arith.mulf %get3A_233, %get3A_236 : vector<16xf32>
      %add3A_238 = arith.addf %add3A_230, %mul3A_237 : vector<16xf32>
      %reduce_sum3A = arith.constant true
      %reduce_sum3A_239 = vector.broadcast %reduce_sum3A : i1 to vector<16xi1>
      %reduce_sum3A_240 = tpu.scan <sum>, %add3A_238 masked %reduce_sum3A_239 : vector<16xf32>, vector<16xi1> -> vector<16xf32>
      %reduce_sum3A_241 = vector.extract %reduce_sum3A_240[15] : f32 from vector<16xf32>
      %and3A = arith.constant 15 : i32
      %and3A_242 = arith.andi %scan3A_175, %and3A : i32
      %eq3A = vector.broadcast %and3A_242 : i32 to vector<16xi32>
      %eq3A_243 = arith.cmpi eq, %iota3A, %eq3A : vector<16xi32>
      %broadcast_in_dim3A_244 = vector.broadcast %reduce_sum3A_241 : f32 to vector<16xf32>
      %select_n3A = arith.select %eq3A_243, %broadcast_in_dim3A_244, %scan3A_176 : vector<16xi1>, vector<16xf32>
      %and3A_245 = arith.constant 15 : i32
      %and3A_246 = arith.andi %scan3A_175, %and3A_245 : i32
      %eq3A_247 = arith.constant 15 : i32
      %eq3A_248 = arith.cmpi eq, %and3A_246, %eq3A_247 : i32
      %convert_element_type3A = arith.extui %eq3A_248 : i1 to i32
      %cond3A = arith.constant 0 : i32
      %cond3A_249 = arith.cmpi ne, %convert_element_type3A, %cond3A : i32
      scf.if %cond3A_249 {
        %add3A_496 = arith.constant 384 : i32
        %add3A_497 = arith.addi %add3A_496, %scan3A_175 : i32
        %sub3A = arith.constant 15 : i32
        %sub3A_498 = arith.subi %add3A_497, %sub3A : i32
        %swap3A = arith.index_cast %sub3A_498 : i32 to index
        %swap3A_499 = tpu.vector_load %arg15[%swap3A] {strides = array<i32>} : memref<512xf32, #tpu.memory_space<vmem>>, vector<16xf32>,
        tpu.vector_store %arg15[%swap3A], %select_n3A {strides = array<i32>} : memref<512xf32, #tpu.memory_space<vmem>>, vector<16xf32>,
      } else {
      }
      %scan3A_250 = arith.constant 1 : i32
      %scan3A_251 = arith.addi %scan3A_175, %scan3A_250 : i32
      %get3A_252 = arith.index_cast %scan3A_251 : i32 to index
      %get3A_253 = arith.constant 0 : index
      %get3A_254 = tpu.vector_load %arg9[%get3A_252, %get3A_253] {strides = array<i32>} : memref<128x128xf32, #tpu.memory_space<vmem>>, vector<16xf32>,
      %get3A_255 = arith.index_cast %scan3A_251 : i32 to index
      %get3A_256 = arith.constant 0 : index
      %get3A_257 = tpu.vector_load %arg10[%get3A_255, %get3A_256] {strides = array<i32>} : memref<128x128xf32, #tpu.memory_space<vmem>>, vector<16xf32>,
      %mul3A_258 = arith.mulf %get3A_254, %get3A_257 : vector<16xf32>
      %get3A_259 = arith.index_cast %scan3A_251 : i32 to index
      %get3A_260 = arith.constant 16 : index
      %get3A_261 = tpu.vector_load %arg9[%get3A_259, %get3A_260] {strides = array<i32>} : memref<128x128xf32, #tpu.memory_space<vmem>>, vector<16xf32>,
      %get3A_262 = arith.index_cast %scan3A_251 : i32 to index
      %get3A_263 = arith.constant 16 : index
      %get3A_264 = tpu.vector_load %arg10[%get3A_262, %get3A_263] {strides = array<i32>} : memref<128x128xf32, #tpu.memory_space<vmem>>, vector<16xf32>,
      %mul3A_265 = arith.mulf %get3A_261, %get3A_264 : vector<16xf32>
      %add3A_266 = arith.addf %mul3A_258, %mul3A_265 : vector<16xf32>
      %get3A_267 = arith.index_cast %scan3A_251 : i32 to index
      %get3A_268 = arith.constant 32 : index
      %get3A_269 = tpu.vector_load %arg9[%get3A_267, %get3A_268] {strides = array<i32>} : memref<128x128xf32, #tpu.memory_space<vmem>>, vector<16xf32>,
      %get3A_270 = arith.index_cast %scan3A_251 : i32 to index
      %get3A_271 = arith.constant 32 : index
      %get3A_272 = tpu.vector_load %arg10[%get3A_270, %get3A_271] {strides = array<i32>} : memref<128x128xf32, #tpu.memory_space<vmem>>, vector<16xf32>,
      %mul3A_273 = arith.mulf %get3A_269, %get3A_272 : vector<16xf32>
      %add3A_274 = arith.addf %add3A_266, %mul3A_273 : vector<16xf32>
      %get3A_275 = arith.index_cast %scan3A_251 : i32 to index
      %get3A_276 = arith.constant 48 : index
      %get3A_277 = tpu.vector_load %arg9[%get3A_275, %get3A_276] {strides = array<i32>} : memref<128x128xf32, #tpu.memory_space<vmem>>, vector<16xf32>,
      %get3A_278 = arith.index_cast %scan3A_251 : i32 to index
      %get3A_279 = arith.constant 48 : index
      %get3A_280 = tpu.vector_load %arg10[%get3A_278, %get3A_279] {strides = array<i32>} : memref<128x128xf32, #tpu.memory_space<vmem>>, vector<16xf32>,
      %mul3A_281 = arith.mulf %get3A_277, %get3A_280 : vector<16xf32>
      %add3A_282 = arith.addf %add3A_274, %mul3A_281 : vector<16xf32>
      %get3A_283 = arith.index_cast %scan3A_251 : i32 to index
      %get3A_284 = arith.constant 64 : index
      %get3A_285 = tpu.vector_load %arg9[%get3A_283, %get3A_284] {strides = array<i32>} : memref<128x128xf32, #tpu.memory_space<vmem>>, vector<16xf32>,
      %get3A_286 = arith.index_cast %scan3A_251 : i32 to index
      %get3A_287 = arith.constant 64 : index
      %get3A_288 = tpu.vector_load %arg10[%get3A_286, %get3A_287] {strides = array<i32>} : memref<128x128xf32, #tpu.memory_space<vmem>>, vector<16xf32>,
      %mul3A_289 = arith.mulf %get3A_285, %get3A_288 : vector<16xf32>
      %add3A_290 = arith.addf %add3A_282, %mul3A_289 : vector<16xf32>
      %get3A_291 = arith.index_cast %scan3A_251 : i32 to index
      %get3A_292 = arith.constant 80 : index
      %get3A_293 = tpu.vector_load %arg9[%get3A_291, %get3A_292] {strides = array<i32>} : memref<128x128xf32, #tpu.memory_space<vmem>>, vector<16xf32>,
      %get3A_294 = arith.index_cast %scan3A_251 : i32 to index
      %get3A_295 = arith.constant 80 : index
      %get3A_296 = tpu.vector_load %arg10[%get3A_294, %get3A_295] {strides = array<i32>} : memref<128x128xf32, #tpu.memory_space<vmem>>, vector<16xf32>,
      %mul3A_297 = arith.mulf %get3A_293, %get3A_296 : vector<16xf32>
      %add3A_298 = arith.addf %add3A_290, %mul3A_297 : vector<16xf32>
      %get3A_299 = arith.index_cast %scan3A_251 : i32 to index
      %get3A_300 = arith.constant 96 : index
      %get3A_301 = tpu.vector_load %arg9[%get3A_299, %get3A_300] {strides = array<i32>} : memref<128x128xf32, #tpu.memory_space<vmem>>, vector<16xf32>,
      %get3A_302 = arith.index_cast %scan3A_251 : i32 to index
      %get3A_303 = arith.constant 96 : index
      %get3A_304 = tpu.vector_load %arg10[%get3A_302, %get3A_303] {strides = array<i32>} : memref<128x128xf32, #tpu.memory_space<vmem>>, vector<16xf32>,
      %mul3A_305 = arith.mulf %get3A_301, %get3A_304 : vector<16xf32>
      %add3A_306 = arith.addf %add3A_298, %mul3A_305 : vector<16xf32>
      %get3A_307 = arith.index_cast %scan3A_251 : i32 to index
      %get3A_308 = arith.constant 112 : index
      %get3A_309 = tpu.vector_load %arg9[%get3A_307, %get3A_308] {strides = array<i32>} : memref<128x128xf32, #tpu.memory_space<vmem>>, vector<16xf32>,
      %get3A_310 = arith.index_cast %scan3A_251 : i32 to index
      %get3A_311 = arith.constant 112 : index
      %get3A_312 = tpu.vector_load %arg10[%get3A_310, %get3A_311] {strides = array<i32>} : memref<128x128xf32, #tpu.memory_space<vmem>>, vector<16xf32>,
      %mul3A_313 = arith.mulf %get3A_309, %get3A_312 : vector<16xf32>
      %add3A_314 = arith.addf %add3A_306, %mul3A_313 : vector<16xf32>
      %reduce_sum3A_315 = arith.constant true
      %reduce_sum3A_316 = vector.broadcast %reduce_sum3A_315 : i1 to vector<16xi1>
      %reduce_sum3A_317 = tpu.scan <sum>, %add3A_314 masked %reduce_sum3A_316 : vector<16xf32>, vector<16xi1> -> vector<16xf32>
      %reduce_sum3A_318 = vector.extract %reduce_sum3A_317[15] : f32 from vector<16xf32>
      %and3A_319 = arith.constant 15 : i32
      %and3A_320 = arith.andi %scan3A_251, %and3A_319 : i32
      %eq3A_321 = vector.broadcast %and3A_320 : i32 to vector<16xi32>
      %eq3A_322 = arith.cmpi eq, %iota3A, %eq3A_321 : vector<16xi32>
      %broadcast_in_dim3A_323 = vector.broadcast %reduce_sum3A_318 : f32 to vector<16xf32>
      %select_n3A_324 = arith.select %eq3A_322, %broadcast_in_dim3A_323, %select_n3A : vector<16xi1>, vector<16xf32>
      %and3A_325 = arith.constant 15 : i32
      %and3A_326 = arith.andi %scan3A_251, %and3A_325 : i32
      %eq3A_327 = arith.constant 15 : i32
      %eq3A_328 = arith.cmpi eq, %and3A_326, %eq3A_327 : i32
      %convert_element_type3A_329 = arith.extui %eq3A_328 : i1 to i32
      %cond3A_330 = arith.constant 0 : i32
      %cond3A_331 = arith.cmpi ne, %convert_element_type3A_329, %cond3A_330 : i32
      scf.if %cond3A_331 {
        %add3A_496 = arith.constant 384 : i32
        %add3A_497 = arith.addi %add3A_496, %scan3A_251 : i32
        %sub3A = arith.constant 15 : i32
        %sub3A_498 = arith.subi %add3A_497, %sub3A : i32
        %swap3A = arith.index_cast %sub3A_498 : i32 to index
        %swap3A_499 = tpu.vector_load %arg15[%swap3A] {strides = array<i32>} : memref<512xf32, #tpu.memory_space<vmem>>, vector<16xf32>,
        tpu.vector_store %arg15[%swap3A], %select_n3A_324 {strides = array<i32>} : memref<512xf32, #tpu.memory_space<vmem>>, vector<16xf32>,
      } else {
      }
      %scan3A_332 = arith.constant 2 : i32
      %scan3A_333 = arith.addi %scan3A_175, %scan3A_332 : i32
      %get3A_334 = arith.index_cast %scan3A_333 : i32 to index
      %get3A_335 = arith.constant 0 : index
      %get3A_336 = tpu.vector_load %arg9[%get3A_334, %get3A_335] {strides = array<i32>} : memref<128x128xf32, #tpu.memory_space<vmem>>, vector<16xf32>,
      %get3A_337 = arith.index_cast %scan3A_333 : i32 to index
      %get3A_338 = arith.constant 0 : index
      %get3A_339 = tpu.vector_load %arg10[%get3A_337, %get3A_338] {strides = array<i32>} : memref<128x128xf32, #tpu.memory_space<vmem>>, vector<16xf32>,
      %mul3A_340 = arith.mulf %get3A_336, %get3A_339 : vector<16xf32>
      %get3A_341 = arith.index_cast %scan3A_333 : i32 to index
      %get3A_342 = arith.constant 16 : index
      %get3A_343 = tpu.vector_load %arg9[%get3A_341, %get3A_342] {strides = array<i32>} : memref<128x128xf32, #tpu.memory_space<vmem>>, vector<16xf32>,
      %get3A_344 = arith.index_cast %scan3A_333 : i32 to index
      %get3A_345 = arith.constant 16 : index
      %get3A_346 = tpu.vector_load %arg10[%get3A_344, %get3A_345] {strides = array<i32>} : memref<128x128xf32, #tpu.memory_space<vmem>>, vector<16xf32>,
      %mul3A_347 = arith.mulf %get3A_343, %get3A_346 : vector<16xf32>
      %add3A_348 = arith.addf %mul3A_340, %mul3A_347 : vector<16xf32>
      %get3A_349 = arith.index_cast %scan3A_333 : i32 to index
      %get3A_350 = arith.constant 32 : index
      %get3A_351 = tpu.vector_load %arg9[%get3A_349, %get3A_350] {strides = array<i32>} : memref<128x128xf32, #tpu.memory_space<vmem>>, vector<16xf32>,
      %get3A_352 = arith.index_cast %scan3A_333 : i32 to index
      %get3A_353 = arith.constant 32 : index
      %get3A_354 = tpu.vector_load %arg10[%get3A_352, %get3A_353] {strides = array<i32>} : memref<128x128xf32, #tpu.memory_space<vmem>>, vector<16xf32>,
      %mul3A_355 = arith.mulf %get3A_351, %get3A_354 : vector<16xf32>
      %add3A_356 = arith.addf %add3A_348, %mul3A_355 : vector<16xf32>
      %get3A_357 = arith.index_cast %scan3A_333 : i32 to index
      %get3A_358 = arith.constant 48 : index
      %get3A_359 = tpu.vector_load %arg9[%get3A_357, %get3A_358] {strides = array<i32>} : memref<128x128xf32, #tpu.memory_space<vmem>>, vector<16xf32>,
      %get3A_360 = arith.index_cast %scan3A_333 : i32 to index
      %get3A_361 = arith.constant 48 : index
      %get3A_362 = tpu.vector_load %arg10[%get3A_360, %get3A_361] {strides = array<i32>} : memref<128x128xf32, #tpu.memory_space<vmem>>, vector<16xf32>,
      %mul3A_363 = arith.mulf %get3A_359, %get3A_362 : vector<16xf32>
      %add3A_364 = arith.addf %add3A_356, %mul3A_363 : vector<16xf32>
      %get3A_365 = arith.index_cast %scan3A_333 : i32 to index
      %get3A_366 = arith.constant 64 : index
      %get3A_367 = tpu.vector_load %arg9[%get3A_365, %get3A_366] {strides = array<i32>} : memref<128x128xf32, #tpu.memory_space<vmem>>, vector<16xf32>,
      %get3A_368 = arith.index_cast %scan3A_333 : i32 to index
      %get3A_369 = arith.constant 64 : index
      %get3A_370 = tpu.vector_load %arg10[%get3A_368, %get3A_369] {strides = array<i32>} : memref<128x128xf32, #tpu.memory_space<vmem>>, vector<16xf32>,
      %mul3A_371 = arith.mulf %get3A_367, %get3A_370 : vector<16xf32>
      %add3A_372 = arith.addf %add3A_364, %mul3A_371 : vector<16xf32>
      %get3A_373 = arith.index_cast %scan3A_333 : i32 to index
      %get3A_374 = arith.constant 80 : index
      %get3A_375 = tpu.vector_load %arg9[%get3A_373, %get3A_374] {strides = array<i32>} : memref<128x128xf32, #tpu.memory_space<vmem>>, vector<16xf32>,
      %get3A_376 = arith.index_cast %scan3A_333 : i32 to index
      %get3A_377 = arith.constant 80 : index
      %get3A_378 = tpu.vector_load %arg10[%get3A_376, %get3A_377] {strides = array<i32>} : memref<128x128xf32, #tpu.memory_space<vmem>>, vector<16xf32>,
      %mul3A_379 = arith.mulf %get3A_375, %get3A_378 : vector<16xf32>
      %add3A_380 = arith.addf %add3A_372, %mul3A_379 : vector<16xf32>
      %get3A_381 = arith.index_cast %scan3A_333 : i32 to index
      %get3A_382 = arith.constant 96 : index
      %get3A_383 = tpu.vector_load %arg9[%get3A_381, %get3A_382] {strides = array<i32>} : memref<128x128xf32, #tpu.memory_space<vmem>>, vector<16xf32>,
      %get3A_384 = arith.index_cast %scan3A_333 : i32 to index
      %get3A_385 = arith.constant 96 : index
      %get3A_386 = tpu.vector_load %arg10[%get3A_384, %get3A_385] {strides = array<i32>} : memref<128x128xf32, #tpu.memory_space<vmem>>, vector<16xf32>,
      %mul3A_387 = arith.mulf %get3A_383, %get3A_386 : vector<16xf32>
      %add3A_388 = arith.addf %add3A_380, %mul3A_387 : vector<16xf32>
      %get3A_389 = arith.index_cast %scan3A_333 : i32 to index
      %get3A_390 = arith.constant 112 : index
      %get3A_391 = tpu.vector_load %arg9[%get3A_389, %get3A_390] {strides = array<i32>} : memref<128x128xf32, #tpu.memory_space<vmem>>, vector<16xf32>,
      %get3A_392 = arith.index_cast %scan3A_333 : i32 to index
      %get3A_393 = arith.constant 112 : index
      %get3A_394 = tpu.vector_load %arg10[%get3A_392, %get3A_393] {strides = array<i32>} : memref<128x128xf32, #tpu.memory_space<vmem>>, vector<16xf32>,
      %mul3A_395 = arith.mulf %get3A_391, %get3A_394 : vector<16xf32>
      %add3A_396 = arith.addf %add3A_388, %mul3A_395 : vector<16xf32>
      %reduce_sum3A_397 = arith.constant true
      %reduce_sum3A_398 = vector.broadcast %reduce_sum3A_397 : i1 to vector<16xi1>
      %reduce_sum3A_399 = tpu.scan <sum>, %add3A_396 masked %reduce_sum3A_398 : vector<16xf32>, vector<16xi1> -> vector<16xf32>
      %reduce_sum3A_400 = vector.extract %reduce_sum3A_399[15] : f32 from vector<16xf32>
      %and3A_401 = arith.constant 15 : i32
      %and3A_402 = arith.andi %scan3A_333, %and3A_401 : i32
      %eq3A_403 = vector.broadcast %and3A_402 : i32 to vector<16xi32>
      %eq3A_404 = arith.cmpi eq, %iota3A, %eq3A_403 : vector<16xi32>
      %broadcast_in_dim3A_405 = vector.broadcast %reduce_sum3A_400 : f32 to vector<16xf32>
      %select_n3A_406 = arith.select %eq3A_404, %broadcast_in_dim3A_405, %select_n3A_324 : vector<16xi1>, vector<16xf32>
      %and3A_407 = arith.constant 15 : i32
      %and3A_408 = arith.andi %scan3A_333, %and3A_407 : i32
      %eq3A_409 = arith.constant 15 : i32
      %eq3A_410 = arith.cmpi eq, %and3A_408, %eq3A_409 : i32
      %convert_element_type3A_411 = arith.extui %eq3A_410 : i1 to i32
      %cond3A_412 = arith.constant 0 : i32
      %cond3A_413 = arith.cmpi ne, %convert_element_type3A_411, %cond3A_412 : i32
      scf.if %cond3A_413 {
        %add3A_496 = arith.constant 384 : i32
        %add3A_497 = arith.addi %add3A_496, %scan3A_333 : i32
        %sub3A = arith.constant 15 : i32
        %sub3A_498 = arith.subi %add3A_497, %sub3A : i32
        %swap3A = arith.index_cast %sub3A_498 : i32 to index
        %swap3A_499 = tpu.vector_load %arg15[%swap3A] {strides = array<i32>} : memref<512xf32, #tpu.memory_space<vmem>>, vector<16xf32>,
        tpu.vector_store %arg15[%swap3A], %select_n3A_406 {strides = array<i32>} : memref<512xf32, #tpu.memory_space<vmem>>, vector<16xf32>,
      } else {
      }
      %scan3A_414 = arith.constant 3 : i32
      %scan3A_415 = arith.addi %scan3A_175, %scan3A_414 : i32
      %get3A_416 = arith.index_cast %scan3A_415 : i32 to index
      %get3A_417 = arith.constant 0 : index
      %get3A_418 = tpu.vector_load %arg9[%get3A_416, %get3A_417] {strides = array<i32>} : memref<128x128xf32, #tpu.memory_space<vmem>>, vector<16xf32>,
      %get3A_419 = arith.index_cast %scan3A_415 : i32 to index
      %get3A_420 = arith.constant 0 : index
      %get3A_421 = tpu.vector_load %arg10[%get3A_419, %get3A_420] {strides = array<i32>} : memref<128x128xf32, #tpu.memory_space<vmem>>, vector<16xf32>,
      %mul3A_422 = arith.mulf %get3A_418, %get3A_421 : vector<16xf32>
      %get3A_423 = arith.index_cast %scan3A_415 : i32 to index
      %get3A_424 = arith.constant 16 : index
      %get3A_425 = tpu.vector_load %arg9[%get3A_423, %get3A_424] {strides = array<i32>} : memref<128x128xf32, #tpu.memory_space<vmem>>, vector<16xf32>,
      %get3A_426 = arith.index_cast %scan3A_415 : i32 to index
      %get3A_427 = arith.constant 16 : index
      %get3A_428 = tpu.vector_load %arg10[%get3A_426, %get3A_427] {strides = array<i32>} : memref<128x128xf32, #tpu.memory_space<vmem>>, vector<16xf32>,
      %mul3A_429 = arith.mulf %get3A_425, %get3A_428 : vector<16xf32>
      %add3A_430 = arith.addf %mul3A_422, %mul3A_429 : vector<16xf32>
      %get3A_431 = arith.index_cast %scan3A_415 : i32 to index
      %get3A_432 = arith.constant 32 : index
      %get3A_433 = tpu.vector_load %arg9[%get3A_431, %get3A_432] {strides = array<i32>} : memref<128x128xf32, #tpu.memory_space<vmem>>, vector<16xf32>,
      %get3A_434 = arith.index_cast %scan3A_415 : i32 to index
      %get3A_435 = arith.constant 32 : index
      %get3A_436 = tpu.vector_load %arg10[%get3A_434, %get3A_435] {strides = array<i32>} : memref<128x128xf32, #tpu.memory_space<vmem>>, vector<16xf32>,
      %mul3A_437 = arith.mulf %get3A_433, %get3A_436 : vector<16xf32>
      %add3A_438 = arith.addf %add3A_430, %mul3A_437 : vector<16xf32>
      %get3A_439 = arith.index_cast %scan3A_415 : i32 to index
      %get3A_440 = arith.constant 48 : index
      %get3A_441 = tpu.vector_load %arg9[%get3A_439, %get3A_440] {strides = array<i32>} : memref<128x128xf32, #tpu.memory_space<vmem>>, vector<16xf32>,
      %get3A_442 = arith.index_cast %scan3A_415 : i32 to index
      %get3A_443 = arith.constant 48 : index
      %get3A_444 = tpu.vector_load %arg10[%get3A_442, %get3A_443] {strides = array<i32>} : memref<128x128xf32, #tpu.memory_space<vmem>>, vector<16xf32>,
      %mul3A_445 = arith.mulf %get3A_441, %get3A_444 : vector<16xf32>
      %add3A_446 = arith.addf %add3A_438, %mul3A_445 : vector<16xf32>
      %get3A_447 = arith.index_cast %scan3A_415 : i32 to index
      %get3A_448 = arith.constant 64 : index
      %get3A_449 = tpu.vector_load %arg9[%get3A_447, %get3A_448] {strides = array<i32>} : memref<128x128xf32, #tpu.memory_space<vmem>>, vector<16xf32>,
      %get3A_450 = arith.index_cast %scan3A_415 : i32 to index
      %get3A_451 = arith.constant 64 : index
      %get3A_452 = tpu.vector_load %arg10[%get3A_450, %get3A_451] {strides = array<i32>} : memref<128x128xf32, #tpu.memory_space<vmem>>, vector<16xf32>,
      %mul3A_453 = arith.mulf %get3A_449, %get3A_452 : vector<16xf32>
      %add3A_454 = arith.addf %add3A_446, %mul3A_453 : vector<16xf32>
      %get3A_455 = arith.index_cast %scan3A_415 : i32 to index
      %get3A_456 = arith.constant 80 : index
      %get3A_457 = tpu.vector_load %arg9[%get3A_455, %get3A_456] {strides = array<i32>} : memref<128x128xf32, #tpu.memory_space<vmem>>, vector<16xf32>,
      %get3A_458 = arith.index_cast %scan3A_415 : i32 to index
      %get3A_459 = arith.constant 80 : index
      %get3A_460 = tpu.vector_load %arg10[%get3A_458, %get3A_459] {strides = array<i32>} : memref<128x128xf32, #tpu.memory_space<vmem>>, vector<16xf32>,
      %mul3A_461 = arith.mulf %get3A_457, %get3A_460 : vector<16xf32>
      %add3A_462 = arith.addf %add3A_454, %mul3A_461 : vector<16xf32>
      %get3A_463 = arith.index_cast %scan3A_415 : i32 to index
      %get3A_464 = arith.constant 96 : index
      %get3A_465 = tpu.vector_load %arg9[%get3A_463, %get3A_464] {strides = array<i32>} : memref<128x128xf32, #tpu.memory_space<vmem>>, vector<16xf32>,
      %get3A_466 = arith.index_cast %scan3A_415 : i32 to index
      %get3A_467 = arith.constant 96 : index
      %get3A_468 = tpu.vector_load %arg10[%get3A_466, %get3A_467] {strides = array<i32>} : memref<128x128xf32, #tpu.memory_space<vmem>>, vector<16xf32>,
      %mul3A_469 = arith.mulf %get3A_465, %get3A_468 : vector<16xf32>
      %add3A_470 = arith.addf %add3A_462, %mul3A_469 : vector<16xf32>
      %get3A_471 = arith.index_cast %scan3A_415 : i32 to index
      %get3A_472 = arith.constant 112 : index
      %get3A_473 = tpu.vector_load %arg9[%get3A_471, %get3A_472] {strides = array<i32>} : memref<128x128xf32, #tpu.memory_space<vmem>>, vector<16xf32>,
      %get3A_474 = arith.index_cast %scan3A_415 : i32 to index
      %get3A_475 = arith.constant 112 : index
      %get3A_476 = tpu.vector_load %arg10[%get3A_474, %get3A_475] {strides = array<i32>} : memref<128x128xf32, #tpu.memory_space<vmem>>, vector<16xf32>,
      %mul3A_477 = arith.mulf %get3A_473, %get3A_476 : vector<16xf32>
      %add3A_478 = arith.addf %add3A_470, %mul3A_477 : vector<16xf32>
      %reduce_sum3A_479 = arith.constant true
      %reduce_sum3A_480 = vector.broadcast %reduce_sum3A_479 : i1 to vector<16xi1>
      %reduce_sum3A_481 = tpu.scan <sum>, %add3A_478 masked %reduce_sum3A_480 : vector<16xf32>, vector<16xi1> -> vector<16xf32>
      %reduce_sum3A_482 = vector.extract %reduce_sum3A_481[15] : f32 from vector<16xf32>
      %and3A_483 = arith.constant 15 : i32
      %and3A_484 = arith.andi %scan3A_415, %and3A_483 : i32
      %eq3A_485 = vector.broadcast %and3A_484 : i32 to vector<16xi32>
      %eq3A_486 = arith.cmpi eq, %iota3A, %eq3A_485 : vector<16xi32>
      %broadcast_in_dim3A_487 = vector.broadcast %reduce_sum3A_482 : f32 to vector<16xf32>
      %select_n3A_488 = arith.select %eq3A_486, %broadcast_in_dim3A_487, %select_n3A_406 : vector<16xi1>, vector<16xf32>
      %and3A_489 = arith.constant 15 : i32
      %and3A_490 = arith.andi %scan3A_415, %and3A_489 : i32
      %eq3A_491 = arith.constant 15 : i32
      %eq3A_492 = arith.cmpi eq, %and3A_490, %eq3A_491 : i32
      %convert_element_type3A_493 = arith.extui %eq3A_492 : i1 to i32
      %cond3A_494 = arith.constant 0 : i32
      %cond3A_495 = arith.cmpi ne, %convert_element_type3A_493, %cond3A_494 : i32
      scf.if %cond3A_495 {
        %add3A_496 = arith.constant 384 : i32
        %add3A_497 = arith.addi %add3A_496, %scan3A_415 : i32
        %sub3A = arith.constant 15 : i32
        %sub3A_498 = arith.subi %add3A_497, %sub3A : i32
        %swap3A = arith.index_cast %sub3A_498 : i32 to index
        %swap3A_499 = tpu.vector_load %arg15[%swap3A] {strides = array<i32>} : memref<512xf32, #tpu.memory_space<vmem>>, vector<16xf32>,
        tpu.vector_store %arg15[%swap3A], %select_n3A_488 {strides = array<i32>} : memref<512xf32, #tpu.memory_space<vmem>>, vector<16xf32>,
      } else {
      }
      scf.yield %select_n3A_488 : vector<16xf32>
    }
    %scan3A_174 = arith.constant 128 : i32
    "tpu.region"() ({
      %run_scoped3A = tpu.sem_alloc : memref<!tpu.dma_semaphore, #tpu.memory_space<semaphore_mem>>
      %dma_start3A_175 = tpu.memref_slice %arg6[%mul3A_2] : memref<16384xf32, #tpu.memory_space<hbm>> -> memref<512xf32, #tpu.memory_space<hbm>>
      %dma_start3A_176 = tpu.memref_slice %arg6[%mul3A_2] : memref<16384xf32, #tpu.memory_space<hbm>> -> memref<512xf32, #tpu.memory_space<hbm>>
      tpu.enqueue_dma source(%arg15 : memref<512xf32, #tpu.memory_space<vmem>>) target(%dma_start3A_176 : memref<512xf32, #tpu.memory_space<hbm>>) target_semaphore(%run_scoped3A : memref<!tpu.dma_semaphore, #tpu.memory_space<semaphore_mem>>)
      %dma_wait3A_177 = tpu.memref_slice %arg6[%mul3A_2] : memref<16384xf32, #tpu.memory_space<hbm>> -> memref<512xf32, #tpu.memory_space<hbm>>
      %dma_wait3A_178 = tpu.memref_slice %arg6[%mul3A_2] : memref<16384xf32, #tpu.memory_space<hbm>> -> memref<512xf32, #tpu.memory_space<hbm>>
      tpu.wait_dma2 semaphore(%run_scoped3A : memref<!tpu.dma_semaphore, #tpu.memory_space<semaphore_mem>>) src(%arg15 : memref<512xf32, #tpu.memory_space<vmem>>) dst(%dma_wait3A_178 : memref<512xf32, #tpu.memory_space<hbm>>)
      tpu.yield
    }) : () -> ()
    return
  }
}

</mosaic_0001>

<sc_bundles>
// kernel: kernel.3.cloned.1.call-start
scs
__scs_entry_jumppad:
0x0: {  	(pc) =	sbr.rel $0x88, $3  }
0x1: {  	(tag) =	ssettag $0x0;
	lr =	simm.s32 $0x1  }
0x2: {  	[smem:$0x3F9D] =	sst lr;
	_ =	strace $0xD0000000  }
0x3: {  	_ = 	snop  }
0x4: {  	_ = 	snop  }
0x5: {  	_ = 	snop  }
0x6: {  	_ = 	snop  }
0x7: {  	_ = 	snop  }
__scs_overlays_trampoline_lowered:
0x8: {  	[smem:$0x3FAC] =	sst s0  }
0x9: {  	[smem:$0x3FAD] =	sst s1  }
0xa: {  	[smem:$0x3FAE] =	sst s2  }
0xb: {  	[smem:$0x3FAF] =	sst s3  }
0xc: {  	[smem:$0x3FB0] =	sst s4  }
0xd: {  	[smem:$0x3FB1] =	sst s5  }
0xe: {  	[smem:$0x3FB2] =	sst s6  }
0xf: {  	[smem:$0x3FB3] =	sst s7  }
0x10: {  	[smem:$0x3FB4] =	sst s8  }
0x11: {  	[smem:$0x3FB5] =	sst s9;
	s0 =	simm.s32 @!p0 $0x0  }
0x12: {  	s1 =	sld [smem:$0x3F9B];
	s0 =	simm.s32 @p0 $0x1  }
0x13: {  	[smem:$0x3FB6] =	sst s0;
	s0 =	simm.s32 @!p1 $0x0  }
0x14: {  	s2 =	sld [smem:$0x3F9A];
	s0 =	simm.s32 @p1 $0x1  }
0x15: {  	[smem:$0x3FB7] =	sst s0;
	s0 =	simm.s32 @!p2 $0x0  }
0x16: {  	s3 =	sld [smem:$0x3FDB];
	s0 =	simm.s32 @p2 $0x1  }
0x17: {  	s4 =	simm.s32 $0x1BF5;
	[smem:$0x3FB9] =	sst s0  }
0x18: {  	s0 =	sld [smem:$0x3F9C];
	_ =	swait.ge [sflag:s4], $0x0  }
0x19: {  	s7 =	sld [smem:$0x3F9D]  }
0x1a: {  	s8 =	sadd.s32 $0xFFFFE003, lr  }
0x1b: {  	s9 =	sadd.s32 $0xFFFFFEF7, lr;
	s5 =	simm.s32 $0xFFFFFFFF;
	p2 =	slt.u32 s8, $0xFFFFF086  }
0x1c: {  	p1 =	slt.u32 s9, $0xF7A;
	s5 =	simm.s32 @!p2 $0x0  }
0x1d: {  	s5 =	simm.s32 @p1 $0x1;
	p0 =	seq.s32 s7, s2  }
0x1e: {  	s7 =	smul.u32 @!p0 $0xF7A, s2;
	p2 =	seq.s32 @!p0 s5, $0x0  }
0x1f: {  	s9 =	smul.u32 $0xF7A, s1;
	s8 =	simm.s32 @!p0 $0x1BF5;
	p2 =	por !p2, p0  }
0x20: {  	[sflag:s8] =	ssyncset.s32 @!p0 $0xFFFFF086;
	s6 =	sadd.s32 @!p0 s3, s7;
	s7 =	simm.s32 @!p0 $0x108  }
0x21: {  	s3 =	sadd.s32 s3, s9;
	s6 =	sadd.s32 @!p0 $0x88, s6;
	s7 =	simm.s32 @p2 $0x1082  }
0x22: {  	[simem:s7], [sflag:s8] =	dma.local @!p0 [hbm:s6], $0xF7A  }
0x23: {  	s9 =	sor.u32 $0xD0000000, s2;
	s6 =	simm.s32 $0x108;
	_ =	swait.ge @!p0 [sflag:s8], $0x0  }
0x24: {  	s3 =	sadd.s32 $0x88, s3;
	s6 =	simm.s32 @!p1 $0x1082;
	[sflag:s4] =	ssyncset.s32 $0xFFFFF086  }
0x25: {  	[simem:s6], [sflag:s4] =	dma.local [hbm:s3], $0xF7A  }
0x26: {  	[smem:$0x3F9D] =	sst s1;
	(tag) =	ssettag s2;
	_ =	strace s9  }
0x27: {  	s1 =	sld [smem:$0x3FAD]  }
0x28: {  	s2 =	sld [smem:$0x3FAE]  }
0x29: {  	s4 =	sld [smem:$0x3FB0]  }
0x2a: {  	p0 =	seq.s32 s5, $0x0;
	s5 =	sld [smem:$0x3FB1]  }
0x2b: {  	s6 =	sld [smem:$0x3FB2]  }
0x2c: {  	s7 =	sld [smem:$0x3FB3]  }
0x2d: {  	s3 =	simm.s32 $0x108;
	s8 =	sld [smem:$0x3FB4]  }
0x2e: {  	s3 =	simm.s32 @!p0 $0x1082;
	s9 =	sld [smem:$0x3FB5]  }
0x2f: {  	lr =	sadd.s32 s0, s3;
	s0 =	sld [smem:$0x3FAC]  }
0x30: {  	s3 =	sld [smem:$0x3FAF]  }
0x31: {  	[smem:$0x3FB8] =	sst s10  }
0x32: {  	s10 =	sld [smem:$0x3FB6];
	_ =	sdelay $0x3  }
0x33: {  	p0 =	seq.s32 s10, $0x1;
	s10 =	sld [smem:$0x3FB8];
	_ =	sdelay $0x3  }
0x34: {  	[smem:$0x3FB8] =	sst s10  }
0x35: {  	s10 =	sld [smem:$0x3FB7];
	_ =	sdelay $0x3  }
0x36: {  	p1 =	seq.s32 s10, $0x1;
	s10 =	sld [smem:$0x3FB8];
	_ =	sdelay $0x3  }
0x37: {  	[smem:$0x3FB8] =	sst s10  }
0x38: {  	s10 =	sld [smem:$0x3FB9]  }
0x39: {  	_ = 	snop;
	(pc) =	sbr.ind lr, $3  }
0x3a: {  	_ = 	snop  }
0x3b: {  	_ = 	snop  }
0x3c: {  	p2 =	seq.s32 s10, $0x1;
	s10 =	sld [smem:$0x3FB8]  }
0x3d: {  	_ =	shalt  }
0x3e: {  	_ =	shalt  }
0x3f: {  	_ =	shalt  }
0x40: {  	_ =	shalt  }
0x41: {  	_ =	shalt  }
0x42: {  	_ =	shalt  }
0x43: {  	_ =	shalt  }
0x44: {  	_ =	shalt  }
0x45: {  	_ =	shalt  }
0x46: {  	_ =	shalt  }
0x47: {  	_ =	shalt  }
0x48: {  	_ =	shalt  }
0x49: {  	_ =	shalt  }
0x4a: {  	_ =	shalt  }
0x4b: {  	_ =	shalt  }
0x4c: {  	_ =	shalt  }
0x4d: {  	_ =	shalt  }
0x4e: {  	_ =	shalt  }
0x4f: {  	_ =	shalt  }
0x50: {  	_ =	shalt  }
0x51: {  	_ =	shalt  }
0x52: {  	_ =	shalt  }
0x53: {  	_ =	shalt  }
0x54: {  	_ =	shalt  }
0x55: {  	_ =	shalt  }
0x56: {  	_ =	shalt  }
0x57: {  	_ =	shalt  }
0x58: {  	_ =	shalt  }
0x59: {  	_ =	shalt  }
0x5a: {  	_ =	shalt  }
0x5b: {  	_ =	shalt  }
0x5c: {  	_ =	shalt  }
0x5d: {  	_ =	shalt  }
0x5e: {  	_ =	shalt  }
0x5f: {  	_ =	shalt  }
0x60: {  	_ =	shalt  }
0x61: {  	_ =	shalt  }
0x62: {  	_ =	shalt  }
0x63: {  	_ =	shalt  }
0x64: {  	_ =	shalt  }
0x65: {  	_ =	shalt  }
0x66: {  	_ =	shalt  }
0x67: {  	_ =	shalt  }
0x68: {  	_ =	shalt  }
0x69: {  	_ =	shalt  }
0x6a: {  	_ =	shalt  }
0x6b: {  	_ =	shalt  }
0x6c: {  	_ =	shalt  }
0x6d: {  	_ =	shalt  }
0x6e: {  	_ =	shalt  }
0x6f: {  	_ =	shalt  }
0x70: {  	_ =	shalt  }
0x71: {  	_ =	shalt  }
0x72: {  	_ =	shalt  }
0x73: {  	_ =	shalt  }
0x74: {  	_ =	shalt  }
0x75: {  	_ =	shalt  }
0x76: {  	_ =	shalt  }
0x77: {  	_ =	shalt  }
0x78: {  	_ =	shalt  }
0x79: {  	_ =	shalt  }
0x7a: {  	_ =	shalt  }
0x7b: {  	_ =	shalt  }
0x7c: {  	_ =	shalt  }
0x7d: {  	_ =	shalt  }
0x7e: {  	_ =	shalt  }
0x7f: {  	_ =	shalt  }
0x80: {  	_ =	shalt  }
0x81: {  	_ =	shalt  }
0x82: {  	_ =	shalt  }
0x83: {  	_ =	shalt  }
0x84: {  	_ =	shalt  }
0x85: {  	_ =	shalt  }
0x86: {  	_ =	shalt  }
0x87: {  	_ =	shalt  }
.Lfunc_end0:
.L_simem_size_0:
called_computation_lowered:
.L_overlay_start_0:
0x88: {  	s2 =	sld [smem:$0x3FD9]  }
0x89: {  	s3 =	sld [smem:$0x3FFE];
	_ =	sdelay $0x1  }
0x8a: {  	s1 =	srdreg.scid  }
0x8b: {  	s0 =	sand.u32 $0x1, s1  }
0x8c: {  	s18 =	sshll.u32 s0, $0xA;
	s2 =	sadd.s32 s3, s2  }
0x8d: {  	s2 =	sadd.s32 s2, s18  }
0x8e: {  	[smem:$0x3FC4] =	sst s2  }
0x8f: {  	_ = 	snop  }
0x90: {  	s2 =	sld [smem:$0x3FC9]  }
0x91: {  	s19 =	sld [smem:$0x3FC8]  }
0x92: {  	s4 =	sld [smem:$0x3FC7]  }
0x93: {  	s5 =	sld [smem:$0x3FC6]  }
0x94: {  	s6 =	sld [smem:$0x3FD0];
	(tm) =	ssettm $0x1  }
0x95: {  	s7 =	sld [smem:$0x3FFB];
	_ =	sdelay $0x3  }
0x96: {  	_ =	strace s7  }
0x97: {  	s7 =	sld [smem:$0x3FFC];
	_ =	sdelay $0x3  }
0x98: {  	_ =	strace s7  }
0x99: {  	s7 =	sld [smem:$0x3FFD];
	_ =	sdelay $0x3  }
0x9a: {  	_ =	strace s7  }
0x9b: {  	_ =	strace $0x8FFFFFFF  }
0x9c: {  	s20 =	sld [smem:$0x3FDB];
	_ =	sdelay $0x1  }
0x9d: {  	s8 =	simm.s32 $_scs_section_size  }
0x9e: {  	s9 =	simm.s32 $_size__tile_overlayer_lowered;
	s10 =	simm.s32 $_tile_overlayer_lowered  }
0x9f: {  	s23 =	simm.s32 $0x1BFF;
	s22 =	sshll.u32 s10, $0x1;
	s7 =	sadd.s32 s8, s20  }
0xa0: {  	s11 =	simm.s32 $0x0;
	s21 =	sshll.u32 s9, $0x1;
	s9 =	sadd.s32 s22, s7  }
0xa1: {  	[timem:s11], [sflag:s23] =	dma.local [hbm:s9], s21  }
0xa2: {  	_ =	swait.ge [sflag:s23], s21  }
0xa3: {  	s8 =	ssub.s32 $0x0, s21;
	[sflag:s23] =	ssyncset.done $0x0  }
0xa4: {  	[sflag:s23] =	ssyncadd.s32 s8;
	_ =	sdelay $0x1  }
0xa5: {  	s24 =	simm.s32 $0x1B8B  }
0xa6: {  	_ =	swait.ge [sflag:s24], $0x1  }
0xa7: {  	[sflag:s24] =	ssyncset.done $0x0  }
0xa8: {  	s25 =	simm.s32 $0x1B8E;
	[sflag:s24] =	ssyncadd.s32 $0xFFFFFFFF  }
0xa9: {  	s26 =	simm.s32 $execute0_lowered;
	[smem:$0x3FD2] =	sst s25  }
0xaa: {  	s8 =	sshll.u32 s26, $0x1;
	_ =	strace $0x80000046;
	[dreg:$0x1] =	wrdreg $0xFFFFFFFF  }
0xab: {  	s28 =	simm.s32 $_size_execute0_lowered;
	s7 =	sadd.s32 s7, s8;
	[dreg:$0x0] =	wrdreg $0x0  }
0xac: {  	s8 =	sshll.u32 s28, $0x1;
	[dreg:$0x2] =	wrdreg s7  }
0xad: {  	[dreg:$0x3] =	wrdreg s8  }
0xae: {  	[dreg:$0x4] =	wrdreg $0xC0  }
0xaf: {  	_ =	task [dreg:s11], $0x5FFFF  }
0xb0: {  	[dreg:$0x1] =	wrdreg $0xFFFFFFFF  }
0xb1: {  	[dreg:$0x0] =	wrdreg $0x60  }
0xb2: {  	[dreg:$0x2] =	wrdreg s2  }
0xb3: {  	[dreg:$0x3] =	wrdreg s19  }
0xb4: {  	[dreg:$0x4] =	wrdreg s4  }
0xb5: {  	[dreg:$0x5] =	wrdreg s5  }
0xb6: {  	[dreg:$0x6] =	wrdreg s6  }
0xb7: {  	[dreg:$0x7] =	wrdreg $0x9  }
0xb8: {  	_ =	task.clear_ibuf [dreg:s11], $0x8FFFF;
	_ =	strace $0x90000046  }
0xb9: {  	s29 =	simm.s32 $0x9;
	_ =	strace $0x80000048  }
0xba: {  	_ =	swait.ge [sflag:s29], $0x1  }
0xbb: {  	[sflag:s29] =	ssyncadd.s32 $0xFFFFFFFF  }
0xbc: {  	_ =	strace $0x90000048  }
0xbd: {  	_ =	sfence  }
0xbe: {  	s30 =	sld [smem:$0x0];
	_ =	sdelay $0x2  }
0xbf: {  	s31 =	sshll.u32 s1, $0xD;
	s1 =	sshrl.u32 s1, $0x2  }
0xc0: {  	s3 =	sand.u32 $0x4000, s31;
	s1 =	sadd.s32 s1, s30  }
0xc1: {  	s0 =	sor.u32 s3, s0;
	s1 =	sshll.u32 s1, $0x11  }
0xc2: {  	s0 =	sor.u32 s1, s0  }
0xc3: {  	s0 =	sadd.s32 $0x8F2B, s0  }
0xc4: {  	[sflag:s0] =	ssyncadd.remote.s32 $0x1  }
0xc5: {  	_ =	sfence.sel $0xFFFF  }
0xc6: {  	[dreg:$0x0] =	wrdreg $0xFFFFFFFF;
	(pc) =	sbr.abs _section_cstart, $3  }
0xc7: {  	[dreg:$0x1] =	wrdreg $0xFFFFFFFF  }
0xc8: {  	_ =	task.clear_ibuf [dreg:s11], $0x2FFFF;
	_ =	strace $0x9FFFFFFF  }
0xc9: {  	(tm) =	ssettm $0x7FFFFFFF  }
tec
execute0_lowered:
.L_overlay_start_1:
0x0: {  	(tag) =	ssettag $0x1  }
0x1: {  	s0 =	rddreg [dreg:$0x0]  }
0x2: {  	s3 =	rddreg [dreg:$0x1]  }
0x3: {  	s1 =	rddreg [dreg:$0x2]  }
0x4: {  	s2 =	rddreg [dreg:$0x3]  }
0x5: {  	s7 =	rddreg [dreg:$0x4];
	s4 =	simm.s32 $0x0;
	s5 =	srdreg.scid  }
0x6: {  	s8 =	stileid.u32;
	s10 =	simm.s32 $0x1;
	s11 =	simm.s32 $0x2  }
0x7: {  	s12 =	simm.s32 $0x80;
	s13 =	simm.s32 $0x400;
	s14 =	simm.s32 $0x4400  }
0x8: {  	s18 =	simm.s32 $0x100;
	s19 =	simm.s32 $0x10400;
	s20 =	simm.s32 $0x300  }
0x9: {  	s21 =	simm.s32 $0x14400;
	s22 =	simm.s32 $0x180;
	s23 =	simm.s32 $0x380  }
0xa: {  	s24 =	simm.s32 $0x3;
	s25 =	simm.s32 $0x18400;
	s26 =	simm.s32 $0x4  }
0xb: {  	s28 =	simm.s32 $0x0;
	[smem:$0x7FF] =	sst s4;
	s5 =	sand.u32 $0x1, s5  }
0xc: {  	s8 =	sshll.u32 s8, $0x7;
	s6 =	ssub.s32 $0x2, s5;
	s5 =	sshll.u32 s5, $0x6  }
0xd: {  	_ =	strace $0x80000047;
	s9 =	sshrl.u32 s6, $0x1;
	s8 =	sor.u32 s5, s8  }
0xe: {  	s9 =	ssub.s32 s6, s9;
	s5 =	sadd.s32 s0, s8;
	s6 =	sadd.s32 s3, s8  }
0xf: {  	v0 =	vlaneseq.u32;
	s7 =	sadd.s32 s7, s8;
	s8 =	smax.u32 s9, $0x1;
	s9 =	simm.s32 $0x200  }
.LBB2_1:
0x10: {  	[tilespmem:s4], [sflag:$0x1] =	stream.linear.gather [hbm4b:s5+s4], $0x200, $0x38;
	[tilespmem:$0x18600] =	vst v63  }
0x11: {  	_ = 	snop  }
0x12: {  	[tilespmem:s9], [sflag:$0x2] =	stream.linear.gather [hbm4b:s6+s4], $0x200, $0x38;
	[tilespmem:$0x18600] =	vst v63  }
0x13: {  	_ =	swait.ge [sflag:s10], $0x200  }
0x14: {  	[sflag:s10] =	ssyncset.done $0x0  }
0x15: {  	[sflag:s10] =	ssyncadd.s32 $0xFFFFFE00  }
0x16: {  	_ =	swait.ge [sflag:s11], $0x200  }
0x17: {  	[sflag:s11] =	ssyncset.done $0x0  }
0x18: {  	[sflag:s11] =	ssyncadd.s32 $0xFFFFFE00  }
0x19: {  	[tilespmem:s13], [sflag:$0x1] =	stream.indirect.gather [hbm4b:s1+s12], $0x80, s4, s12, $0xb8;
	[tilespmem:$0x18600] =	vst v63  }
0x1a: {  	_ = 	snop  }
0x1b: {  	[tilespmem:s14], [sflag:$0x1] =	stream.indirect.gather [hbm4b:s2+s12], $0x80, s9, s12, $0xb8;
	[tilespmem:$0x18600] =	vst v63  }
0x1c: {  	s0 =	simm.s32 $0x8400  }
0x1d: {  	[tilespmem:s0], [sflag:$0x2] =	stream.indirect.gather [hbm4b:s1+s12], $0x80, s12, s12, $0xb8;
	[tilespmem:$0x18600] =	vst v63  }
0x1e: {  	s17 =	simm.s32 $0x280;
	s3 =	simm.s32 $0xC400  }
0x1f: {  	[tilespmem:s3], [sflag:$0x2] =	stream.indirect.gather [hbm4b:s2+s12], $0x80, s17, s12, $0xb8;
	[tilespmem:$0x18600] =	vst v63  }
0x20: {  	_ =	swait.ge [sflag:s10], $0x4000  }
0x21: {  	[sflag:s10] =	ssyncset.done $0x0  }
0x22: {  	[sflag:s10] =	ssyncadd.s32 $0xFFFFC000  }
0x23: {  	_ =	swait.ge [sflag:s10], $0x4000  }
0x24: {  	[sflag:s10] =	ssyncset.done $0x0  }
0x25: {  	[sflag:s10] =	ssyncadd.s32 $0xFFFFC000  }
0x26: {  	[tilespmem:s19], [sflag:$0x3] =	stream.indirect.gather [hbm4b:s1+s12], $0x80, s18, s12, $0xb8;
	[tilespmem:$0x18600] =	vst v63  }
0x27: {  	s3 =	simm.s32 $0x500  }
0x28: {  	[tilespmem:s21], [sflag:$0x3] =	stream.indirect.gather [hbm4b:s2+s12], $0x80, s20, s12, $0xb8;
	[tilespmem:$0x18600] =	vst v63  }
0x29: {  	s29 =	simm.s32 $0x4500;
	v1 =	vld [tilespmem:s3+$0x70]  }
0x2a: {  	v2 =	vld [tilespmem:s29+$0x70]  }
0x2b: {  	v3 =	vld [tilespmem:s3+$0xE0]  }
0x2c: {  	v4 =	vld [tilespmem:s3+$0x60]  }
0x2d: {  	v5 =	vld [tilespmem:s29+$0x60]  }
0x2e: {  	v6 =	vld [tilespmem:s3+$0xFFFFFFF0]  }
0x2f: {  	v7 =	vld [tilespmem:s29+$0xFFFFFFF0]  }
0x30: {  	v8 =	vld [tilespmem:s3+$0xD0]  }
0x31: {  	v9 =	vld [tilespmem:s29+$0xD0]  }
0x32: {  	v10 =	vld [tilespmem:s3+$0x50]  }
0x33: {  	v11 =	vld [tilespmem:s29+$0x50]  }
0x34: {  	v12 =	vld [tilespmem:s3+$0xFFFFFFE0]  }
0x35: {  	v13 =	vld [tilespmem:s29+$0xFFFFFFE0]  }
0x36: {  	v14 =	vld [tilespmem:s3+$0xC0]  }
0x37: {  	v15 =	vld [tilespmem:s29+$0xC0]  }
0x38: {  	v16 =	vld [tilespmem:s3+$0x40]  }
0x39: {  	v17 =	vld [tilespmem:s29+$0x40]  }
0x3a: {  	v18 =	vld [tilespmem:s3+$0xFFFFFFD0]  }
0x3b: {  	v19 =	vld [tilespmem:s29+$0xFFFFFFD0]  }
0x3c: {  	v20 =	vld [tilespmem:s3+$0xB0]  }
0x3d: {  	v21 =	vld [tilespmem:s29+$0xB0]  }
0x3e: {  	v22 =	vld [tilespmem:s3+$0x30]  }
0x3f: {  	v23 =	vld [tilespmem:s29+$0x30]  }
0x40: {  	v24 =	vld [tilespmem:s3+$0xFFFFFFC0]  }
0x41: {  	v25 =	vld [tilespmem:s29+$0xFFFFFFC0]  }
0x42: {  	v26 =	vld [tilespmem:s3+$0xA0]  }
0x43: {  	v27 =	vld [tilespmem:s29+$0xA0]  }
0x44: {  	v28 =	vld [tilespmem:s3+$0x20]  }
0x45: {  	v29 =	vld [tilespmem:s29+$0x20]  }
0x46: {  	v30 =	vld [tilespmem:s3+$0xFFFFFFB0]  }
0x47: {  	v31 =	vld [tilespmem:s29+$0xFFFFFFB0]  }
0x48: {  	v32 =	vld [tilespmem:s3+$0x80]  }
0x49: {  	v33 =	vld [tilespmem:s29+$0x80]  }
0x4a: {  	v34 =	vld [tilespmem:s3+$0x90]  }
0x4b: {  	v36 =	vld [tilespmem:s29+$0x0]  }
0x4c: {  	v37 =	vld [tilespmem:s3+$0x0]  }
0x4d: {  	v38 =	vld [tilespmem:s3+$0x10]  }
0x4e: {  	v39 =	vld [tilespmem:s29+$0x10]  }
0x4f: {  	v40 =	vld [tilespmem:s3+$0xFFFFFFA0]  }
0x50: {  	v41 =	vld [tilespmem:s29+$0xFFFFFFA0]  }
0x51: {  	v42 =	vld [tilespmem:s3+$0xFFFFFF80]  }
0x52: {  	v43 =	vld [tilespmem:s29+$0xFFFFFF80]  }
0x53: {  	v44 =	vld [tilespmem:s3+$0xFFFFFF90]  }
0x54: {  	v45 =	vld [tilespmem:s29+$0xFFFFFF90]  }
0x55: {  	v46 =	vld [tilespmem:s3+$0xFFFFFF00]  }
0x56: {  	v47 =	vld [tilespmem:s29+$0xFFFFFF00]  }
0x57: {  	v63 =	vld [tilespmem:s29+$0xFFFFFF10];
	v4 =	vmul.f32 v5, v4;
	v1 =	vmul.f32 v2, v1  }
0x58: {  	v48 =	vld [tilespmem:s3+$0xFFFFFF20];
	v61 =	vmul.f32 v36, v37;
	v62 =	vmul.f32 v39, v38  }
0x59: {  	v2 =	vld [tilespmem:s3+$0xFFFFFF10];
	v10 =	vmul.f32 v11, v10;
	v6 =	vmul.f32 v7, v6  }
0x5a: {  	v50 =	vld [tilespmem:s29+$0xFFFFFF20];
	v49 =	vmul.f32 v29, v28;
	v12 =	vmul.f32 v13, v12  }
0x5b: {  	v35 =	vld [tilespmem:s29+$0x90];
	v51 =	vmul.f32 v43, v42;
	v52 =	vmul.f32 v45, v44  }
0x5c: {  	v53 =	vld [tilespmem:s3+$0xFFFFFF30];
	v54 =	vmul.f32 v23, v22;
	v16 =	vmul.f32 v17, v16  }
0x5d: {  	v55 =	vld [tilespmem:s29+$0xFFFFFF30];
	v57 =	vmul.f32 v47, v46;
	v59 =	vmul.f32 v41, v40  }
0x5e: {  	v58 =	vld [tilespmem:s3+$0xFFFFFF40];
	v18 =	vmul.f32 v19, v18;
	v5 =	vadd.f32 v62, v61;
	v2 =	vmul.f32 v63, v2  }
0x5f: {  	v60 =	vld [tilespmem:s29+$0xFFFFFF40];
	v7 =	vmul.f32 v50, v48;
	v33 =	vmul.f32 v33, v32;
	v56 =	vadd.f32 v52, v51  }
0x60: {  	v37 =	vmul.f32 v35, v34;
	v62 =	vld [tilespmem:s3+$0xFFFFFF50];
	v5 =	vadd.f32 v49, v5;
	v2 =	vadd.f32 v2, v57  }
0x61: {  	v24 =	vmul.f32 v25, v24;
	v61 =	vmul.f32 v31, v30;
	v22 =	vadd.f32 v59, v56;
	v63 =	vld [tilespmem:s29+$0xFFFFFF50]  }
0x62: {  	v38 =	vmul.f32 v55, v53;
	v39 =	vld [tilespmem:s3+$0xFFFFFF60];
	v5 =	vadd.f32 v54, v5;
	v2 =	vadd.f32 v7, v2  }
0x63: {  	v40 =	vld [tilespmem:s29+$0xFFFFFF60];
	v26 =	vmul.f32 v27, v26;
	v41 =	vadd.f32 v37, v33;
	v19 =	vadd.f32 v61, v22  }
0x64: {  	v42 =	vmul.f32 v60, v58;
	v43 =	vld [tilespmem:s3+$0xFFFFFF70];
	v5 =	vadd.f32 v16, v5;
	v2 =	vadd.f32 v38, v2  }
0x65: {  	v45 =	vld [tilespmem:s29+$0xFFFFFF70];
	v20 =	vmul.f32 v21, v20;
	v46 =	vadd.f32 v26, v41;
	v44 =	vadd.f32 v24, v19  }
0x66: {  	v48 =	vld [tilespmem:s29+$0xE0];
	v5 =	vadd.f32 v10, v5;
	v47 =	vmul.f32 v63, v62;
	v2 =	vadd.f32 v42, v2  }
0x67: {  	v14 =	vmul.f32 v15, v14;
	v53 =	vld [tilespmem:s29+$0xF0];
	v50 =	vadd.f32 v20, v46;
	v49 =	vadd.f32 v18, v44  }
0x68: {  	v51 =	vld [tilespmem:s3+$0xF0];
	v52 =	vmul.f32 v40, v39;
	v4 =	vadd.f32 v4, v5;
	v2 =	vadd.f32 v47, v2  }
0x69: {  	v8 =	vmul.f32 v9, v8;
	v54 =	vadd.f32 v14, v50;
	v12 =	vadd.f32 v12, v49  }
0x6a: {  	v55 =	vmul.f32 v45, v43;
	v1 =	vadd.f32 v1, v4;
	v2 =	vadd.f32 v52, v2  }
0x6b: {  	v3 =	vmul.f32 v48, v3;
	v57 =	vadd.f32 v8, v54;
	v56 =	vadd.f32 v6, v12  }
0x6c: {  	(xrf2) =	vadd.scan.msk.f32 $0xffff, v1;
	v1 =	vadd.f32 v55, v2  }
0x6d: {  	(xrf2) =	vadd.scan.msk.f32 $0xffff, v56;
	v2 =	vadd.f32 v3, v57;
	v3 =	vmul.f32 v53, v51  }
0x6e: {  	(xrf2) =	vadd.scan.msk.f32 $0xffff, v1  }
0x6f: {  	v1 =	vadd.f32 v3, v2;
	_ =	sdelay $0x1  }
0x70: {  	(xrf2) =	vadd.scan.msk.f32 $0xffff, v1;
	_ =	sdelay $0x4  }
0x71: {  	s15 =	simm.s32 $0x3;
	s30 =	simm.s32 $0x0;
	v1, _, _ =	vpop (xrf2)  }
0x72: {  	s16 =	simm.s32 $0x2;
	s0 =	sand.u32 $0xF, s15;
	s15 =	sand.u32 $0xC, s30;
	v2, _, _ =	vpop (xrf2)  }
0x73: {  	s31 =	simm.s32 $0x1;
	v58 =	vmov s0;
	s3 =	sand.u32 $0xE, s16;
	v61 =	vmov s15;
	v59, _, _ =	vpop (xrf2)  }
0x74: {  	s17 =	sand.u32 $0xD, s31;
	v60 =	vmov s3;
	vm0 =	veq.s32 v61, v0;
	v5 =	vbroadcast v59, $0xF  }
0x75: {  	v62 =	vmov s17;
	v3 =	vimm.f32 $0.0e+00;
	v2 =	vbroadcast v2, $0xF  }
0x76: {  	vm1 =	veq.s32 v62, v0;
	v1 =	vbroadcast v1, $0xF;
	v63, _, _ =	vpop (xrf2);
	v3 =	vsel vm0, v5, v3  }
0x77: {  	vm14 =	veq.s32 v60, v0;
	v2 =	vsel vm1, v2, v3;
	v3 =	vbroadcast v63, $0xF  }
0x78: {  	vm15 =	veq.s32 v58, v0;
	v1 =	vsel vm14, v1, v2  }
0x79: {  	p0 =	sne.s32 s0, $0xF;
	s31 =	simm.s32 $0x183F4;
	v1 =	vsel vm15, v3, v1  }
0x7a: {  	s0 =	simm.s32 $0x700;
	[tilespmem:s31+$0x0] =	vst @!p0 v1  }
.LBB2_2:
0x7b: {  	v7 =	vld [tilespmem:s0+$0x70];
	s29 =	sadd.s32 $0x200, s29;
	s3 =	smov.u32 s30  }
0x7c: {  	v8 =	vld [tilespmem:s29+$0x70]  }
0x7d: {  	v2 =	vld [tilespmem:s0+$0xE0]  }
0x7e: {  	v9 =	vld [tilespmem:s0+$0x60]  }
0x7f: {  	v10 =	vld [tilespmem:s29+$0x60]  }
0x80: {  	v11 =	vld [tilespmem:s0+$0xFFFFFFF0]  }
0x81: {  	v12 =	vld [tilespmem:s29+$0xFFFFFFF0]  }
0x82: {  	v3 =	vld [tilespmem:s0+$0xD0]  }
0x83: {  	v4 =	vld [tilespmem:s29+$0xD0]  }
0x84: {  	v13 =	vld [tilespmem:s0+$0x50]  }
0x85: {  	v14 =	vld [tilespmem:s29+$0x50]  }
0x86: {  	v15 =	vld [tilespmem:s0+$0xFFFFFFE0]  }
0x87: {  	v16 =	vld [tilespmem:s29+$0xFFFFFFE0]  }
0x88: {  	v5 =	vld [tilespmem:s0+$0xC0]  }
0x89: {  	v6 =	vld [tilespmem:s29+$0xC0]  }
0x8a: {  	v17 =	vld [tilespmem:s0+$0x40]  }
0x8b: {  	v18 =	vld [tilespmem:s29+$0x40]  }
0x8c: {  	v19 =	vld [tilespmem:s0+$0xFFFFFFD0]  }
0x8d: {  	v20 =	vld [tilespmem:s29+$0xFFFFFFD0]  }
0x8e: {  	v21 =	vld [tilespmem:s0+$0xB0]  }
0x8f: {  	v22 =	vld [tilespmem:s29+$0xB0]  }
0x90: {  	v23 =	vld [tilespmem:s0+$0x30]  }
0x91: {  	v24 =	vld [tilespmem:s29+$0x30]  }
0x92: {  	v25 =	vld [tilespmem:s0+$0xFFFFFFC0]  }
0x93: {  	v26 =	vld [tilespmem:s29+$0xFFFFFFC0]  }
0x94: {  	v27 =	vld [tilespmem:s0+$0xA0]  }
0x95: {  	v28 =	vld [tilespmem:s29+$0xA0]  }
0x96: {  	v29 =	vld [tilespmem:s0+$0x20]  }
0x97: {  	v30 =	vld [tilespmem:s29+$0x20]  }
0x98: {  	v31 =	vld [tilespmem:s0+$0xFFFFFFB0]  }
0x99: {  	v32 =	vld [tilespmem:s29+$0xFFFFFFB0]  }
0x9a: {  	v33 =	vld [tilespmem:s0+$0x80]  }
0x9b: {  	v34 =	vld [tilespmem:s29+$0x80]  }
0x9c: {  	v35 =	vld [tilespmem:s0+$0x90]  }
0x9d: {  	v36 =	vld [tilespmem:s29+$0x90]  }
0x9e: {  	v37 =	vld [tilespmem:s29+$0x0]  }
0x9f: {  	v38 =	vld [tilespmem:s0+$0x0]  }
0xa0: {  	v39 =	vld [tilespmem:s0+$0x10]  }
0xa1: {  	v40 =	vld [tilespmem:s29+$0x10]  }
0xa2: {  	v41 =	vld [tilespmem:s0+$0xFFFFFFA0]  }
0xa3: {  	v42 =	vld [tilespmem:s29+$0xFFFFFFA0]  }
0xa4: {  	v43 =	vld [tilespmem:s0+$0xFFFFFF80]  }
0xa5: {  	v44 =	vld [tilespmem:s29+$0xFFFFFF80]  }
0xa6: {  	v45 =	vld [tilespmem:s0+$0xFFFFFF90]  }
0xa7: {  	v46 =	vld [tilespmem:s29+$0xFFFFFF90]  }
0xa8: {  	v47 =	vld [tilespmem:s0+$0xFFFFFF00]  }
0xa9: {  	v7 =	vmul.f32 v8, v7;
	v9 =	vmul.f32 v10, v9;
	v8 =	vld [tilespmem:s29+$0xFFFFFF00]  }
0xaa: {  	v10 =	vmul.f32 v37, v38;
	v37 =	vmul.f32 v40, v39;
	v38 =	vld [tilespmem:s0+$0xFFFFFF10]  }
0xab: {  	v11 =	vmul.f32 v12, v11;
	v13 =	vmul.f32 v14, v13;
	v12 =	vld [tilespmem:s29+$0xFFFFFF10]  }
0xac: {  	v15 =	vmul.f32 v16, v15;
	v14 =	vmul.f32 v30, v29;
	v10 =	vadd.f32 v37, v10;
	v16 =	vld [tilespmem:s0+$0xFFFFFF20]  }
0xad: {  	v29 =	vmul.f32 v44, v43;
	v30 =	vmul.f32 v46, v45;
	v37 =	vld [tilespmem:s29+$0xFFFFFF20]  }
0xae: {  	v17 =	vmul.f32 v18, v17;
	v10 =	vadd.f32 v14, v10;
	v14 =	vmul.f32 v24, v23;
	v18 =	vld [tilespmem:s0+$0xFFFFFF30]  }
0xaf: {  	v19 =	vmul.f32 v20, v19;
	v24 =	vmul.f32 v42, v41;
	v23 =	vadd.f32 v30, v29;
	v20 =	vld [tilespmem:s29+$0xFFFFFF30]  }
0xb0: {  	v10 =	vadd.f32 v14, v10;
	v8 =	vmul.f32 v8, v47;
	v12 =	vmul.f32 v12, v38;
	v14 =	vld [tilespmem:s0+$0xFFFFFF40]  }
0xb1: {  	v25 =	vmul.f32 v26, v25;
	v23 =	vadd.f32 v24, v23;
	v24 =	vmul.f32 v32, v31;
	v26 =	vld [tilespmem:s29+$0xFFFFFF40]  }
0xb2: {  	v10 =	vadd.f32 v17, v10;
	v8 =	vadd.f32 v12, v8;
	v12 =	vmul.f32 v37, v16;
	v16 =	vld [tilespmem:s0+$0xFFFFFF50]  }
0xb3: {  	v29 =	vmul.f32 v36, v35;
	v17 =	vadd.f32 v24, v23;
	v24 =	vmul.f32 v34, v33;
	v23 =	vld [tilespmem:s29+$0xFFFFFF50]  }
0xb4: {  	v10 =	vadd.f32 v13, v10;
	v8 =	vadd.f32 v12, v8;
	v12 =	vmul.f32 v20, v18;
	v13 =	vld [tilespmem:s0+$0xFFFFFF60]  }
0xb5: {  	v17 =	vadd.f32 v25, v17;
	v20 =	vadd.f32 v29, v24;
	v24 =	vmul.f32 v28, v27;
	v18 =	vld [tilespmem:s29+$0xFFFFFF60]  }
0xb6: {  	v9 =	vadd.f32 v9, v10;
	v8 =	vadd.f32 v12, v8;
	v10 =	vmul.f32 v26, v14;
	v12 =	vld [tilespmem:s0+$0xFFFFFF70]  }
0xb7: {  	v14 =	vadd.f32 v19, v17;
	v19 =	vadd.f32 v24, v20;
	v20 =	vmul.f32 v22, v21;
	v17 =	vld [tilespmem:s29+$0xFFFFFF70]  }
0xb8: {  	v7 =	vadd.f32 v7, v9;
	v8 =	vadd.f32 v10, v8;
	v9 =	vmul.f32 v23, v16;
	v10 =	vld [tilespmem:s29+$0xE0]  }
0xb9: {  	v5 =	vmul.f32 v6, v5;
	v14 =	vadd.f32 v15, v14;
	v15 =	vadd.f32 v20, v19;
	v6 =	vld [tilespmem:s0+$0xF0]  }
0xba: {  	v8 =	vadd.f32 v9, v8;
	v9 =	vmul.f32 v18, v13;
	v13 =	vld [tilespmem:s29+$0xF0];
	(xrf2) =	vadd.scan.msk.f32 $0xffff, v7  }
0xbb: {  	v3 =	vmul.f32 v4, v3;
	v7 =	vadd.f32 v11, v14;
	v5 =	vadd.f32 v5, v15  }
0xbc: {  	v4 =	vadd.f32 v9, v8;
	v8 =	vmul.f32 v17, v12  }
0xbd: {  	v3 =	vadd.f32 v3, v5;
	v2 =	vmul.f32 v10, v2;
	(xrf2) =	vadd.scan.msk.f32 $0xffff, v7  }
0xbe: {  	v4 =	vadd.f32 v8, v4  }
0xbf: {  	v2 =	vadd.f32 v2, v3;
	v3 =	vmul.f32 v13, v6  }
0xc0: {  	(xrf2) =	vadd.scan.msk.f32 $0xffff, v4  }
0xc1: {  	v3 =	vadd.f32 v3, v2;
	_ =	sdelay $0x1  }
0xc2: {  	(xrf2) =	vadd.scan.msk.f32 $0xffff, v3  }
0xc3: {  	v2, _, _ =	vpop (xrf2);
	_ =	sdelay $0x2  }
0xc4: {  	v3, _, _ =	vpop (xrf2)  }
0xc5: {  	s15 =	sadd.s32 $0x7, s30  }
0xc6: {  	s30 =	sadd.s32 $0x4, s30;
	s16 =	sadd.s32 $0x6, s3;
	s15 =	sand.u32 $0xF, s15  }
0xc7: {  	s3 =	sadd.s32 $0x5, s3;
	s17 =	sand.u32 $0xC, s30;
	s16 =	sand.u32 $0xE, s16;
	v4 =	vmov s15;
	v5, _, _ =	vpop (xrf2)  }
0xc8: {  	p0 =	slt.u32 s30, $0x7C;
	s3 =	sand.u32 $0xD, s3;
	v7 =	vmov s17;
	v6 =	vmov s16;
	v9 =	vbroadcast v5, $0xF  }
0xc9: {  	v8 =	vmov s3;
	vm0 =	veq.s32 v7, v0;
	v3 =	vbroadcast v3, $0xF  }
.Ltmp0:
0xca: {  	vm1 =	veq.s32 v8, v0;
	v2 =	vbroadcast v2, $0xF;
	v1 =	vsel vm0, v9, v1;
	v5, _, _ =	vpop (xrf2);
	(pc) =	sbr.rel @p0 .LBB2_2-.Ltmp0, $4  }
0xcb: {  	vm0 =	veq.s32 v6, v0;
	v1 =	vsel vm1, v3, v1;
	v3 =	vbroadcast v5, $0xF  }
0xcc: {  	v1 =	vsel vm0, v2, v1;
	vm0 =	veq.s32 v4, v0  }
0xcd: {  	s31 =	sadd.s32 $0x4, s31;
	p1 =	sne.s32 s15, $0xF;
	v1 =	vsel vm0, v3, v1  }
0xce: {  	s0 =	sadd.s32 $0x200, s0;
	[tilespmem:s31+$0x0] =	vst @!p1 v1  }
0xcf: {  	_ =	swait.ge [sflag:s11], $0x4000  }
0xd0: {  	[sflag:s11] =	ssyncset.done $0x0  }
0xd1: {  	[sflag:s11] =	ssyncadd.s32 $0xFFFFC000  }
0xd2: {  	_ =	swait.ge [sflag:s11], $0x4000  }
0xd3: {  	[sflag:s11] =	ssyncset.done $0x0  }
0xd4: {  	[sflag:s11] =	ssyncadd.s32 $0xFFFFC000  }
0xd5: {  	[tilespmem:s13], [sflag:$0x1] =	stream.indirect.gather [hbm4b:s1+s12], $0x80, s22, s12, $0xb8;
	[tilespmem:$0x18600] =	vst v63  }
0xd6: {  	s0 =	simm.s32 $0x8500  }
0xd7: {  	[tilespmem:s14], [sflag:$0x1] =	stream.indirect.gather [hbm4b:s2+s12], $0x80, s23, s12, $0xb8;
	[tilespmem:$0x18600] =	vst v63  }
0xd8: {  	s29 =	simm.s32 $0xC500;
	v1 =	vld [tilespmem:s0+$0x70]  }
0xd9: {  	v2 =	vld [tilespmem:s29+$0x70]  }
0xda: {  	v3 =	vld [tilespmem:s0+$0xE0]  }
0xdb: {  	v4 =	vld [tilespmem:s0+$0x60]  }
0xdc: {  	v5 =	vld [tilespmem:s29+$0x60]  }
0xdd: {  	v6 =	vld [tilespmem:s0+$0xFFFFFFF0]  }
0xde: {  	v7 =	vld [tilespmem:s29+$0xFFFFFFF0]  }
0xdf: {  	v8 =	vld [tilespmem:s0+$0xD0]  }
0xe0: {  	v9 =	vld [tilespmem:s29+$0xD0]  }
0xe1: {  	v10 =	vld [tilespmem:s0+$0x50]  }
0xe2: {  	v11 =	vld [tilespmem:s29+$0x50]  }
0xe3: {  	v12 =	vld [tilespmem:s0+$0xFFFFFFE0]  }
0xe4: {  	v13 =	vld [tilespmem:s29+$0xFFFFFFE0]  }
0xe5: {  	v14 =	vld [tilespmem:s0+$0xC0]  }
0xe6: {  	v15 =	vld [tilespmem:s29+$0xC0]  }
0xe7: {  	v16 =	vld [tilespmem:s0+$0x40]  }
0xe8: {  	v17 =	vld [tilespmem:s29+$0x40]  }
0xe9: {  	v18 =	vld [tilespmem:s0+$0xFFFFFFD0]  }
0xea: {  	v19 =	vld [tilespmem:s29+$0xFFFFFFD0]  }
0xeb: {  	v20 =	vld [tilespmem:s0+$0xB0]  }
0xec: {  	v21 =	vld [tilespmem:s29+$0xB0]  }
0xed: {  	v22 =	vld [tilespmem:s0+$0x30]  }
0xee: {  	v23 =	vld [tilespmem:s29+$0x30]  }
0xef: {  	v24 =	vld [tilespmem:s0+$0xFFFFFFC0]  }
0xf0: {  	v25 =	vld [tilespmem:s29+$0xFFFFFFC0]  }
0xf1: {  	v26 =	vld [tilespmem:s0+$0xA0]  }
0xf2: {  	v27 =	vld [tilespmem:s29+$0xA0]  }
0xf3: {  	v28 =	vld [tilespmem:s0+$0x20]  }
0xf4: {  	v29 =	vld [tilespmem:s29+$0x20]  }
0xf5: {  	v30 =	vld [tilespmem:s0+$0xFFFFFFB0]  }
0xf6: {  	v31 =	vld [tilespmem:s29+$0xFFFFFFB0]  }
0xf7: {  	v32 =	vld [tilespmem:s0+$0x80]  }
0xf8: {  	v33 =	vld [tilespmem:s29+$0x80]  }
0xf9: {  	v34 =	vld [tilespmem:s0+$0x90]  }
0xfa: {  	v36 =	vld [tilespmem:s29+$0x0]  }
0xfb: {  	v37 =	vld [tilespmem:s0+$0x0]  }
0xfc: {  	v38 =	vld [tilespmem:s0+$0x10]  }
0xfd: {  	v39 =	vld [tilespmem:s29+$0x10]  }
0xfe: {  	v40 =	vld [tilespmem:s0+$0xFFFFFFA0]  }
0xff: {  	v41 =	vld [tilespmem:s29+$0xFFFFFFA0]  }
0x100: {  	v42 =	vld [tilespmem:s0+$0xFFFFFF80]  }
0x101: {  	v43 =	vld [tilespmem:s29+$0xFFFFFF80]  }
0x102: {  	v44 =	vld [tilespmem:s0+$0xFFFFFF90]  }
0x103: {  	v45 =	vld [tilespmem:s29+$0xFFFFFF90]  }
0x104: {  	v46 =	vld [tilespmem:s0+$0xFFFFFF00]  }
0x105: {  	v47 =	vld [tilespmem:s29+$0xFFFFFF00]  }
0x106: {  	v63 =	vld [tilespmem:s29+$0xFFFFFF10];
	v4 =	vmul.f32 v5, v4;
	v1 =	vmul.f32 v2, v1  }
0x107: {  	v48 =	vld [tilespmem:s0+$0xFFFFFF20];
	v61 =	vmul.f32 v36, v37;
	v62 =	vmul.f32 v39, v38  }
0x108: {  	v2 =	vld [tilespmem:s0+$0xFFFFFF10];
	v10 =	vmul.f32 v11, v10;
	v6 =	vmul.f32 v7, v6  }
0x109: {  	v50 =	vld [tilespmem:s29+$0xFFFFFF20];
	v49 =	vmul.f32 v29, v28;
	v12 =	vmul.f32 v13, v12  }
0x10a: {  	v35 =	vld [tilespmem:s29+$0x90];
	v51 =	vmul.f32 v43, v42;
	v52 =	vmul.f32 v45, v44  }
0x10b: {  	v53 =	vld [tilespmem:s0+$0xFFFFFF30];
	v54 =	vmul.f32 v23, v22;
	v16 =	vmul.f32 v17, v16  }
0x10c: {  	v55 =	vld [tilespmem:s29+$0xFFFFFF30];
	v57 =	vmul.f32 v47, v46;
	v59 =	vmul.f32 v41, v40  }
0x10d: {  	v58 =	vld [tilespmem:s0+$0xFFFFFF40];
	v18 =	vmul.f32 v19, v18;
	v5 =	vadd.f32 v62, v61;
	v2 =	vmul.f32 v63, v2  }
0x10e: {  	v60 =	vld [tilespmem:s29+$0xFFFFFF40];
	v7 =	vmul.f32 v50, v48;
	v33 =	vmul.f32 v33, v32;
	v56 =	vadd.f32 v52, v51  }
0x10f: {  	v37 =	vmul.f32 v35, v34;
	v62 =	vld [tilespmem:s0+$0xFFFFFF50];
	v5 =	vadd.f32 v49, v5;
	v2 =	vadd.f32 v2, v57  }
0x110: {  	v24 =	vmul.f32 v25, v24;
	v61 =	vmul.f32 v31, v30;
	v22 =	vadd.f32 v59, v56;
	v63 =	vld [tilespmem:s29+$0xFFFFFF50]  }
0x111: {  	v38 =	vmul.f32 v55, v53;
	v39 =	vld [tilespmem:s0+$0xFFFFFF60];
	v5 =	vadd.f32 v54, v5;
	v2 =	vadd.f32 v7, v2  }
0x112: {  	v40 =	vld [tilespmem:s29+$0xFFFFFF60];
	v26 =	vmul.f32 v27, v26;
	v41 =	vadd.f32 v37, v33;
	v19 =	vadd.f32 v61, v22  }
0x113: {  	v42 =	vmul.f32 v60, v58;
	v43 =	vld [tilespmem:s0+$0xFFFFFF70];
	v5 =	vadd.f32 v16, v5;
	v2 =	vadd.f32 v38, v2  }
0x114: {  	v45 =	vld [tilespmem:s29+$0xFFFFFF70];
	v20 =	vmul.f32 v21, v20;
	v46 =	vadd.f32 v26, v41;
	v44 =	vadd.f32 v24, v19  }
0x115: {  	v48 =	vld [tilespmem:s29+$0xE0];
	v5 =	vadd.f32 v10, v5;
	v47 =	vmul.f32 v63, v62;
	v2 =	vadd.f32 v42, v2  }
0x116: {  	v14 =	vmul.f32 v15, v14;
	v53 =	vld [tilespmem:s29+$0xF0];
	v50 =	vadd.f32 v20, v46;
	v49 =	vadd.f32 v18, v44  }
0x117: {  	v51 =	vld [tilespmem:s0+$0xF0];
	v52 =	vmul.f32 v40, v39;
	v4 =	vadd.f32 v4, v5;
	v2 =	vadd.f32 v47, v2  }
0x118: {  	v8 =	vmul.f32 v9, v8;
	v54 =	vadd.f32 v14, v50;
	v12 =	vadd.f32 v12, v49  }
0x119: {  	v55 =	vmul.f32 v45, v43;
	v1 =	vadd.f32 v1, v4;
	v2 =	vadd.f32 v52, v2  }
0x11a: {  	v3 =	vmul.f32 v48, v3;
	v57 =	vadd.f32 v8, v54;
	v56 =	vadd.f32 v6, v12  }
0x11b: {  	(xrf2) =	vadd.scan.msk.f32 $0xffff, v1;
	v1 =	vadd.f32 v55, v2  }
0x11c: {  	(xrf2) =	vadd.scan.msk.f32 $0xffff, v56;
	v2 =	vadd.f32 v3, v57;
	v3 =	vmul.f32 v53, v51  }
0x11d: {  	(xrf2) =	vadd.scan.msk.f32 $0xffff, v1  }
0x11e: {  	v1 =	vadd.f32 v3, v2;
	_ =	sdelay $0x1  }
0x11f: {  	(xrf2) =	vadd.scan.msk.f32 $0xffff, v1;
	_ =	sdelay $0x4  }
0x120: {  	s16 =	simm.s32 $0x3;
	s30 =	simm.s32 $0x0;
	s3 =	simm.s32 $0x2;
	v1, _, _ =	vpop (xrf2)  }
0x121: {  	s3 =	sand.u32 $0xE, s3;
	s0 =	sand.u32 $0xF, s16;
	s16 =	sand.u32 $0xC, s30;
	v2, _, _ =	vpop (xrf2)  }
0x122: {  	s15 =	simm.s32 $0x1;
	v60 =	vmov s3;
	v61 =	vmov s16;
	v59, _, _ =	vpop (xrf2)  }
0x123: {  	s17 =	sand.u32 $0xD, s15;
	vm14 =	veq.s32 v60, v0;
	vm0 =	veq.s32 v61, v0;
	v5 =	vbroadcast v59, $0xF  }
0x124: {  	v62 =	vmov s17;
	v3 =	vimm.f32 $0.0e+00;
	v2 =	vbroadcast v2, $0xF  }
0x125: {  	vm1 =	veq.s32 v62, v0;
	v1 =	vbroadcast v1, $0xF;
	v63, _, _ =	vpop (xrf2);
	v3 =	vsel vm0, v5, v3  }
0x126: {  	v58 =	vmov s0;
	v2 =	vsel vm1, v2, v3;
	v3 =	vbroadcast v63, $0xF  }
0x127: {  	vm15 =	veq.s32 v58, v0;
	v1 =	vsel vm14, v1, v2  }
0x128: {  	s31 =	simm.s32 $0x18474;
	p0 =	sne.s32 s0, $0xF;
	v1 =	vsel vm15, v3, v1  }
0x129: {  	s0 =	simm.s32 $0x8700;
	[tilespmem:s31+$0x0] =	vst @!p0 v1  }
.LBB2_4:
0x12a: {  	v7 =	vld [tilespmem:s0+$0x70];
	s29 =	sadd.s32 $0x200, s29;
	s3 =	smov.u32 s30  }
0x12b: {  	v8 =	vld [tilespmem:s29+$0x70]  }
0x12c: {  	v2 =	vld [tilespmem:s0+$0xE0]  }
0x12d: {  	v9 =	vld [tilespmem:s0+$0x60]  }
0x12e: {  	v10 =	vld [tilespmem:s29+$0x60]  }
0x12f: {  	v11 =	vld [tilespmem:s0+$0xFFFFFFF0]  }
0x130: {  	v12 =	vld [tilespmem:s29+$0xFFFFFFF0]  }
0x131: {  	v3 =	vld [tilespmem:s0+$0xD0]  }
0x132: {  	v4 =	vld [tilespmem:s29+$0xD0]  }
0x133: {  	v13 =	vld [tilespmem:s0+$0x50]  }
0x134: {  	v14 =	vld [tilespmem:s29+$0x50]  }
0x135: {  	v15 =	vld [tilespmem:s0+$0xFFFFFFE0]  }
0x136: {  	v16 =	vld [tilespmem:s29+$0xFFFFFFE0]  }
0x137: {  	v5 =	vld [tilespmem:s0+$0xC0]  }
0x138: {  	v6 =	vld [tilespmem:s29+$0xC0]  }
0x139: {  	v17 =	vld [tilespmem:s0+$0x40]  }
0x13a: {  	v18 =	vld [tilespmem:s29+$0x40]  }
0x13b: {  	v19 =	vld [tilespmem:s0+$0xFFFFFFD0]  }
0x13c: {  	v20 =	vld [tilespmem:s29+$0xFFFFFFD0]  }
0x13d: {  	v21 =	vld [tilespmem:s0+$0xB0]  }
0x13e: {  	v22 =	vld [tilespmem:s29+$0xB0]  }
0x13f: {  	v23 =	vld [tilespmem:s0+$0x30]  }
0x140: {  	v24 =	vld [tilespmem:s29+$0x30]  }
0x141: {  	v25 =	vld [tilespmem:s0+$0xFFFFFFC0]  }
0x142: {  	v26 =	vld [tilespmem:s29+$0xFFFFFFC0]  }
0x143: {  	v27 =	vld [tilespmem:s0+$0xA0]  }
0x144: {  	v28 =	vld [tilespmem:s29+$0xA0]  }
0x145: {  	v29 =	vld [tilespmem:s0+$0x20]  }
0x146: {  	v30 =	vld [tilespmem:s29+$0x20]  }
0x147: {  	v31 =	vld [tilespmem:s0+$0xFFFFFFB0]  }
0x148: {  	v32 =	vld [tilespmem:s29+$0xFFFFFFB0]  }
0x149: {  	v33 =	vld [tilespmem:s0+$0x80]  }
0x14a: {  	v34 =	vld [tilespmem:s29+$0x80]  }
0x14b: {  	v35 =	vld [tilespmem:s0+$0x90]  }
0x14c: {  	v36 =	vld [tilespmem:s29+$0x90]  }
0x14d: {  	v37 =	vld [tilespmem:s29+$0x0]  }
0x14e: {  	v38 =	vld [tilespmem:s0+$0x0]  }
0x14f: {  	v39 =	vld [tilespmem:s0+$0x10]  }
0x150: {  	v40 =	vld [tilespmem:s29+$0x10]  }
0x151: {  	v41 =	vld [tilespmem:s0+$0xFFFFFFA0]  }
0x152: {  	v42 =	vld [tilespmem:s29+$0xFFFFFFA0]  }
0x153: {  	v43 =	vld [tilespmem:s0+$0xFFFFFF80]  }
0x154: {  	v44 =	vld [tilespmem:s29+$0xFFFFFF80]  }
0x155: {  	v45 =	vld [tilespmem:s0+$0xFFFFFF90]  }
0x156: {  	v46 =	vld [tilespmem:s29+$0xFFFFFF90]  }
0x157: {  	v47 =	vld [tilespmem:s0+$0xFFFFFF00]  }
0x158: {  	v7 =	vmul.f32 v8, v7;
	v9 =	vmul.f32 v10, v9;
	v8 =	vld [tilespmem:s29+$0xFFFFFF00]  }
0x159: {  	v10 =	vmul.f32 v37, v38;
	v37 =	vmul.f32 v40, v39;
	v38 =	vld [tilespmem:s0+$0xFFFFFF10]  }
0x15a: {  	v11 =	vmul.f32 v12, v11;
	v13 =	vmul.f32 v14, v13;
	v12 =	vld [tilespmem:s29+$0xFFFFFF10]  }
0x15b: {  	v15 =	vmul.f32 v16, v15;
	v14 =	vmul.f32 v30, v29;
	v10 =	vadd.f32 v37, v10;
	v16 =	vld [tilespmem:s0+$0xFFFFFF20]  }
0x15c: {  	v29 =	vmul.f32 v44, v43;
	v30 =	vmul.f32 v46, v45;
	v37 =	vld [tilespmem:s29+$0xFFFFFF20]  }
0x15d: {  	v17 =	vmul.f32 v18, v17;
	v10 =	vadd.f32 v14, v10;
	v14 =	vmul.f32 v24, v23;
	v18 =	vld [tilespmem:s0+$0xFFFFFF30]  }
0x15e: {  	v19 =	vmul.f32 v20, v19;
	v24 =	vmul.f32 v42, v41;
	v23 =	vadd.f32 v30, v29;
	v20 =	vld [tilespmem:s29+$0xFFFFFF30]  }
0x15f: {  	v10 =	vadd.f32 v14, v10;
	v8 =	vmul.f32 v8, v47;
	v12 =	vmul.f32 v12, v38;
	v14 =	vld [tilespmem:s0+$0xFFFFFF40]  }
0x160: {  	v25 =	vmul.f32 v26, v25;
	v23 =	vadd.f32 v24, v23;
	v24 =	vmul.f32 v32, v31;
	v26 =	vld [tilespmem:s29+$0xFFFFFF40]  }
0x161: {  	v10 =	vadd.f32 v17, v10;
	v8 =	vadd.f32 v12, v8;
	v12 =	vmul.f32 v37, v16;
	v16 =	vld [tilespmem:s0+$0xFFFFFF50]  }
0x162: {  	v29 =	vmul.f32 v36, v35;
	v17 =	vadd.f32 v24, v23;
	v24 =	vmul.f32 v34, v33;
	v23 =	vld [tilespmem:s29+$0xFFFFFF50]  }
0x163: {  	v10 =	vadd.f32 v13, v10;
	v8 =	vadd.f32 v12, v8;
	v12 =	vmul.f32 v20, v18;
	v13 =	vld [tilespmem:s0+$0xFFFFFF60]  }
0x164: {  	v17 =	vadd.f32 v25, v17;
	v20 =	vadd.f32 v29, v24;
	v24 =	vmul.f32 v28, v27;
	v18 =	vld [tilespmem:s29+$0xFFFFFF60]  }
0x165: {  	v9 =	vadd.f32 v9, v10;
	v8 =	vadd.f32 v12, v8;
	v10 =	vmul.f32 v26, v14;
	v12 =	vld [tilespmem:s0+$0xFFFFFF70]  }
0x166: {  	v14 =	vadd.f32 v19, v17;
	v19 =	vadd.f32 v24, v20;
	v20 =	vmul.f32 v22, v21;
	v17 =	vld [tilespmem:s29+$0xFFFFFF70]  }
0x167: {  	v7 =	vadd.f32 v7, v9;
	v8 =	vadd.f32 v10, v8;
	v9 =	vmul.f32 v23, v16;
	v10 =	vld [tilespmem:s29+$0xE0]  }
0x168: {  	v5 =	vmul.f32 v6, v5;
	v14 =	vadd.f32 v15, v14;
	v15 =	vadd.f32 v20, v19;
	v6 =	vld [tilespmem:s0+$0xF0]  }
0x169: {  	v8 =	vadd.f32 v9, v8;
	v9 =	vmul.f32 v18, v13;
	v13 =	vld [tilespmem:s29+$0xF0];
	(xrf2) =	vadd.scan.msk.f32 $0xffff, v7  }
0x16a: {  	v3 =	vmul.f32 v4, v3;
	v7 =	vadd.f32 v11, v14;
	v5 =	vadd.f32 v5, v15  }
0x16b: {  	v4 =	vadd.f32 v9, v8;
	v8 =	vmul.f32 v17, v12  }
0x16c: {  	v3 =	vadd.f32 v3, v5;
	v2 =	vmul.f32 v10, v2;
	(xrf2) =	vadd.scan.msk.f32 $0xffff, v7  }
0x16d: {  	v4 =	vadd.f32 v8, v4  }
0x16e: {  	v2 =	vadd.f32 v2, v3;
	v3 =	vmul.f32 v13, v6  }
0x16f: {  	(xrf2) =	vadd.scan.msk.f32 $0xffff, v4  }
0x170: {  	v3 =	vadd.f32 v3, v2;
	_ =	sdelay $0x1  }
0x171: {  	(xrf2) =	vadd.scan.msk.f32 $0xffff, v3  }
0x172: {  	v2, _, _ =	vpop (xrf2);
	_ =	sdelay $0x2  }
0x173: {  	v3, _, _ =	vpop (xrf2)  }
0x174: {  	s15 =	sadd.s32 $0x7, s30  }
0x175: {  	s30 =	sadd.s32 $0x4, s30;
	s16 =	sadd.s32 $0x6, s3;
	s15 =	sand.u32 $0xF, s15  }
0x176: {  	s3 =	sadd.s32 $0x5, s3;
	s17 =	sand.u32 $0xC, s30;
	s16 =	sand.u32 $0xE, s16;
	v4 =	vmov s15;
	v5, _, _ =	vpop (xrf2)  }
0x177: {  	p0 =	slt.u32 s30, $0x7C;
	s3 =	sand.u32 $0xD, s3;
	v7 =	vmov s17;
	v6 =	vmov s16;
	v9 =	vbroadcast v5, $0xF  }
0x178: {  	v8 =	vmov s3;
	vm0 =	veq.s32 v7, v0;
	v3 =	vbroadcast v3, $0xF  }
.Ltmp1:
0x179: {  	vm1 =	veq.s32 v8, v0;
	v2 =	vbroadcast v2, $0xF;
	v1 =	vsel vm0, v9, v1;
	v5, _, _ =	vpop (xrf2);
	(pc) =	sbr.rel @p0 .LBB2_4-.Ltmp1, $4  }
0x17a: {  	vm0 =	veq.s32 v6, v0;
	v1 =	vsel vm1, v3, v1;
	v3 =	vbroadcast v5, $0xF  }
0x17b: {  	v1 =	vsel vm0, v2, v1;
	vm0 =	veq.s32 v4, v0  }
0x17c: {  	s31 =	sadd.s32 $0x4, s31;
	p1 =	sne.s32 s15, $0xF;
	v1 =	vsel vm0, v3, v1  }
0x17d: {  	s0 =	sadd.s32 $0x200, s0;
	[tilespmem:s31+$0x0] =	vst @!p1 v1  }
0x17e: {  	_ =	swait.ge [sflag:s24], $0x4000  }
0x17f: {  	[sflag:s24] =	ssyncset.done $0x0  }
0x180: {  	[sflag:s24] =	ssyncadd.s32 $0xFFFFC000  }
0x181: {  	_ =	swait.ge [sflag:s24], $0x4000  }
0x182: {  	[sflag:s24] =	ssyncset.done $0x0  }
0x183: {  	s0 =	simm.s32 $0x10500;
	[sflag:s24] =	ssyncadd.s32 $0xFFFFC000  }
0x184: {  	s29 =	simm.s32 $0x14500;
	v1 =	vld [tilespmem:s0+$0x70]  }
0x185: {  	v2 =	vld [tilespmem:s29+$0x70]  }
0x186: {  	v3 =	vld [tilespmem:s0+$0xE0]  }
0x187: {  	v4 =	vld [tilespmem:s0+$0x60]  }
0x188: {  	v5 =	vld [tilespmem:s29+$0x60]  }
0x189: {  	v6 =	vld [tilespmem:s0+$0xFFFFFFF0]  }
0x18a: {  	v7 =	vld [tilespmem:s29+$0xFFFFFFF0]  }
0x18b: {  	v8 =	vld [tilespmem:s0+$0xD0]  }
0x18c: {  	v9 =	vld [tilespmem:s29+$0xD0]  }
0x18d: {  	v10 =	vld [tilespmem:s0+$0x50]  }
0x18e: {  	v11 =	vld [tilespmem:s29+$0x50]  }
0x18f: {  	v12 =	vld [tilespmem:s0+$0xFFFFFFE0]  }
0x190: {  	v13 =	vld [tilespmem:s29+$0xFFFFFFE0]  }
0x191: {  	v14 =	vld [tilespmem:s0+$0xC0]  }
0x192: {  	v15 =	vld [tilespmem:s29+$0xC0]  }
0x193: {  	v16 =	vld [tilespmem:s0+$0x40]  }
0x194: {  	v17 =	vld [tilespmem:s29+$0x40]  }
0x195: {  	v18 =	vld [tilespmem:s0+$0xFFFFFFD0]  }
0x196: {  	v19 =	vld [tilespmem:s29+$0xFFFFFFD0]  }
0x197: {  	v20 =	vld [tilespmem:s0+$0xB0]  }
0x198: {  	v21 =	vld [tilespmem:s29+$0xB0]  }
0x199: {  	v22 =	vld [tilespmem:s0+$0x30]  }
0x19a: {  	v23 =	vld [tilespmem:s29+$0x30]  }
0x19b: {  	v24 =	vld [tilespmem:s0+$0xFFFFFFC0]  }
0x19c: {  	v25 =	vld [tilespmem:s29+$0xFFFFFFC0]  }
0x19d: {  	v26 =	vld [tilespmem:s0+$0xA0]  }
0x19e: {  	v27 =	vld [tilespmem:s29+$0xA0]  }
0x19f: {  	v28 =	vld [tilespmem:s0+$0x20]  }
0x1a0: {  	v29 =	vld [tilespmem:s29+$0x20]  }
0x1a1: {  	v30 =	vld [tilespmem:s0+$0xFFFFFFB0]  }
0x1a2: {  	v31 =	vld [tilespmem:s29+$0xFFFFFFB0]  }
0x1a3: {  	v32 =	vld [tilespmem:s0+$0x80]  }
0x1a4: {  	v33 =	vld [tilespmem:s29+$0x80]  }
0x1a5: {  	v34 =	vld [tilespmem:s0+$0x90]  }
0x1a6: {  	v36 =	vld [tilespmem:s29+$0x0]  }
0x1a7: {  	v37 =	vld [tilespmem:s0+$0x0]  }
0x1a8: {  	v38 =	vld [tilespmem:s0+$0x10]  }
0x1a9: {  	v39 =	vld [tilespmem:s29+$0x10]  }
0x1aa: {  	v40 =	vld [tilespmem:s0+$0xFFFFFFA0]  }
0x1ab: {  	v41 =	vld [tilespmem:s29+$0xFFFFFFA0]  }
0x1ac: {  	v42 =	vld [tilespmem:s0+$0xFFFFFF80]  }
0x1ad: {  	v43 =	vld [tilespmem:s29+$0xFFFFFF80]  }
0x1ae: {  	v44 =	vld [tilespmem:s0+$0xFFFFFF90]  }
0x1af: {  	v45 =	vld [tilespmem:s29+$0xFFFFFF90]  }
0x1b0: {  	v46 =	vld [tilespmem:s0+$0xFFFFFF00]  }
0x1b1: {  	v47 =	vld [tilespmem:s29+$0xFFFFFF00]  }
0x1b2: {  	v63 =	vld [tilespmem:s29+$0xFFFFFF10];
	v4 =	vmul.f32 v5, v4;
	v1 =	vmul.f32 v2, v1  }
0x1b3: {  	v48 =	vld [tilespmem:s0+$0xFFFFFF20];
	v61 =	vmul.f32 v36, v37;
	v62 =	vmul.f32 v39, v38  }
0x1b4: {  	v2 =	vld [tilespmem:s0+$0xFFFFFF10];
	v10 =	vmul.f32 v11, v10;
	v6 =	vmul.f32 v7, v6  }
0x1b5: {  	v50 =	vld [tilespmem:s29+$0xFFFFFF20];
	v49 =	vmul.f32 v29, v28;
	v12 =	vmul.f32 v13, v12  }
0x1b6: {  	v35 =	vld [tilespmem:s29+$0x90];
	v51 =	vmul.f32 v43, v42;
	v52 =	vmul.f32 v45, v44  }
0x1b7: {  	v53 =	vld [tilespmem:s0+$0xFFFFFF30];
	v54 =	vmul.f32 v23, v22;
	v16 =	vmul.f32 v17, v16  }
0x1b8: {  	v55 =	vld [tilespmem:s29+$0xFFFFFF30];
	v57 =	vmul.f32 v47, v46;
	v59 =	vmul.f32 v41, v40  }
0x1b9: {  	v58 =	vld [tilespmem:s0+$0xFFFFFF40];
	v18 =	vmul.f32 v19, v18;
	v5 =	vadd.f32 v62, v61;
	v2 =	vmul.f32 v63, v2  }
0x1ba: {  	v60 =	vld [tilespmem:s29+$0xFFFFFF40];
	v7 =	vmul.f32 v50, v48;
	v33 =	vmul.f32 v33, v32;
	v56 =	vadd.f32 v52, v51  }
0x1bb: {  	v37 =	vmul.f32 v35, v34;
	v62 =	vld [tilespmem:s0+$0xFFFFFF50];
	v5 =	vadd.f32 v49, v5;
	v2 =	vadd.f32 v2, v57  }
0x1bc: {  	v24 =	vmul.f32 v25, v24;
	v61 =	vmul.f32 v31, v30;
	v22 =	vadd.f32 v59, v56;
	v63 =	vld [tilespmem:s29+$0xFFFFFF50]  }
0x1bd: {  	v38 =	vmul.f32 v55, v53;
	v39 =	vld [tilespmem:s0+$0xFFFFFF60];
	v5 =	vadd.f32 v54, v5;
	v2 =	vadd.f32 v7, v2  }
0x1be: {  	v40 =	vld [tilespmem:s29+$0xFFFFFF60];
	v26 =	vmul.f32 v27, v26;
	v41 =	vadd.f32 v37, v33;
	v19 =	vadd.f32 v61, v22  }
0x1bf: {  	v42 =	vmul.f32 v60, v58;
	v43 =	vld [tilespmem:s0+$0xFFFFFF70];
	v5 =	vadd.f32 v16, v5;
	v2 =	vadd.f32 v38, v2  }
0x1c0: {  	v45 =	vld [tilespmem:s29+$0xFFFFFF70];
	v20 =	vmul.f32 v21, v20;
	v46 =	vadd.f32 v26, v41;
	v44 =	vadd.f32 v24, v19  }
0x1c1: {  	v48 =	vld [tilespmem:s29+$0xE0];
	v5 =	vadd.f32 v10, v5;
	v47 =	vmul.f32 v63, v62;
	v2 =	vadd.f32 v42, v2  }
0x1c2: {  	v14 =	vmul.f32 v15, v14;
	v53 =	vld [tilespmem:s29+$0xF0];
	v50 =	vadd.f32 v20, v46;
	v49 =	vadd.f32 v18, v44  }
0x1c3: {  	v51 =	vld [tilespmem:s0+$0xF0];
	v52 =	vmul.f32 v40, v39;
	v4 =	vadd.f32 v4, v5;
	v2 =	vadd.f32 v47, v2  }
0x1c4: {  	v8 =	vmul.f32 v9, v8;
	v54 =	vadd.f32 v14, v50;
	v12 =	vadd.f32 v12, v49  }
0x1c5: {  	v55 =	vmul.f32 v45, v43;
	v1 =	vadd.f32 v1, v4;
	v2 =	vadd.f32 v52, v2  }
0x1c6: {  	v3 =	vmul.f32 v48, v3;
	v57 =	vadd.f32 v8, v54;
	v56 =	vadd.f32 v6, v12  }
0x1c7: {  	(xrf2) =	vadd.scan.msk.f32 $0xffff, v1;
	v1 =	vadd.f32 v55, v2  }
0x1c8: {  	(xrf2) =	vadd.scan.msk.f32 $0xffff, v56;
	v2 =	vadd.f32 v3, v57;
	v3 =	vmul.f32 v53, v51  }
0x1c9: {  	(xrf2) =	vadd.scan.msk.f32 $0xffff, v1  }
0x1ca: {  	v1 =	vadd.f32 v3, v2;
	_ =	sdelay $0x1  }
0x1cb: {  	(xrf2) =	vadd.scan.msk.f32 $0xffff, v1;
	_ =	sdelay $0x4  }
0x1cc: {  	s16 =	simm.s32 $0x3;
	s30 =	simm.s32 $0x0;
	s3 =	simm.s32 $0x2;
	v1, _, _ =	vpop (xrf2)  }
0x1cd: {  	s3 =	sand.u32 $0xE, s3;
	s0 =	sand.u32 $0xF, s16;
	s16 =	sand.u32 $0xC, s30;
	v2, _, _ =	vpop (xrf2)  }
0x1ce: {  	s15 =	simm.s32 $0x1;
	v60 =	vmov s3;
	v61 =	vmov s16;
	v59, _, _ =	vpop (xrf2)  }
0x1cf: {  	s17 =	sand.u32 $0xD, s15;
	vm14 =	veq.s32 v60, v0;
	vm0 =	veq.s32 v61, v0;
	v5 =	vbroadcast v59, $0xF  }
0x1d0: {  	v62 =	vmov s17;
	v3 =	vimm.f32 $0.0e+00;
	v2 =	vbroadcast v2, $0xF  }
0x1d1: {  	vm1 =	veq.s32 v62, v0;
	v1 =	vbroadcast v1, $0xF;
	v63, _, _ =	vpop (xrf2);
	v3 =	vsel vm0, v5, v3  }
0x1d2: {  	v58 =	vmov s0;
	v2 =	vsel vm1, v2, v3;
	v3 =	vbroadcast v63, $0xF  }
0x1d3: {  	vm15 =	veq.s32 v58, v0;
	v1 =	vsel vm14, v1, v2  }
0x1d4: {  	s31 =	simm.s32 $0x184F4;
	p0 =	sne.s32 s0, $0xF;
	v1 =	vsel vm15, v3, v1  }
0x1d5: {  	s0 =	simm.s32 $0x10700;
	[tilespmem:s31+$0x0] =	vst @!p0 v1  }
.LBB2_6:
0x1d6: {  	v7 =	vld [tilespmem:s0+$0x70];
	s29 =	sadd.s32 $0x200, s29;
	s3 =	smov.u32 s30  }
0x1d7: {  	v8 =	vld [tilespmem:s29+$0x70]  }
0x1d8: {  	v2 =	vld [tilespmem:s0+$0xE0]  }
0x1d9: {  	v9 =	vld [tilespmem:s0+$0x60]  }
0x1da: {  	v10 =	vld [tilespmem:s29+$0x60]  }
0x1db: {  	v11 =	vld [tilespmem:s0+$0xFFFFFFF0]  }
0x1dc: {  	v12 =	vld [tilespmem:s29+$0xFFFFFFF0]  }
0x1dd: {  	v3 =	vld [tilespmem:s0+$0xD0]  }
0x1de: {  	v4 =	vld [tilespmem:s29+$0xD0]  }
0x1df: {  	v13 =	vld [tilespmem:s0+$0x50]  }
0x1e0: {  	v14 =	vld [tilespmem:s29+$0x50]  }
0x1e1: {  	v15 =	vld [tilespmem:s0+$0xFFFFFFE0]  }
0x1e2: {  	v16 =	vld [tilespmem:s29+$0xFFFFFFE0]  }
0x1e3: {  	v5 =	vld [tilespmem:s0+$0xC0]  }
0x1e4: {  	v6 =	vld [tilespmem:s29+$0xC0]  }
0x1e5: {  	v17 =	vld [tilespmem:s0+$0x40]  }
0x1e6: {  	v18 =	vld [tilespmem:s29+$0x40]  }
0x1e7: {  	v19 =	vld [tilespmem:s0+$0xFFFFFFD0]  }
0x1e8: {  	v20 =	vld [tilespmem:s29+$0xFFFFFFD0]  }
0x1e9: {  	v21 =	vld [tilespmem:s0+$0xB0]  }
0x1ea: {  	v22 =	vld [tilespmem:s29+$0xB0]  }
0x1eb: {  	v23 =	vld [tilespmem:s0+$0x30]  }
0x1ec: {  	v24 =	vld [tilespmem:s29+$0x30]  }
0x1ed: {  	v25 =	vld [tilespmem:s0+$0xFFFFFFC0]  }
0x1ee: {  	v26 =	vld [tilespmem:s29+$0xFFFFFFC0]  }
0x1ef: {  	v27 =	vld [tilespmem:s0+$0xA0]  }
0x1f0: {  	v28 =	vld [tilespmem:s29+$0xA0]  }
0x1f1: {  	v29 =	vld [tilespmem:s0+$0x20]  }
0x1f2: {  	v30 =	vld [tilespmem:s29+$0x20]  }
0x1f3: {  	v31 =	vld [tilespmem:s0+$0xFFFFFFB0]  }
0x1f4: {  	v32 =	vld [tilespmem:s29+$0xFFFFFFB0]  }
0x1f5: {  	v33 =	vld [tilespmem:s0+$0x80]  }
0x1f6: {  	v34 =	vld [tilespmem:s29+$0x80]  }
0x1f7: {  	v35 =	vld [tilespmem:s0+$0x90]  }
0x1f8: {  	v36 =	vld [tilespmem:s29+$0x90]  }
0x1f9: {  	v37 =	vld [tilespmem:s29+$0x0]  }
0x1fa: {  	v38 =	vld [tilespmem:s0+$0x0]  }
0x1fb: {  	v39 =	vld [tilespmem:s0+$0x10]  }
0x1fc: {  	v40 =	vld [tilespmem:s29+$0x10]  }
0x1fd: {  	v41 =	vld [tilespmem:s0+$0xFFFFFFA0]  }
0x1fe: {  	v42 =	vld [tilespmem:s29+$0xFFFFFFA0]  }
0x1ff: {  	v43 =	vld [tilespmem:s0+$0xFFFFFF80]  }
0x200: {  	v44 =	vld [tilespmem:s29+$0xFFFFFF80]  }
0x201: {  	v45 =	vld [tilespmem:s0+$0xFFFFFF90]  }
0x202: {  	v46 =	vld [tilespmem:s29+$0xFFFFFF90]  }
0x203: {  	v47 =	vld [tilespmem:s0+$0xFFFFFF00]  }
0x204: {  	v7 =	vmul.f32 v8, v7;
	v9 =	vmul.f32 v10, v9;
	v8 =	vld [tilespmem:s29+$0xFFFFFF00]  }
0x205: {  	v10 =	vmul.f32 v37, v38;
	v37 =	vmul.f32 v40, v39;
	v38 =	vld [tilespmem:s0+$0xFFFFFF10]  }
0x206: {  	v11 =	vmul.f32 v12, v11;
	v13 =	vmul.f32 v14, v13;
	v12 =	vld [tilespmem:s29+$0xFFFFFF10]  }
0x207: {  	v15 =	vmul.f32 v16, v15;
	v14 =	vmul.f32 v30, v29;
	v10 =	vadd.f32 v37, v10;
	v16 =	vld [tilespmem:s0+$0xFFFFFF20]  }
0x208: {  	v29 =	vmul.f32 v44, v43;
	v30 =	vmul.f32 v46, v45;
	v37 =	vld [tilespmem:s29+$0xFFFFFF20]  }
0x209: {  	v17 =	vmul.f32 v18, v17;
	v10 =	vadd.f32 v14, v10;
	v14 =	vmul.f32 v24, v23;
	v18 =	vld [tilespmem:s0+$0xFFFFFF30]  }
0x20a: {  	v19 =	vmul.f32 v20, v19;
	v24 =	vmul.f32 v42, v41;
	v23 =	vadd.f32 v30, v29;
	v20 =	vld [tilespmem:s29+$0xFFFFFF30]  }
0x20b: {  	v10 =	vadd.f32 v14, v10;
	v8 =	vmul.f32 v8, v47;
	v12 =	vmul.f32 v12, v38;
	v14 =	vld [tilespmem:s0+$0xFFFFFF40]  }
0x20c: {  	v25 =	vmul.f32 v26, v25;
	v23 =	vadd.f32 v24, v23;
	v24 =	vmul.f32 v32, v31;
	v26 =	vld [tilespmem:s29+$0xFFFFFF40]  }
0x20d: {  	v10 =	vadd.f32 v17, v10;
	v8 =	vadd.f32 v12, v8;
	v12 =	vmul.f32 v37, v16;
	v16 =	vld [tilespmem:s0+$0xFFFFFF50]  }
0x20e: {  	v29 =	vmul.f32 v36, v35;
	v17 =	vadd.f32 v24, v23;
	v24 =	vmul.f32 v34, v33;
	v23 =	vld [tilespmem:s29+$0xFFFFFF50]  }
0x20f: {  	v10 =	vadd.f32 v13, v10;
	v8 =	vadd.f32 v12, v8;
	v12 =	vmul.f32 v20, v18;
	v13 =	vld [tilespmem:s0+$0xFFFFFF60]  }
0x210: {  	v17 =	vadd.f32 v25, v17;
	v20 =	vadd.f32 v29, v24;
	v24 =	vmul.f32 v28, v27;
	v18 =	vld [tilespmem:s29+$0xFFFFFF60]  }
0x211: {  	v9 =	vadd.f32 v9, v10;
	v8 =	vadd.f32 v12, v8;
	v10 =	vmul.f32 v26, v14;
	v12 =	vld [tilespmem:s0+$0xFFFFFF70]  }
0x212: {  	v14 =	vadd.f32 v19, v17;
	v19 =	vadd.f32 v24, v20;
	v20 =	vmul.f32 v22, v21;
	v17 =	vld [tilespmem:s29+$0xFFFFFF70]  }
0x213: {  	v7 =	vadd.f32 v7, v9;
	v8 =	vadd.f32 v10, v8;
	v9 =	vmul.f32 v23, v16;
	v10 =	vld [tilespmem:s29+$0xE0]  }
0x214: {  	v5 =	vmul.f32 v6, v5;
	v14 =	vadd.f32 v15, v14;
	v15 =	vadd.f32 v20, v19;
	v6 =	vld [tilespmem:s0+$0xF0]  }
0x215: {  	v8 =	vadd.f32 v9, v8;
	v9 =	vmul.f32 v18, v13;
	v13 =	vld [tilespmem:s29+$0xF0];
	(xrf2) =	vadd.scan.msk.f32 $0xffff, v7  }
0x216: {  	v3 =	vmul.f32 v4, v3;
	v7 =	vadd.f32 v11, v14;
	v5 =	vadd.f32 v5, v15  }
0x217: {  	v4 =	vadd.f32 v9, v8;
	v8 =	vmul.f32 v17, v12  }
0x218: {  	v3 =	vadd.f32 v3, v5;
	v2 =	vmul.f32 v10, v2;
	(xrf2) =	vadd.scan.msk.f32 $0xffff, v7  }
0x219: {  	v4 =	vadd.f32 v8, v4  }
0x21a: {  	v2 =	vadd.f32 v2, v3;
	v3 =	vmul.f32 v13, v6  }
0x21b: {  	(xrf2) =	vadd.scan.msk.f32 $0xffff, v4  }
0x21c: {  	v3 =	vadd.f32 v3, v2;
	_ =	sdelay $0x1  }
0x21d: {  	(xrf2) =	vadd.scan.msk.f32 $0xffff, v3  }
0x21e: {  	v2, _, _ =	vpop (xrf2);
	_ =	sdelay $0x2  }
0x21f: {  	v3, _, _ =	vpop (xrf2)  }
0x220: {  	s15 =	sadd.s32 $0x7, s30  }
0x221: {  	s30 =	sadd.s32 $0x4, s30;
	s16 =	sadd.s32 $0x6, s3;
	s15 =	sand.u32 $0xF, s15  }
0x222: {  	s3 =	sadd.s32 $0x5, s3;
	s17 =	sand.u32 $0xC, s30;
	s16 =	sand.u32 $0xE, s16;
	v4 =	vmov s15;
	v5, _, _ =	vpop (xrf2)  }
0x223: {  	p0 =	slt.u32 s30, $0x7C;
	s3 =	sand.u32 $0xD, s3;
	v7 =	vmov s17;
	v6 =	vmov s16;
	v9 =	vbroadcast v5, $0xF  }
0x224: {  	v8 =	vmov s3;
	vm0 =	veq.s32 v7, v0;
	v3 =	vbroadcast v3, $0xF  }
.Ltmp2:
0x225: {  	vm1 =	veq.s32 v8, v0;
	v2 =	vbroadcast v2, $0xF;
	v1 =	vsel vm0, v9, v1;
	v5, _, _ =	vpop (xrf2);
	(pc) =	sbr.rel @p0 .LBB2_6-.Ltmp2, $4  }
0x226: {  	vm0 =	veq.s32 v6, v0;
	v1 =	vsel vm1, v3, v1;
	v3 =	vbroadcast v5, $0xF  }
0x227: {  	v1 =	vsel vm0, v2, v1;
	vm0 =	veq.s32 v4, v0  }
0x228: {  	s31 =	sadd.s32 $0x4, s31;
	p1 =	sne.s32 s15, $0xF;
	v1 =	vsel vm0, v3, v1  }
0x229: {  	s0 =	sadd.s32 $0x200, s0;
	[tilespmem:s31+$0x0] =	vst @!p1 v1  }
0x22a: {  	_ =	swait.ge [sflag:s10], $0x4000  }
0x22b: {  	[sflag:s10] =	ssyncset.done $0x0  }
0x22c: {  	[sflag:s10] =	ssyncadd.s32 $0xFFFFC000  }
0x22d: {  	_ =	swait.ge [sflag:s10], $0x4000  }
0x22e: {  	[sflag:s10] =	ssyncset.done $0x0  }
0x22f: {  	s0 =	simm.s32 $0x500;
	[sflag:s10] =	ssyncadd.s32 $0xFFFFC000  }
0x230: {  	s29 =	simm.s32 $0x4500;
	v1 =	vld [tilespmem:s0+$0x70]  }
0x231: {  	v2 =	vld [tilespmem:s29+$0x70]  }
0x232: {  	v3 =	vld [tilespmem:s0+$0xE0]  }
0x233: {  	v4 =	vld [tilespmem:s0+$0x60]  }
0x234: {  	v5 =	vld [tilespmem:s29+$0x60]  }
0x235: {  	v6 =	vld [tilespmem:s0+$0xFFFFFFF0]  }
0x236: {  	v7 =	vld [tilespmem:s29+$0xFFFFFFF0]  }
0x237: {  	v8 =	vld [tilespmem:s0+$0xD0]  }
0x238: {  	v9 =	vld [tilespmem:s29+$0xD0]  }
0x239: {  	v10 =	vld [tilespmem:s0+$0x50]  }
0x23a: {  	v11 =	vld [tilespmem:s29+$0x50]  }
0x23b: {  	v12 =	vld [tilespmem:s0+$0xFFFFFFE0]  }
0x23c: {  	v13 =	vld [tilespmem:s29+$0xFFFFFFE0]  }
0x23d: {  	v14 =	vld [tilespmem:s0+$0xC0]  }
0x23e: {  	v15 =	vld [tilespmem:s29+$0xC0]  }
0x23f: {  	v16 =	vld [tilespmem:s0+$0x40]  }
0x240: {  	v17 =	vld [tilespmem:s29+$0x40]  }
0x241: {  	v18 =	vld [tilespmem:s0+$0xFFFFFFD0]  }
0x242: {  	v19 =	vld [tilespmem:s29+$0xFFFFFFD0]  }
0x243: {  	v20 =	vld [tilespmem:s0+$0xB0]  }
0x244: {  	v21 =	vld [tilespmem:s29+$0xB0]  }
0x245: {  	v22 =	vld [tilespmem:s0+$0x30]  }
0x246: {  	v23 =	vld [tilespmem:s29+$0x30]  }
0x247: {  	v24 =	vld [tilespmem:s0+$0xFFFFFFC0]  }
0x248: {  	v25 =	vld [tilespmem:s29+$0xFFFFFFC0]  }
0x249: {  	v26 =	vld [tilespmem:s0+$0xA0]  }
0x24a: {  	v27 =	vld [tilespmem:s29+$0xA0]  }
0x24b: {  	v28 =	vld [tilespmem:s0+$0x20]  }
0x24c: {  	v29 =	vld [tilespmem:s29+$0x20]  }
0x24d: {  	v30 =	vld [tilespmem:s0+$0xFFFFFFB0]  }
0x24e: {  	v31 =	vld [tilespmem:s29+$0xFFFFFFB0]  }
0x24f: {  	v32 =	vld [tilespmem:s0+$0x80]  }
0x250: {  	v33 =	vld [tilespmem:s29+$0x80]  }
0x251: {  	v34 =	vld [tilespmem:s0+$0x90]  }
0x252: {  	v36 =	vld [tilespmem:s29+$0x0]  }
0x253: {  	v37 =	vld [tilespmem:s0+$0x0]  }
0x254: {  	v38 =	vld [tilespmem:s0+$0x10]  }
0x255: {  	v39 =	vld [tilespmem:s29+$0x10]  }
0x256: {  	v40 =	vld [tilespmem:s0+$0xFFFFFFA0]  }
0x257: {  	v41 =	vld [tilespmem:s29+$0xFFFFFFA0]  }
0x258: {  	v42 =	vld [tilespmem:s0+$0xFFFFFF80]  }
0x259: {  	v43 =	vld [tilespmem:s29+$0xFFFFFF80]  }
0x25a: {  	v44 =	vld [tilespmem:s0+$0xFFFFFF90]  }
0x25b: {  	v45 =	vld [tilespmem:s29+$0xFFFFFF90]  }
0x25c: {  	v46 =	vld [tilespmem:s0+$0xFFFFFF00]  }
0x25d: {  	v47 =	vld [tilespmem:s29+$0xFFFFFF00]  }
0x25e: {  	v63 =	vld [tilespmem:s29+$0xFFFFFF10];
	v4 =	vmul.f32 v5, v4;
	v1 =	vmul.f32 v2, v1  }
0x25f: {  	v48 =	vld [tilespmem:s0+$0xFFFFFF20];
	v61 =	vmul.f32 v36, v37;
	v62 =	vmul.f32 v39, v38  }
0x260: {  	v2 =	vld [tilespmem:s0+$0xFFFFFF10];
	v10 =	vmul.f32 v11, v10;
	v6 =	vmul.f32 v7, v6  }
0x261: {  	v50 =	vld [tilespmem:s29+$0xFFFFFF20];
	v49 =	vmul.f32 v29, v28;
	v12 =	vmul.f32 v13, v12  }
0x262: {  	v35 =	vld [tilespmem:s29+$0x90];
	v51 =	vmul.f32 v43, v42;
	v52 =	vmul.f32 v45, v44  }
0x263: {  	v53 =	vld [tilespmem:s0+$0xFFFFFF30];
	v54 =	vmul.f32 v23, v22;
	v16 =	vmul.f32 v17, v16  }
0x264: {  	v55 =	vld [tilespmem:s29+$0xFFFFFF30];
	v57 =	vmul.f32 v47, v46;
	v59 =	vmul.f32 v41, v40  }
0x265: {  	v58 =	vld [tilespmem:s0+$0xFFFFFF40];
	v18 =	vmul.f32 v19, v18;
	v5 =	vadd.f32 v62, v61;
	v2 =	vmul.f32 v63, v2  }
0x266: {  	v60 =	vld [tilespmem:s29+$0xFFFFFF40];
	v7 =	vmul.f32 v50, v48;
	v33 =	vmul.f32 v33, v32;
	v56 =	vadd.f32 v52, v51  }
0x267: {  	v37 =	vmul.f32 v35, v34;
	v62 =	vld [tilespmem:s0+$0xFFFFFF50];
	v5 =	vadd.f32 v49, v5;
	v2 =	vadd.f32 v2, v57  }
0x268: {  	v24 =	vmul.f32 v25, v24;
	v61 =	vmul.f32 v31, v30;
	v22 =	vadd.f32 v59, v56;
	v63 =	vld [tilespmem:s29+$0xFFFFFF50]  }
0x269: {  	v38 =	vmul.f32 v55, v53;
	v39 =	vld [tilespmem:s0+$0xFFFFFF60];
	v5 =	vadd.f32 v54, v5;
	v2 =	vadd.f32 v7, v2  }
0x26a: {  	v40 =	vld [tilespmem:s29+$0xFFFFFF60];
	v26 =	vmul.f32 v27, v26;
	v41 =	vadd.f32 v37, v33;
	v19 =	vadd.f32 v61, v22  }
0x26b: {  	v42 =	vmul.f32 v60, v58;
	v43 =	vld [tilespmem:s0+$0xFFFFFF70];
	v5 =	vadd.f32 v16, v5;
	v2 =	vadd.f32 v38, v2  }
0x26c: {  	v45 =	vld [tilespmem:s29+$0xFFFFFF70];
	v20 =	vmul.f32 v21, v20;
	v46 =	vadd.f32 v26, v41;
	v44 =	vadd.f32 v24, v19  }
0x26d: {  	v48 =	vld [tilespmem:s29+$0xE0];
	v5 =	vadd.f32 v10, v5;
	v47 =	vmul.f32 v63, v62;
	v2 =	vadd.f32 v42, v2  }
0x26e: {  	v14 =	vmul.f32 v15, v14;
	v53 =	vld [tilespmem:s29+$0xF0];
	v50 =	vadd.f32 v20, v46;
	v49 =	vadd.f32 v18, v44  }
0x26f: {  	v51 =	vld [tilespmem:s0+$0xF0];
	v52 =	vmul.f32 v40, v39;
	v4 =	vadd.f32 v4, v5;
	v2 =	vadd.f32 v47, v2  }
0x270: {  	v8 =	vmul.f32 v9, v8;
	v54 =	vadd.f32 v14, v50;
	v12 =	vadd.f32 v12, v49  }
0x271: {  	v55 =	vmul.f32 v45, v43;
	v1 =	vadd.f32 v1, v4;
	v2 =	vadd.f32 v52, v2  }
0x272: {  	v3 =	vmul.f32 v48, v3;
	v57 =	vadd.f32 v8, v54;
	v56 =	vadd.f32 v6, v12  }
0x273: {  	(xrf2) =	vadd.scan.msk.f32 $0xffff, v1;
	v1 =	vadd.f32 v55, v2  }
0x274: {  	(xrf2) =	vadd.scan.msk.f32 $0xffff, v56;
	v2 =	vadd.f32 v3, v57;
	v3 =	vmul.f32 v53, v51  }
0x275: {  	(xrf2) =	vadd.scan.msk.f32 $0xffff, v1  }
0x276: {  	v1 =	vadd.f32 v3, v2;
	_ =	sdelay $0x1  }
0x277: {  	(xrf2) =	vadd.scan.msk.f32 $0xffff, v1;
	_ =	sdelay $0x4  }
0x278: {  	s16 =	simm.s32 $0x3;
	s30 =	simm.s32 $0x0;
	s3 =	simm.s32 $0x2;
	v1, _, _ =	vpop (xrf2)  }
0x279: {  	s3 =	sand.u32 $0xE, s3;
	s0 =	sand.u32 $0xF, s16;
	s16 =	sand.u32 $0xC, s30;
	v2, _, _ =	vpop (xrf2)  }
0x27a: {  	s15 =	simm.s32 $0x1;
	v60 =	vmov s3;
	v61 =	vmov s16;
	v59, _, _ =	vpop (xrf2)  }
0x27b: {  	s17 =	sand.u32 $0xD, s15;
	vm14 =	veq.s32 v60, v0;
	vm0 =	veq.s32 v61, v0;
	v5 =	vbroadcast v59, $0xF  }
0x27c: {  	v62 =	vmov s17;
	v3 =	vimm.f32 $0.0e+00;
	v2 =	vbroadcast v2, $0xF  }
0x27d: {  	vm1 =	veq.s32 v62, v0;
	v1 =	vbroadcast v1, $0xF;
	v63, _, _ =	vpop (xrf2);
	v3 =	vsel vm0, v5, v3  }
0x27e: {  	v58 =	vmov s0;
	v2 =	vsel vm1, v2, v3;
	v3 =	vbroadcast v63, $0xF  }
0x27f: {  	vm15 =	veq.s32 v58, v0;
	v1 =	vsel vm14, v1, v2  }
0x280: {  	s31 =	simm.s32 $0x18574;
	p0 =	sne.s32 s0, $0xF;
	v1 =	vsel vm15, v3, v1  }
0x281: {  	s0 =	simm.s32 $0x700;
	[tilespmem:s31+$0x0] =	vst @!p0 v1  }
.LBB2_8:
0x282: {  	v7 =	vld [tilespmem:s0+$0x70];
	s29 =	sadd.s32 $0x200, s29;
	s3 =	smov.u32 s30  }
0x283: {  	v8 =	vld [tilespmem:s29+$0x70]  }
0x284: {  	v2 =	vld [tilespmem:s0+$0xE0]  }
0x285: {  	v9 =	vld [tilespmem:s0+$0x60]  }
0x286: {  	v10 =	vld [tilespmem:s29+$0x60]  }
0x287: {  	v11 =	vld [tilespmem:s0+$0xFFFFFFF0]  }
0x288: {  	v12 =	vld [tilespmem:s29+$0xFFFFFFF0]  }
0x289: {  	v3 =	vld [tilespmem:s0+$0xD0]  }
0x28a: {  	v4 =	vld [tilespmem:s29+$0xD0]  }
0x28b: {  	v13 =	vld [tilespmem:s0+$0x50]  }
0x28c: {  	v14 =	vld [tilespmem:s29+$0x50]  }
0x28d: {  	v15 =	vld [tilespmem:s0+$0xFFFFFFE0]  }
0x28e: {  	v16 =	vld [tilespmem:s29+$0xFFFFFFE0]  }
0x28f: {  	v5 =	vld [tilespmem:s0+$0xC0]  }
0x290: {  	v6 =	vld [tilespmem:s29+$0xC0]  }
0x291: {  	v17 =	vld [tilespmem:s0+$0x40]  }
0x292: {  	v18 =	vld [tilespmem:s29+$0x40]  }
0x293: {  	v19 =	vld [tilespmem:s0+$0xFFFFFFD0]  }
0x294: {  	v20 =	vld [tilespmem:s29+$0xFFFFFFD0]  }
0x295: {  	v21 =	vld [tilespmem:s0+$0xB0]  }
0x296: {  	v22 =	vld [tilespmem:s29+$0xB0]  }
0x297: {  	v23 =	vld [tilespmem:s0+$0x30]  }
0x298: {  	v24 =	vld [tilespmem:s29+$0x30]  }
0x299: {  	v25 =	vld [tilespmem:s0+$0xFFFFFFC0]  }
0x29a: {  	v26 =	vld [tilespmem:s29+$0xFFFFFFC0]  }
0x29b: {  	v27 =	vld [tilespmem:s0+$0xA0]  }
0x29c: {  	v28 =	vld [tilespmem:s29+$0xA0]  }
0x29d: {  	v29 =	vld [tilespmem:s0+$0x20]  }
0x29e: {  	v30 =	vld [tilespmem:s29+$0x20]  }
0x29f: {  	v31 =	vld [tilespmem:s0+$0xFFFFFFB0]  }
0x2a0: {  	v32 =	vld [tilespmem:s29+$0xFFFFFFB0]  }
0x2a1: {  	v33 =	vld [tilespmem:s0+$0x80]  }
0x2a2: {  	v34 =	vld [tilespmem:s29+$0x80]  }
0x2a3: {  	v35 =	vld [tilespmem:s0+$0x90]  }
0x2a4: {  	v36 =	vld [tilespmem:s29+$0x90]  }
0x2a5: {  	v37 =	vld [tilespmem:s29+$0x0]  }
0x2a6: {  	v38 =	vld [tilespmem:s0+$0x0]  }
0x2a7: {  	v39 =	vld [tilespmem:s0+$0x10]  }
0x2a8: {  	v40 =	vld [tilespmem:s29+$0x10]  }
0x2a9: {  	v41 =	vld [tilespmem:s0+$0xFFFFFFA0]  }
0x2aa: {  	v42 =	vld [tilespmem:s29+$0xFFFFFFA0]  }
0x2ab: {  	v43 =	vld [tilespmem:s0+$0xFFFFFF80]  }
0x2ac: {  	v44 =	vld [tilespmem:s29+$0xFFFFFF80]  }
0x2ad: {  	v45 =	vld [tilespmem:s0+$0xFFFFFF90]  }
0x2ae: {  	v46 =	vld [tilespmem:s29+$0xFFFFFF90]  }
0x2af: {  	v47 =	vld [tilespmem:s0+$0xFFFFFF00]  }
0x2b0: {  	v7 =	vmul.f32 v8, v7;
	v9 =	vmul.f32 v10, v9;
	v8 =	vld [tilespmem:s29+$0xFFFFFF00]  }
0x2b1: {  	v10 =	vmul.f32 v37, v38;
	v37 =	vmul.f32 v40, v39;
	v38 =	vld [tilespmem:s0+$0xFFFFFF10]  }
0x2b2: {  	v11 =	vmul.f32 v12, v11;
	v13 =	vmul.f32 v14, v13;
	v12 =	vld [tilespmem:s29+$0xFFFFFF10]  }
0x2b3: {  	v15 =	vmul.f32 v16, v15;
	v14 =	vmul.f32 v30, v29;
	v10 =	vadd.f32 v37, v10;
	v16 =	vld [tilespmem:s0+$0xFFFFFF20]  }
0x2b4: {  	v29 =	vmul.f32 v44, v43;
	v30 =	vmul.f32 v46, v45;
	v37 =	vld [tilespmem:s29+$0xFFFFFF20]  }
0x2b5: {  	v17 =	vmul.f32 v18, v17;
	v10 =	vadd.f32 v14, v10;
	v14 =	vmul.f32 v24, v23;
	v18 =	vld [tilespmem:s0+$0xFFFFFF30]  }
0x2b6: {  	v19 =	vmul.f32 v20, v19;
	v24 =	vmul.f32 v42, v41;
	v23 =	vadd.f32 v30, v29;
	v20 =	vld [tilespmem:s29+$0xFFFFFF30]  }
0x2b7: {  	v10 =	vadd.f32 v14, v10;
	v8 =	vmul.f32 v8, v47;
	v12 =	vmul.f32 v12, v38;
	v14 =	vld [tilespmem:s0+$0xFFFFFF40]  }
0x2b8: {  	v25 =	vmul.f32 v26, v25;
	v23 =	vadd.f32 v24, v23;
	v24 =	vmul.f32 v32, v31;
	v26 =	vld [tilespmem:s29+$0xFFFFFF40]  }
0x2b9: {  	v10 =	vadd.f32 v17, v10;
	v8 =	vadd.f32 v12, v8;
	v12 =	vmul.f32 v37, v16;
	v16 =	vld [tilespmem:s0+$0xFFFFFF50]  }
0x2ba: {  	v29 =	vmul.f32 v36, v35;
	v17 =	vadd.f32 v24, v23;
	v24 =	vmul.f32 v34, v33;
	v23 =	vld [tilespmem:s29+$0xFFFFFF50]  }
0x2bb: {  	v10 =	vadd.f32 v13, v10;
	v8 =	vadd.f32 v12, v8;
	v12 =	vmul.f32 v20, v18;
	v13 =	vld [tilespmem:s0+$0xFFFFFF60]  }
0x2bc: {  	v17 =	vadd.f32 v25, v17;
	v20 =	vadd.f32 v29, v24;
	v24 =	vmul.f32 v28, v27;
	v18 =	vld [tilespmem:s29+$0xFFFFFF60]  }
0x2bd: {  	v9 =	vadd.f32 v9, v10;
	v8 =	vadd.f32 v12, v8;
	v10 =	vmul.f32 v26, v14;
	v12 =	vld [tilespmem:s0+$0xFFFFFF70]  }
0x2be: {  	v14 =	vadd.f32 v19, v17;
	v19 =	vadd.f32 v24, v20;
	v20 =	vmul.f32 v22, v21;
	v17 =	vld [tilespmem:s29+$0xFFFFFF70]  }
0x2bf: {  	v7 =	vadd.f32 v7, v9;
	v8 =	vadd.f32 v10, v8;
	v9 =	vmul.f32 v23, v16;
	v10 =	vld [tilespmem:s29+$0xE0]  }
0x2c0: {  	v5 =	vmul.f32 v6, v5;
	v14 =	vadd.f32 v15, v14;
	v15 =	vadd.f32 v20, v19;
	v6 =	vld [tilespmem:s0+$0xF0]  }
0x2c1: {  	v8 =	vadd.f32 v9, v8;
	v9 =	vmul.f32 v18, v13;
	v13 =	vld [tilespmem:s29+$0xF0];
	(xrf2) =	vadd.scan.msk.f32 $0xffff, v7  }
0x2c2: {  	v3 =	vmul.f32 v4, v3;
	v7 =	vadd.f32 v11, v14;
	v5 =	vadd.f32 v5, v15  }
0x2c3: {  	v4 =	vadd.f32 v9, v8;
	v8 =	vmul.f32 v17, v12  }
0x2c4: {  	v3 =	vadd.f32 v3, v5;
	v2 =	vmul.f32 v10, v2;
	(xrf2) =	vadd.scan.msk.f32 $0xffff, v7  }
0x2c5: {  	v4 =	vadd.f32 v8, v4  }
0x2c6: {  	v2 =	vadd.f32 v2, v3;
	v3 =	vmul.f32 v13, v6  }
0x2c7: {  	(xrf2) =	vadd.scan.msk.f32 $0xffff, v4  }
0x2c8: {  	v3 =	vadd.f32 v3, v2;
	_ =	sdelay $0x1  }
0x2c9: {  	(xrf2) =	vadd.scan.msk.f32 $0xffff, v3  }
0x2ca: {  	v2, _, _ =	vpop (xrf2);
	_ =	sdelay $0x2  }
0x2cb: {  	v3, _, _ =	vpop (xrf2)  }
0x2cc: {  	s15 =	sadd.s32 $0x7, s30  }
0x2cd: {  	s30 =	sadd.s32 $0x4, s30;
	s16 =	sadd.s32 $0x6, s3;
	s15 =	sand.u32 $0xF, s15  }
0x2ce: {  	s3 =	sadd.s32 $0x5, s3;
	s17 =	sand.u32 $0xC, s30;
	s16 =	sand.u32 $0xE, s16;
	v4 =	vmov s15;
	v5, _, _ =	vpop (xrf2)  }
0x2cf: {  	p0 =	slt.u32 s30, $0x7C;
	s3 =	sand.u32 $0xD, s3;
	v7 =	vmov s17;
	v6 =	vmov s16;
	v9 =	vbroadcast v5, $0xF  }
0x2d0: {  	v8 =	vmov s3;
	vm0 =	veq.s32 v7, v0;
	v3 =	vbroadcast v3, $0xF  }
.Ltmp3:
0x2d1: {  	vm1 =	veq.s32 v8, v0;
	v2 =	vbroadcast v2, $0xF;
	v1 =	vsel vm0, v9, v1;
	v5, _, _ =	vpop (xrf2);
	(pc) =	sbr.rel @p0 .LBB2_8-.Ltmp3, $4  }
0x2d2: {  	vm0 =	veq.s32 v6, v0;
	v1 =	vsel vm1, v3, v1;
	v3 =	vbroadcast v5, $0xF  }
0x2d3: {  	v1 =	vsel vm0, v2, v1;
	vm0 =	veq.s32 v4, v0  }
0x2d4: {  	s31 =	sadd.s32 $0x4, s31;
	p1 =	sne.s32 s15, $0xF;
	v1 =	vsel vm0, v3, v1  }
0x2d5: {  	s0 =	sadd.s32 $0x200, s0;
	[tilespmem:s31+$0x0] =	vst @!p1 v1  }
0x2d6: {  	s28 =	sadd.s32 $0x1, s28  }
0x2d7: {  	p0 =	sne.s32 s28, s8  }
.Ltmp4:
0x2d8: {  	_ = 	snop;
	(pc) =	sbr.rel @p0 .LBB2_1-.Ltmp4, $4  }
0x2d9: {  	[hbm4b:s7+s4] =	stream.linear.scatter [tilespmem:s25], [sflag:$0x4], $0x200, $0x38;
	[tilespmem:$0x18600] =	vst v63  }
0x2da: {  	_ =	swait.ge [sflag:s26], $0x200  }
0x2db: {  	[sflag:s26] =	ssyncset.done $0x0  }
0x2dc: {  	[sflag:s26] =	ssyncadd.s32 $0xFFFFFE00  }
0x2dd: {  	_ =	sfence.sel $0x180000  }
0x2de: {  	[bflag:$0x0] =	sbarrier.arrive $0xFFFF  }
0x2df: {  	_ =	strace $0x90000047  }
0x2e0: {  	s0 =	stileid.u32;
	[bflag:$0x2] =	sbarrier.arrive $0xFFFF  }
0x2e1: {  	p0 =	sne.s32 s0, $0x0;
	s0 =	rddreg [dreg:$0x5]  }
0x2e2: {  	s0 =	sadd.s32 @!p0 $0x100000, s0  }
0x2e3: {  	[sflag:s0] =	ssyncadd.tile.s32 @!p0 $0x1;
	_ =	shalt  }
.Lfunc_end2:
_tile_overlayer_lowered:
.L_overlay_start_2:
0x2e4: {  	(tag) =	ssettag $0x2  }
0x2e5: {  	s0 =	rddreg [dreg:$0x0];
	s2 =	stileid.u32  }
0x2e6: {  	s1 =	rddreg [dreg:$0x1];
	p0 =	sne.s32 s2, $0x0  }
0x2e7: {  	s3 =	rddreg [dreg:$0x2];
	[bflag:$0x3] =	sbarrier.arrive $0xFFFF;
	s2 =	simm.s32 @!p0 $0x1C04  }
0x2e8: {  	[timem:s3], [sflag:s2] =	dma.local @!p0 [hbm:s0], s1  }
0x2e9: {  	s0 =	simm.s32 @!p0 $0x4  }
0x2ea: {  	_ =	swait.ge @!p0 [sflag:s0], s1  }
0x2eb: {  	s1 =	ssub.s32 @!p0 $0x0, s1;
	[sflag:s0] =	ssyncset.done @!p0 $0x0  }
0x2ec: {  	[sflag:s0] =	ssyncadd.s32 @!p0 s1  }
0x2ed: {  	[bflag:$0x3] =	sbarrier.arrive $0xFFFF  }
0x2ee: {  	_ =	shalt  }

</sc_bundles>
